<compile_context>
chip_gen: v7x
topology: tpu7x:2x2x1
jax: 0.10.2.dev20260603
libtpu: 0.0.44.dev20260713+nightly
codegen_flags: <defaults>
</compile_context>

<pallas_src>
import functools

import jax
import jax.numpy as jnp
from jax import lax
from jax.experimental import pallas as pl
from jax.experimental.pallas import tpu as pltpu
from jax.experimental.pallas import tpu_sc as plsc

B, N, D, E, H = 32, 32768, 4, 2, 32
NV = N // 16


def _sc_select_kernel(ws_hbm, ks_hbm, out_hbm, data_v, hist_v, ibuf_v,
                      ks_v, sem):
    b = lax.axis_index("s") * 2 + lax.axis_index("c")
    lanes = lax.iota(jnp.int32, 16)
    ones16 = jnp.ones((16,), jnp.int32)
    zeros16 = jnp.zeros((16,), jnp.int32)
    lane_base = lanes * 2048

    row_dma = pltpu.async_copy(ws_hbm.at[pl.ds(b * N, N)], data_v, sem)

    def zero_hist():
        def zero_body(i, c):
            for u in range(8):
                hist_v[pl.ds((i * 8 + u) * 16, 16)] = zeros16
            return c

        lax.fori_loop(0, 16 * 2048 // 128, zero_body, jnp.int32(0))

    zero_hist()

    grp = (b // 16) * 16
    lane = b - grp
    pltpu.sync_copy(ks_hbm.at[pl.ds(grp, 16)], ks_v)
    k = jnp.sum(jnp.where(lanes == lane, ks_v[...], 0))
    k = jnp.clip(k, 1, N - 1)

    row_dma.wait()

    def p0_body(j, c):
        for u in range(8):
            sl = pl.ds((j * 8 + u) * 16, 16)
            w = lax.bitcast_convert_type(data_v[sl], jnp.int32)
            key = w ^ ((w >> 31) & jnp.int32(0x7FFFFFFF))
            key = jnp.where(key == -1, 0, key)
            data_v[sl] = lax.bitcast_convert_type(key, jnp.float32)
            digit = (key >> 21) + 1024
            plsc.addupdate_scatter(hist_v, [lane_base + digit], ones16)
        return c

    lax.fori_loop(0, NV // 8, p0_body, jnp.int32(0))

    def scan_level(kr, ngroups):
        def scan_body(gp, carry):
            run, beta, nabv = carry
            g = ngroups - 1 - gp
            h = jnp.zeros((16,), jnp.int32)
            for l in range(16):
                h = h + hist_v[pl.ds(l * 2048 + g * 16, 16)]
            c = jnp.cumsum(h)
            total = jnp.sum(h)
            sfx = run + total - c + h
            ok = (sfx >= kr).astype(jnp.int32)
            p = jnp.sum(ok) - 1
            found = (run < kr) & (run + total >= kr)
            sel = lanes == p
            sfx_p = jnp.sum(jnp.where(sel, sfx, 0))
            h_p = jnp.sum(jnp.where(sel, h, 0))
            beta = jnp.where(found, g * 16 + p, beta)
            nabv = jnp.where(found, sfx_p - h_p, nabv)
            return run + total, beta, nabv

        _, beta, nabv = lax.fori_loop(
            0, ngroups, scan_body,
            (jnp.int32(0), jnp.int32(0), jnp.int32(0)))
        return kr - nabv, beta

    kr, b0 = scan_level(k, 128)
    p0 = b0 - 1024
    zero_hist()

    def p1_body(j, cur):
        for u in range(8):
            jj = j * 8 + u
            key = lax.bitcast_convert_type(data_v[pl.ds(jj * 16, 16)],
                                           jnp.int32)
            match = (key >> 21) == p0
            digit = (key >> 10) & 2047
            plsc.addupdate_scatter(hist_v, [lane_base + digit], ones16,
                                   mask=match)
            plsc.store_compressed(ibuf_v.at[pl.ds(cur, 16)],
                                  jj * 16 + lanes, mask=match)
            cur = cur + jnp.sum(match.astype(jnp.int32))
        return cur

    nlist = lax.fori_loop(0, NV // 8, p1_body, jnp.int32(0))
    kr, b1 = scan_level(kr, 128)
    p01 = (p0 << 11) | b1
    zero_hist()

    nvec = (nlist + 15) >> 4

    def p2_body(v, c):
        idxv = ibuf_v[pl.ds(v * 16, 16)] & jnp.int32(N - 1)
        valid = (v * 16 + lanes) < nlist
        kf = plsc.load_gather(data_v, [idxv], mask=valid)
        key = lax.bitcast_convert_type(kf, jnp.int32)
        match = ((key >> 10) == p01) & valid
        digit = key & 1023
        plsc.addupdate_scatter(hist_v, [lane_base + digit], ones16,
                               mask=match)
        return c

    lax.fori_loop(0, nvec, p2_body, jnp.int32(0))
    kr, b2 = scan_level(kr, 64)
    t_val = (p0 << 21) | (b1 << 10) | b2
    m = kr

    def tie_body(v, carry):
        run, cval = carry
        idxv = ibuf_v[pl.ds(v * 16, 16)] & jnp.int32(N - 1)
        valid = (v * 16 + lanes) < nlist
        kf = plsc.load_gather(data_v, [idxv], mask=valid)
        key = lax.bitcast_convert_type(kf, jnp.int32)
        m16 = (key == t_val) & valid
        mi = m16.astype(jnp.int32)
        c16 = jnp.cumsum(mi)
        hit = m16 & ((run + c16) == m)
        cval = cval + jnp.sum(jnp.where(hit, idxv + 1, 0))
        return run + jnp.sum(mi), cval

    _, c_val = lax.fori_loop(0, nvec, tie_body,
                             (jnp.int32(0), jnp.int32(0)))

    ks_v[...] = jnp.where(lanes == 0, t_val,
                          jnp.where(lanes == 1, c_val, 0))
    pltpu.sync_copy(ks_v, out_hbm.at[pl.ds(b * 16, 16)])


def _reduce_kernel(t0_ref, t1_ref, t2_ref, t3_ref, ws_ref, land_ref,
                   tk_ref, ci_ref, b1_ref, w2_ref, b2_ref,
                   s_ref, cnt_ref, *, n_blk):
    step = pl.program_id(0)

    u = lax.bitcast_convert_type(ws_ref[...], jnp.int32)
    keys = u ^ ((u >> 31) & jnp.int32(0x7FFFFFFF))
    keys = jnp.where(keys == -1, 0, keys)
    gcol = (lax.broadcasted_iota(jnp.int32, (B, n_blk), 1) + step * n_blk)
    t_val = tk_ref[...]
    vis = (keys > t_val) | ((keys == t_val) & (gcol < ci_ref[...]))
    maskf = jnp.where(land_ref[...] & ~vis, jnp.float32(1.0),
                      jnp.float32(0.0))

    h = jax.nn.gelu(b1_ref[...])
    cvec = (jnp.sum(h[0, :, None] * w2_ref[...], axis=0, keepdims=True)
            + b2_ref[...])

    q = jnp.zeros((B, n_blk), jnp.float32)
    k2 = jnp.float32(0.0)
    for d, t_d in enumerate((t0_ref, t1_ref, t2_ref, t3_ref)):
        c0 = cvec[0:1, 2 * d:2 * d + 1]
        c1 = cvec[0:1, 2 * d + 1:2 * d + 2]
        t = t_d[...]
        q += 0.5 * (jnp.abs(c0 - t) + jnp.abs(c1 - t))
        k2 += 0.25 * jnp.abs(c0 - c1)[0, 0]

    @pl.when(step == 0)
    def _():
        s_ref[...] = jnp.zeros_like(s_ref)
        cnt_ref[...] = jnp.zeros_like(cnt_ref)

    pcnt = jnp.sum(maskf, axis=1, keepdims=True)
    s_ref[...] += jnp.sum(maskf * q, axis=1, keepdims=True) - k2 * pcnt
    cnt_ref[...] += pcnt


@jax.jit
def kernel(tokens, ws, ks, land_sea_mask, W1, b1, W2, b2):
    del W1

    sc_select = pl.kernel(
        _sc_select_kernel,
        out_type=jax.ShapeDtypeStruct((B * 16,), jnp.int32),
        mesh=plsc.VectorSubcoreMesh(core_axis_name="c",
                                    subcore_axis_name="s"),
        compiler_params=pltpu.CompilerParams(needs_layout_passes=False),
        scratch_types=[
            pltpu.VMEM((N,), jnp.float32),
            pltpu.VMEM((16 * 2048,), jnp.int32),
            pltpu.VMEM((N + 16,), jnp.int32),
            pltpu.VMEM((16,), jnp.int32),
            pltpu.SemaphoreType.DMA,
        ],
    )
    sel = sc_select(ws.reshape(B * N), ks.astype(jnp.int32)).reshape(B, 16)
    t_sel = sel[:, 0:1]
    c_sel = sel[:, 1:2]

    n_chunks = 8
    n_blk = N // n_chunks
    col_spec = pl.BlockSpec((B, n_blk), lambda j: (0, j))
    full_spec = pl.BlockSpec((B, 1), lambda j: (0, 0))
    s_sum, cnt = pl.pallas_call(
        functools.partial(_reduce_kernel, n_blk=n_blk),
        grid=(n_chunks,),
        in_specs=[col_spec, col_spec, col_spec, col_spec, col_spec, col_spec,
                  full_spec, full_spec,
                  pl.BlockSpec((1, H), lambda j: (0, 0)),
                  pl.BlockSpec((H, D * E), lambda j: (0, 0)),
                  pl.BlockSpec((1, D * E), lambda j: (0, 0))],
        out_specs=(full_spec, full_spec),
        out_shape=(
            jax.ShapeDtypeStruct((B, 1), jnp.float32),
            jax.ShapeDtypeStruct((B, 1), jnp.float32),
        ),
    )(tokens[:, :, 0], tokens[:, :, 1], tokens[:, :, 2], tokens[:, :, 3],
      ws, land_sea_mask.reshape(B, N),
      t_sel, c_sel, b1.reshape(1, H), W2, b2.reshape(1, D * E))

    return jnp.sum(s_sum / cnt) / (B * D)

# --- scband reference (transcript-rebuilt; emitter-appended) ---
"""Pipeline reference for scband-discrete-diffusion-30004641530329 (READ-ONLY COPY).

The authoritative reference and input builder live on the scoring server;
editing this copy changes nothing except your own understanding.
"""

import jax, jax.numpy as jnp
import numpy as np

B, N, D, E, H = 32, 32768, 4, 2, 32
NUM_ELEMENTS = N * D


def setup_inputs(seed: int = 0) -> dict:
    key = jax.random.key(seed)
    k = jax.random.split(key, 6)
    tokens = jax.random.normal(k[0], (B, N, D), dtype=jnp.float32)
    # ws = gumbel noise + dirichlet marginals summed (precomputed stochastic weights)
    ws = jax.random.normal(k[1], (B, N), dtype=jnp.float32)
    ks = jax.random.randint(k[2], (B,), 0, N - 1, dtype=jnp.int32)
    land_sea_mask = jnp.ones((B, N, 1), dtype=bool)
    # MaskedPredictor params: 2-layer MLP on [masked tokens, visibility flag]
    W1 = jax.random.normal(k[3], (D + 1, H), dtype=jnp.float32) * 0.1
    b1 = jnp.zeros((H,), dtype=jnp.float32)
    W2 = jax.random.normal(k[4], (H, D * E), dtype=jnp.float32) * 0.1
    b2 = jnp.zeros((D * E,), dtype=jnp.float32)
    return {"tokens": tokens, "ws": ws, "ks": ks, "land_sea_mask": land_sea_mask,
            "W1": W1, "b1": b1, "W2": W2, "b2": b2}


def binary_topk(ws, ks):
    # index = argsort descending; topk = ks > pos; scatter back to original order
    index = jnp.argsort(-ws, axis=-1)
    pos = jnp.arange(ws.shape[-1])[None, :]
    topk = ks[:, None] > pos
    binary = jnp.zeros(ws.shape, dtype=bool)
    binary = binary.at[jnp.arange(ws.shape[0])[:, None], index].set(topk)
    return binary


def masked_predictor(tokens, visible, W1, b1, W2, b2):
    vis_f = visible.astype(tokens.dtype)
    xin = jnp.concatenate([tokens * vis_f, vis_f], axis=-1)
    h = jax.nn.gelu(xin @ W1 + b1)
    return h @ W2 + b2


def f_kernel_crps(y, ens):
    # ens: [B, N, D, M]; kernel CRPS: E|X - y| - 0.5 E|X - X'|
    term1 = jnp.mean(jnp.abs(ens - y[..., None]), axis=-1)
    diff = jnp.abs(ens[..., :, None] - ens[..., None, :])
    term2 = 0.5 * jnp.mean(diff, axis=(-1, -2))
    return term1 - term2


def reference(tokens, ws, ks, land_sea_mask, W1, b1, W2, b2):
    ks = jnp.clip(ks.astype(jnp.int32), 1, N - 1)  # k_from_rates clamp(1, num_tokens-1)
    visible = binary_topk(ws, ks)[..., None]  # [B, N, 1]
    pred = masked_predictor(tokens, visible, W1, b1, W2, b2)  # [B, N, D*E]
    ensemble = pred.reshape(B, N, D, E)  # '(b n) ... (d e) -> b ... d (n e)' with n=1
    score = f_kernel_crps(tokens, ensemble)  # [B, N, D]
    mask = jnp.logical_and(land_sea_mask, ~visible)
    mask = jnp.broadcast_to(mask, tokens.shape)  # 'b n d'
    rate_correction = jnp.sum(mask, axis=(1, 2)).reshape(B, 1, 1).astype(jnp.float32) / NUM_ELEMENTS
    loss = jnp.mean(score * mask / rate_correction)
    return loss

if __name__ == "__main__":
    import jax
    _d = setup_inputs()
    print(jax.jit(kernel)(*tuple(_d.values())))

</pallas_src>

<mosaic_0001>
#map = affine_map<(d0, d1) -> (0)>
module attributes {stable_mosaic.version = 14 : i64} {
  func.func @_sc_select_kernel(%arg0: i32, %arg1: i32, %arg2: memref<1048576xf32, #tpu.memory_space<hbm>>, %arg3: memref<32xi32, #tpu.memory_space<hbm>>, %arg4: memref<512xi32, #tpu.memory_space<hbm>>, %arg5: memref<32768xf32, #tpu.memory_space<vmem>>, %arg6: memref<32768xi32, #tpu.memory_space<vmem>>, %arg7: memref<32784xi32, #tpu.memory_space<vmem>>, %arg8: memref<16xi32, #tpu.memory_space<vmem>>, %arg9: memref<!tpu.dma_semaphore, #tpu.memory_space<semaphore_mem>>) attributes {dimension_semantics = [#tpu.dimension_semantics<core_parallel>, #tpu.dimension_semantics<subcore_parallel>], iteration_bounds = array<i64: 2, 16>, scalar_prefetch = 0 : i64, scratch_operands = 5 : i64, tpu.core_type = #tpu.core_type<sc_vector_subcore>, window_params = [{transform_indices = #map}, {transform_indices = #map}, {transform_indices = #map}]} {
    %mul3A = arith.constant 2 : i32
    %mul3A_0 = arith.muli %arg1, %mul3A : i32
    %add3A = arith.addi %mul3A_0, %arg0 : i32
    %iota3A = tpu.iota {dimensions = array<i32: 0>} : vector<16xi32>
    %broadcast_in_dim3A = arith.constant 1 : i32
    %broadcast_in_dim3A_1 = vector.broadcast %broadcast_in_dim3A : i32 to vector<16xi32>
    %broadcast_in_dim3A_2 = arith.constant 0 : i32
    %broadcast_in_dim3A_3 = vector.broadcast %broadcast_in_dim3A_2 : i32 to vector<16xi32>
    %mul3A_4 = arith.constant 2048 : i32
    %mul3A_5 = vector.broadcast %mul3A_4 : i32 to vector<16xi32>
    %mul3A_6 = arith.muli %iota3A, %mul3A_5 : vector<16xi32>
    %mul3A_7 = arith.constant 32768 : i32
    %mul3A_8 = arith.muli %add3A, %mul3A_7 : i32
    %dma_start3A = tpu.memref_slice %arg2[%mul3A_8] : memref<1048576xf32, #tpu.memory_space<hbm>> -> memref<32768xf32, #tpu.memory_space<hbm>>
    %dma_start3A_9 = tpu.memref_slice %arg2[%mul3A_8] : memref<1048576xf32, #tpu.memory_space<hbm>> -> memref<32768xf32, #tpu.memory_space<hbm>>
    tpu.enqueue_dma source(%dma_start3A_9 : memref<32768xf32, #tpu.memory_space<hbm>>) target(%arg5 : memref<32768xf32, #tpu.memory_space<vmem>>) target_semaphore(%arg9 : memref<!tpu.dma_semaphore, #tpu.memory_space<semaphore_mem>>)
    %scan3A = arith.constant 0 : i32
    %scan3A_10 = arith.constant 0 : i32
    %scan3A_11 = arith.constant 256 : i32
    %scan3A_12 = arith.addi %scan3A_10, %scan3A_11 : i32
    %scan3A_13 = arith.constant 1 : i32
    scf.for %scan3A_149 = %scan3A_10 to %scan3A_12 step %scan3A_13  : i32 {
      %mul3A_150 = arith.constant 8 : i32
      %mul3A_151 = arith.muli %scan3A_149, %mul3A_150 : i32
      %add3A_152 = arith.constant 0 : i32
      %add3A_153 = arith.addi %mul3A_151, %add3A_152 : i32
      %mul3A_154 = arith.constant 16 : i32
      %mul3A_155 = arith.muli %add3A_153, %mul3A_154 : i32
      %swap3A_156 = arith.index_cast %mul3A_155 : i32 to index
      %swap3A_157 = tpu.vector_load %arg6[%swap3A_156] {strides = array<i32>} : memref<32768xi32, #tpu.memory_space<vmem>>, vector<16xi32>,
      tpu.vector_store %arg6[%swap3A_156], %broadcast_in_dim3A_3 {strides = array<i32>} : memref<32768xi32, #tpu.memory_space<vmem>>, vector<16xi32>,
      %mul3A_158 = arith.constant 8 : i32
      %mul3A_159 = arith.muli %scan3A_149, %mul3A_158 : i32
      %add3A_160 = arith.constant 1 : i32
      %add3A_161 = arith.addi %mul3A_159, %add3A_160 : i32
      %mul3A_162 = arith.constant 16 : i32
      %mul3A_163 = arith.muli %add3A_161, %mul3A_162 : i32
      %swap3A_164 = arith.index_cast %mul3A_163 : i32 to index
      %swap3A_165 = tpu.vector_load %arg6[%swap3A_164] {strides = array<i32>} : memref<32768xi32, #tpu.memory_space<vmem>>, vector<16xi32>,
      tpu.vector_store %arg6[%swap3A_164], %broadcast_in_dim3A_3 {strides = array<i32>} : memref<32768xi32, #tpu.memory_space<vmem>>, vector<16xi32>,
      %mul3A_166 = arith.constant 8 : i32
      %mul3A_167 = arith.muli %scan3A_149, %mul3A_166 : i32
      %add3A_168 = arith.constant 2 : i32
      %add3A_169 = arith.addi %mul3A_167, %add3A_168 : i32
      %mul3A_170 = arith.constant 16 : i32
      %mul3A_171 = arith.muli %add3A_169, %mul3A_170 : i32
      %swap3A_172 = arith.index_cast %mul3A_171 : i32 to index
      %swap3A_173 = tpu.vector_load %arg6[%swap3A_172] {strides = array<i32>} : memref<32768xi32, #tpu.memory_space<vmem>>, vector<16xi32>,
      tpu.vector_store %arg6[%swap3A_172], %broadcast_in_dim3A_3 {strides = array<i32>} : memref<32768xi32, #tpu.memory_space<vmem>>, vector<16xi32>,
      %mul3A_174 = arith.constant 8 : i32
      %mul3A_175 = arith.muli %scan3A_149, %mul3A_174 : i32
      %add3A_176 = arith.constant 3 : i32
      %add3A_177 = arith.addi %mul3A_175, %add3A_176 : i32
      %mul3A_178 = arith.constant 16 : i32
      %mul3A_179 = arith.muli %add3A_177, %mul3A_178 : i32
      %swap3A_180 = arith.index_cast %mul3A_179 : i32 to index
      %swap3A_181 = tpu.vector_load %arg6[%swap3A_180] {strides = array<i32>} : memref<32768xi32, #tpu.memory_space<vmem>>, vector<16xi32>,
      tpu.vector_store %arg6[%swap3A_180], %broadcast_in_dim3A_3 {strides = array<i32>} : memref<32768xi32, #tpu.memory_space<vmem>>, vector<16xi32>,
      %mul3A_182 = arith.constant 8 : i32
      %mul3A_183 = arith.muli %scan3A_149, %mul3A_182 : i32
      %add3A_184 = arith.constant 4 : i32
      %add3A_185 = arith.addi %mul3A_183, %add3A_184 : i32
      %mul3A_186 = arith.constant 16 : i32
      %mul3A_187 = arith.muli %add3A_185, %mul3A_186 : i32
      %swap3A_188 = arith.index_cast %mul3A_187 : i32 to index
      %swap3A_189 = tpu.vector_load %arg6[%swap3A_188] {strides = array<i32>} : memref<32768xi32, #tpu.memory_space<vmem>>, vector<16xi32>,
      tpu.vector_store %arg6[%swap3A_188], %broadcast_in_dim3A_3 {strides = array<i32>} : memref<32768xi32, #tpu.memory_space<vmem>>, vector<16xi32>,
      %mul3A_190 = arith.constant 8 : i32
      %mul3A_191 = arith.muli %scan3A_149, %mul3A_190 : i32
      %add3A_192 = arith.constant 5 : i32
      %add3A_193 = arith.addi %mul3A_191, %add3A_192 : i32
      %mul3A_194 = arith.constant 16 : i32
      %mul3A_195 = arith.muli %add3A_193, %mul3A_194 : i32
      %swap3A_196 = arith.index_cast %mul3A_195 : i32 to index
      %swap3A_197 = tpu.vector_load %arg6[%swap3A_196] {strides = array<i32>} : memref<32768xi32, #tpu.memory_space<vmem>>, vector<16xi32>,
      tpu.vector_store %arg6[%swap3A_196], %broadcast_in_dim3A_3 {strides = array<i32>} : memref<32768xi32, #tpu.memory_space<vmem>>, vector<16xi32>,
      %mul3A_198 = arith.constant 8 : i32
      %mul3A_199 = arith.muli %scan3A_149, %mul3A_198 : i32
      %add3A_200 = arith.constant 6 : i32
      %add3A_201 = arith.addi %mul3A_199, %add3A_200 : i32
      %mul3A_202 = arith.constant 16 : i32
      %mul3A_203 = arith.muli %add3A_201, %mul3A_202 : i32
      %swap3A_204 = arith.index_cast %mul3A_203 : i32 to index
      %swap3A_205 = tpu.vector_load %arg6[%swap3A_204] {strides = array<i32>} : memref<32768xi32, #tpu.memory_space<vmem>>, vector<16xi32>,
      tpu.vector_store %arg6[%swap3A_204], %broadcast_in_dim3A_3 {strides = array<i32>} : memref<32768xi32, #tpu.memory_space<vmem>>, vector<16xi32>,
      %mul3A_206 = arith.constant 8 : i32
      %mul3A_207 = arith.muli %scan3A_149, %mul3A_206 : i32
      %add3A_208 = arith.constant 7 : i32
      %add3A_209 = arith.addi %mul3A_207, %add3A_208 : i32
      %mul3A_210 = arith.constant 16 : i32
      %mul3A_211 = arith.muli %add3A_209, %mul3A_210 : i32
      %swap3A_212 = arith.index_cast %mul3A_211 : i32 to index
      %swap3A_213 = tpu.vector_load %arg6[%swap3A_212] {strides = array<i32>} : memref<32768xi32, #tpu.memory_space<vmem>>, vector<16xi32>,
      tpu.vector_store %arg6[%swap3A_212], %broadcast_in_dim3A_3 {strides = array<i32>} : memref<32768xi32, #tpu.memory_space<vmem>>, vector<16xi32>,
    }
    %scan3A_14 = arith.constant 256 : i32
    %jit3A = arith.constant 16 : i32
    %div3A = arith.divsi %add3A, %jit3A : i32
    %sign3A = arith.constant 0 : i32
    %sign3A_15 = arith.cmpi sgt, %add3A, %sign3A : i32
    %sign3A_16 = arith.extui %sign3A_15 : i1 to i32
    %sign3A_17 = arith.constant 0 : i32
    %sign3A_18 = arith.cmpi slt, %add3A, %sign3A_17 : i32
    %sign3A_19 = arith.extui %sign3A_18 : i1 to i32
    %sign3A_20 = arith.subi %sign3A_16, %sign3A_19 : i32
    %sign3A_21 = arith.constant 0 : i32
    %sign3A_22 = arith.cmpi sgt, %jit3A, %sign3A_21 : i32
    %sign3A_23 = arith.extui %sign3A_22 : i1 to i32
    %sign3A_24 = arith.constant 0 : i32
    %sign3A_25 = arith.cmpi slt, %jit3A, %sign3A_24 : i32
    %sign3A_26 = arith.extui %sign3A_25 : i1 to i32
    %sign3A_27 = arith.subi %sign3A_23, %sign3A_26 : i32
    %ne3A = arith.cmpi ne, %sign3A_20, %sign3A_27 : i32
    %rem3A = arith.remsi %add3A, %jit3A : i32
    %ne3A_28 = arith.constant 0 : i32
    %ne3A_29 = arith.cmpi ne, %rem3A, %ne3A_28 : i32
    %and3A = arith.andi %ne3A, %ne3A_29 : i1
    %sub3A = arith.constant 1 : i32
    %sub3A_30 = arith.subi %div3A, %sub3A : i32
    %select_n3A = arith.select %and3A, %sub3A_30, %div3A : i32
    %mul3A_31 = arith.constant 16 : i32
    %mul3A_32 = arith.muli %select_n3A, %mul3A_31 : i32
    %sub3A_33 = arith.subi %add3A, %mul3A_32 : i32
    "tpu.region"() ({
      %run_scoped3A = tpu.sem_alloc : memref<!tpu.dma_semaphore, #tpu.memory_space<semaphore_mem>>
      %dma_start3A_149 = tpu.memref_slice %arg3[%mul3A_32] : memref<32xi32, #tpu.memory_space<hbm>> -> memref<16xi32, #tpu.memory_space<hbm>>
      %dma_start3A_150 = tpu.memref_slice %arg3[%mul3A_32] : memref<32xi32, #tpu.memory_space<hbm>> -> memref<16xi32, #tpu.memory_space<hbm>>
      tpu.enqueue_dma source(%dma_start3A_150 : memref<16xi32, #tpu.memory_space<hbm>>) target(%arg8 : memref<16xi32, #tpu.memory_space<vmem>>) target_semaphore(%run_scoped3A : memref<!tpu.dma_semaphore, #tpu.memory_space<semaphore_mem>>)
      %dma_wait3A_151 = tpu.memref_slice %arg3[%mul3A_32] : memref<32xi32, #tpu.memory_space<hbm>> -> memref<16xi32, #tpu.memory_space<hbm>>
      %dma_wait3A_152 = tpu.memref_slice %arg3[%mul3A_32] : memref<32xi32, #tpu.memory_space<hbm>> -> memref<16xi32, #tpu.memory_space<hbm>>
      tpu.wait_dma2 semaphore(%run_scoped3A : memref<!tpu.dma_semaphore, #tpu.memory_space<semaphore_mem>>) src(%dma_wait3A_152 : memref<16xi32, #tpu.memory_space<hbm>>) dst(%arg8 : memref<16xi32, #tpu.memory_space<vmem>>)
      tpu.yield
    }) : () -> ()
    %eq3A = vector.broadcast %sub3A_33 : i32 to vector<16xi32>
    %eq3A_34 = arith.cmpi eq, %iota3A, %eq3A : vector<16xi32>
    %get3A = arith.constant 0 : index
    %get3A_35 = tpu.vector_load %arg8[%get3A] {strides = array<i32>} : memref<16xi32, #tpu.memory_space<vmem>>, vector<16xi32>,
    %jit3A_36 = arith.constant 0 : i32
    %broadcast_in_dim3A_37 = vector.broadcast %jit3A_36 : i32 to vector<16xi32>
    %select_n3A_38 = arith.select %eq3A_34, %get3A_35, %broadcast_in_dim3A_37 : vector<16xi1>, vector<16xi32>
    %reduce_sum3A = arith.constant true
    %reduce_sum3A_39 = vector.broadcast %reduce_sum3A : i1 to vector<16xi1>
    %reduce_sum3A_40 = tpu.scan <sum>, %select_n3A_38 masked %reduce_sum3A_39 : vector<16xi32>, vector<16xi1> -> vector<16xi32>
    %reduce_sum3A_41 = vector.extract %reduce_sum3A_40[15] : i32 from vector<16xi32>
    %jit3A_42 = arith.constant 1 : i32
    %jit3A_43 = arith.constant 32767 : i32
    %max3A = arith.maxsi %jit3A_42, %reduce_sum3A_41 : i32
    %min3A = arith.minsi %jit3A_43, %max3A : i32
    %dma_wait3A = tpu.memref_slice %arg2[%mul3A_8] : memref<1048576xf32, #tpu.memory_space<hbm>> -> memref<32768xf32, #tpu.memory_space<hbm>>
    %dma_wait3A_44 = tpu.memref_slice %arg2[%mul3A_8] : memref<1048576xf32, #tpu.memory_space<hbm>> -> memref<32768xf32, #tpu.memory_space<hbm>>
    tpu.wait_dma2 semaphore(%arg9 : memref<!tpu.dma_semaphore, #tpu.memory_space<semaphore_mem>>) src(%dma_wait3A_44 : memref<32768xf32, #tpu.memory_space<hbm>>) dst(%arg5 : memref<32768xf32, #tpu.memory_space<vmem>>)
    %scan3A_45 = arith.constant 0 : i32
    %scan3A_46 = arith.constant 0 : i32
    %scan3A_47 = arith.constant 256 : i32
    %scan3A_48 = arith.addi %scan3A_46, %scan3A_47 : i32
    %scan3A_49 = arith.constant 1 : i32
    scf.for %scan3A_149 = %scan3A_46 to %scan3A_48 step %scan3A_49  : i32 {
      %mul3A_150 = arith.constant 8 : i32
      %mul3A_151 = arith.muli %scan3A_149, %mul3A_150 : i32
      %add3A_152 = arith.constant 0 : i32
      %add3A_153 = arith.addi %mul3A_151, %add3A_152 : i32
      %mul3A_154 = arith.constant 16 : i32
      %mul3A_155 = arith.muli %add3A_153, %mul3A_154 : i32
      %get3A_156 = arith.index_cast %mul3A_155 : i32 to index
      %get3A_157 = tpu.vector_load %arg5[%get3A_156] {strides = array<i32>} : memref<32768xf32, #tpu.memory_space<vmem>>, vector<16xf32>,
      %bitcast_convert_type3A = tpu.bitcast %get3A_157 : vector<16xf32> -> vector<16xi32>
      %shift_right_arithmetic3A_158 = arith.constant 31 : i32
      %shift_right_arithmetic3A_159 = vector.broadcast %shift_right_arithmetic3A_158 : i32 to vector<16xi32>
      %shift_right_arithmetic3A_160 = arith.shrsi %bitcast_convert_type3A, %shift_right_arithmetic3A_159 : vector<16xi32>
      %and3A_161 = arith.constant 2147483647 : i32
      %and3A_162 = vector.broadcast %and3A_161 : i32 to vector<16xi32>
      %and3A_163 = arith.andi %shift_right_arithmetic3A_160, %and3A_162 : vector<16xi32>
      %xor3A = arith.xori %bitcast_convert_type3A, %and3A_163 : vector<16xi32>
      %eq3A_164 = arith.constant -1 : i32
      %eq3A_165 = vector.broadcast %eq3A_164 : i32 to vector<16xi32>
      %eq3A_166 = arith.cmpi eq, %xor3A, %eq3A_165 : vector<16xi32>
      %jit3A_167 = arith.constant 0 : i32
      %broadcast_in_dim3A_168 = vector.broadcast %jit3A_167 : i32 to vector<16xi32>
      %select_n3A_169 = arith.select %eq3A_166, %broadcast_in_dim3A_168, %xor3A : vector<16xi1>, vector<16xi32>
      %bitcast_convert_type3A_170 = tpu.bitcast %select_n3A_169 : vector<16xi32> -> vector<16xf32>
      %swap3A_171 = arith.index_cast %mul3A_155 : i32 to index
      %swap3A_172 = tpu.vector_load %arg5[%swap3A_171] {strides = array<i32>} : memref<32768xf32, #tpu.memory_space<vmem>>, vector<16xf32>,
      tpu.vector_store %arg5[%swap3A_171], %bitcast_convert_type3A_170 {strides = array<i32>} : memref<32768xf32, #tpu.memory_space<vmem>>, vector<16xf32>,
      %shift_right_arithmetic3A_173 = arith.constant 21 : i32
      %shift_right_arithmetic3A_174 = vector.broadcast %shift_right_arithmetic3A_173 : i32 to vector<16xi32>
      %shift_right_arithmetic3A_175 = arith.shrsi %select_n3A_169, %shift_right_arithmetic3A_174 : vector<16xi32>
      %add3A_176 = arith.constant 1024 : i32
      %add3A_177 = vector.broadcast %add3A_176 : i32 to vector<16xi32>
      %add3A_178 = arith.addi %shift_right_arithmetic3A_175, %add3A_177 : vector<16xi32>
      %add3A_179 = arith.addi %mul3A_6, %add3A_178 : vector<16xi32>
      tpu.vector_store_idx %arg6[%add3A_179], %broadcast_in_dim3A_1 {add = true} : memref<32768xi32, #tpu.memory_space<vmem>>[vector<16xi32>], vector<16xi32>,
      %mul3A_180 = arith.constant 8 : i32
      %mul3A_181 = arith.muli %scan3A_149, %mul3A_180 : i32
      %add3A_182 = arith.constant 1 : i32
      %add3A_183 = arith.addi %mul3A_181, %add3A_182 : i32
      %mul3A_184 = arith.constant 16 : i32
      %mul3A_185 = arith.muli %add3A_183, %mul3A_184 : i32
      %get3A_186 = arith.index_cast %mul3A_185 : i32 to index
      %get3A_187 = tpu.vector_load %arg5[%get3A_186] {strides = array<i32>} : memref<32768xf32, #tpu.memory_space<vmem>>, vector<16xf32>,
      %bitcast_convert_type3A_188 = tpu.bitcast %get3A_187 : vector<16xf32> -> vector<16xi32>
      %shift_right_arithmetic3A_189 = arith.constant 31 : i32
      %shift_right_arithmetic3A_190 = vector.broadcast %shift_right_arithmetic3A_189 : i32 to vector<16xi32>
      %shift_right_arithmetic3A_191 = arith.shrsi %bitcast_convert_type3A_188, %shift_right_arithmetic3A_190 : vector<16xi32>
      %and3A_192 = arith.constant 2147483647 : i32
      %and3A_193 = vector.broadcast %and3A_192 : i32 to vector<16xi32>
      %and3A_194 = arith.andi %shift_right_arithmetic3A_191, %and3A_193 : vector<16xi32>
      %xor3A_195 = arith.xori %bitcast_convert_type3A_188, %and3A_194 : vector<16xi32>
      %eq3A_196 = arith.constant -1 : i32
      %eq3A_197 = vector.broadcast %eq3A_196 : i32 to vector<16xi32>
      %eq3A_198 = arith.cmpi eq, %xor3A_195, %eq3A_197 : vector<16xi32>
      %jit3A_199 = arith.constant 0 : i32
      %broadcast_in_dim3A_200 = vector.broadcast %jit3A_199 : i32 to vector<16xi32>
      %select_n3A_201 = arith.select %eq3A_198, %broadcast_in_dim3A_200, %xor3A_195 : vector<16xi1>, vector<16xi32>
      %bitcast_convert_type3A_202 = tpu.bitcast %select_n3A_201 : vector<16xi32> -> vector<16xf32>
      %swap3A_203 = arith.index_cast %mul3A_185 : i32 to index
      %swap3A_204 = tpu.vector_load %arg5[%swap3A_203] {strides = array<i32>} : memref<32768xf32, #tpu.memory_space<vmem>>, vector<16xf32>,
      tpu.vector_store %arg5[%swap3A_203], %bitcast_convert_type3A_202 {strides = array<i32>} : memref<32768xf32, #tpu.memory_space<vmem>>, vector<16xf32>,
      %shift_right_arithmetic3A_205 = arith.constant 21 : i32
      %shift_right_arithmetic3A_206 = vector.broadcast %shift_right_arithmetic3A_205 : i32 to vector<16xi32>
      %shift_right_arithmetic3A_207 = arith.shrsi %select_n3A_201, %shift_right_arithmetic3A_206 : vector<16xi32>
      %add3A_208 = arith.constant 1024 : i32
      %add3A_209 = vector.broadcast %add3A_208 : i32 to vector<16xi32>
      %add3A_210 = arith.addi %shift_right_arithmetic3A_207, %add3A_209 : vector<16xi32>
      %add3A_211 = arith.addi %mul3A_6, %add3A_210 : vector<16xi32>
      tpu.vector_store_idx %arg6[%add3A_211], %broadcast_in_dim3A_1 {add = true} : memref<32768xi32, #tpu.memory_space<vmem>>[vector<16xi32>], vector<16xi32>,
      %mul3A_212 = arith.constant 8 : i32
      %mul3A_213 = arith.muli %scan3A_149, %mul3A_212 : i32
      %add3A_214 = arith.constant 2 : i32
      %add3A_215 = arith.addi %mul3A_213, %add3A_214 : i32
      %mul3A_216 = arith.constant 16 : i32
      %mul3A_217 = arith.muli %add3A_215, %mul3A_216 : i32
      %get3A_218 = arith.index_cast %mul3A_217 : i32 to index
      %get3A_219 = tpu.vector_load %arg5[%get3A_218] {strides = array<i32>} : memref<32768xf32, #tpu.memory_space<vmem>>, vector<16xf32>,
      %bitcast_convert_type3A_220 = tpu.bitcast %get3A_219 : vector<16xf32> -> vector<16xi32>
      %shift_right_arithmetic3A_221 = arith.constant 31 : i32
      %shift_right_arithmetic3A_222 = vector.broadcast %shift_right_arithmetic3A_221 : i32 to vector<16xi32>
      %shift_right_arithmetic3A_223 = arith.shrsi %bitcast_convert_type3A_220, %shift_right_arithmetic3A_222 : vector<16xi32>
      %and3A_224 = arith.constant 2147483647 : i32
      %and3A_225 = vector.broadcast %and3A_224 : i32 to vector<16xi32>
      %and3A_226 = arith.andi %shift_right_arithmetic3A_223, %and3A_225 : vector<16xi32>
      %xor3A_227 = arith.xori %bitcast_convert_type3A_220, %and3A_226 : vector<16xi32>
      %eq3A_228 = arith.constant -1 : i32
      %eq3A_229 = vector.broadcast %eq3A_228 : i32 to vector<16xi32>
      %eq3A_230 = arith.cmpi eq, %xor3A_227, %eq3A_229 : vector<16xi32>
      %jit3A_231 = arith.constant 0 : i32
      %broadcast_in_dim3A_232 = vector.broadcast %jit3A_231 : i32 to vector<16xi32>
      %select_n3A_233 = arith.select %eq3A_230, %broadcast_in_dim3A_232, %xor3A_227 : vector<16xi1>, vector<16xi32>
      %bitcast_convert_type3A_234 = tpu.bitcast %select_n3A_233 : vector<16xi32> -> vector<16xf32>
      %swap3A_235 = arith.index_cast %mul3A_217 : i32 to index
      %swap3A_236 = tpu.vector_load %arg5[%swap3A_235] {strides = array<i32>} : memref<32768xf32, #tpu.memory_space<vmem>>, vector<16xf32>,
      tpu.vector_store %arg5[%swap3A_235], %bitcast_convert_type3A_234 {strides = array<i32>} : memref<32768xf32, #tpu.memory_space<vmem>>, vector<16xf32>,
      %shift_right_arithmetic3A_237 = arith.constant 21 : i32
      %shift_right_arithmetic3A_238 = vector.broadcast %shift_right_arithmetic3A_237 : i32 to vector<16xi32>
      %shift_right_arithmetic3A_239 = arith.shrsi %select_n3A_233, %shift_right_arithmetic3A_238 : vector<16xi32>
      %add3A_240 = arith.constant 1024 : i32
      %add3A_241 = vector.broadcast %add3A_240 : i32 to vector<16xi32>
      %add3A_242 = arith.addi %shift_right_arithmetic3A_239, %add3A_241 : vector<16xi32>
      %add3A_243 = arith.addi %mul3A_6, %add3A_242 : vector<16xi32>
      tpu.vector_store_idx %arg6[%add3A_243], %broadcast_in_dim3A_1 {add = true} : memref<32768xi32, #tpu.memory_space<vmem>>[vector<16xi32>], vector<16xi32>,
      %mul3A_244 = arith.constant 8 : i32
      %mul3A_245 = arith.muli %scan3A_149, %mul3A_244 : i32
      %add3A_246 = arith.constant 3 : i32
      %add3A_247 = arith.addi %mul3A_245, %add3A_246 : i32
      %mul3A_248 = arith.constant 16 : i32
      %mul3A_249 = arith.muli %add3A_247, %mul3A_248 : i32
      %get3A_250 = arith.index_cast %mul3A_249 : i32 to index
      %get3A_251 = tpu.vector_load %arg5[%get3A_250] {strides = array<i32>} : memref<32768xf32, #tpu.memory_space<vmem>>, vector<16xf32>,
      %bitcast_convert_type3A_252 = tpu.bitcast %get3A_251 : vector<16xf32> -> vector<16xi32>
      %shift_right_arithmetic3A_253 = arith.constant 31 : i32
      %shift_right_arithmetic3A_254 = vector.broadcast %shift_right_arithmetic3A_253 : i32 to vector<16xi32>
      %shift_right_arithmetic3A_255 = arith.shrsi %bitcast_convert_type3A_252, %shift_right_arithmetic3A_254 : vector<16xi32>
      %and3A_256 = arith.constant 2147483647 : i32
      %and3A_257 = vector.broadcast %and3A_256 : i32 to vector<16xi32>
      %and3A_258 = arith.andi %shift_right_arithmetic3A_255, %and3A_257 : vector<16xi32>
      %xor3A_259 = arith.xori %bitcast_convert_type3A_252, %and3A_258 : vector<16xi32>
      %eq3A_260 = arith.constant -1 : i32
      %eq3A_261 = vector.broadcast %eq3A_260 : i32 to vector<16xi32>
      %eq3A_262 = arith.cmpi eq, %xor3A_259, %eq3A_261 : vector<16xi32>
      %jit3A_263 = arith.constant 0 : i32
      %broadcast_in_dim3A_264 = vector.broadcast %jit3A_263 : i32 to vector<16xi32>
      %select_n3A_265 = arith.select %eq3A_262, %broadcast_in_dim3A_264, %xor3A_259 : vector<16xi1>, vector<16xi32>
      %bitcast_convert_type3A_266 = tpu.bitcast %select_n3A_265 : vector<16xi32> -> vector<16xf32>
      %swap3A_267 = arith.index_cast %mul3A_249 : i32 to index
      %swap3A_268 = tpu.vector_load %arg5[%swap3A_267] {strides = array<i32>} : memref<32768xf32, #tpu.memory_space<vmem>>, vector<16xf32>,
      tpu.vector_store %arg5[%swap3A_267], %bitcast_convert_type3A_266 {strides = array<i32>} : memref<32768xf32, #tpu.memory_space<vmem>>, vector<16xf32>,
      %shift_right_arithmetic3A_269 = arith.constant 21 : i32
      %shift_right_arithmetic3A_270 = vector.broadcast %shift_right_arithmetic3A_269 : i32 to vector<16xi32>
      %shift_right_arithmetic3A_271 = arith.shrsi %select_n3A_265, %shift_right_arithmetic3A_270 : vector<16xi32>
      %add3A_272 = arith.constant 1024 : i32
      %add3A_273 = vector.broadcast %add3A_272 : i32 to vector<16xi32>
      %add3A_274 = arith.addi %shift_right_arithmetic3A_271, %add3A_273 : vector<16xi32>
      %add3A_275 = arith.addi %mul3A_6, %add3A_274 : vector<16xi32>
      tpu.vector_store_idx %arg6[%add3A_275], %broadcast_in_dim3A_1 {add = true} : memref<32768xi32, #tpu.memory_space<vmem>>[vector<16xi32>], vector<16xi32>,
      %mul3A_276 = arith.constant 8 : i32
      %mul3A_277 = arith.muli %scan3A_149, %mul3A_276 : i32
      %add3A_278 = arith.constant 4 : i32
      %add3A_279 = arith.addi %mul3A_277, %add3A_278 : i32
      %mul3A_280 = arith.constant 16 : i32
      %mul3A_281 = arith.muli %add3A_279, %mul3A_280 : i32
      %get3A_282 = arith.index_cast %mul3A_281 : i32 to index
      %get3A_283 = tpu.vector_load %arg5[%get3A_282] {strides = array<i32>} : memref<32768xf32, #tpu.memory_space<vmem>>, vector<16xf32>,
      %bitcast_convert_type3A_284 = tpu.bitcast %get3A_283 : vector<16xf32> -> vector<16xi32>
      %shift_right_arithmetic3A_285 = arith.constant 31 : i32
      %shift_right_arithmetic3A_286 = vector.broadcast %shift_right_arithmetic3A_285 : i32 to vector<16xi32>
      %shift_right_arithmetic3A_287 = arith.shrsi %bitcast_convert_type3A_284, %shift_right_arithmetic3A_286 : vector<16xi32>
      %and3A_288 = arith.constant 2147483647 : i32
      %and3A_289 = vector.broadcast %and3A_288 : i32 to vector<16xi32>
      %and3A_290 = arith.andi %shift_right_arithmetic3A_287, %and3A_289 : vector<16xi32>
      %xor3A_291 = arith.xori %bitcast_convert_type3A_284, %and3A_290 : vector<16xi32>
      %eq3A_292 = arith.constant -1 : i32
      %eq3A_293 = vector.broadcast %eq3A_292 : i32 to vector<16xi32>
      %eq3A_294 = arith.cmpi eq, %xor3A_291, %eq3A_293 : vector<16xi32>
      %jit3A_295 = arith.constant 0 : i32
      %broadcast_in_dim3A_296 = vector.broadcast %jit3A_295 : i32 to vector<16xi32>
      %select_n3A_297 = arith.select %eq3A_294, %broadcast_in_dim3A_296, %xor3A_291 : vector<16xi1>, vector<16xi32>
      %bitcast_convert_type3A_298 = tpu.bitcast %select_n3A_297 : vector<16xi32> -> vector<16xf32>
      %swap3A_299 = arith.index_cast %mul3A_281 : i32 to index
      %swap3A_300 = tpu.vector_load %arg5[%swap3A_299] {strides = array<i32>} : memref<32768xf32, #tpu.memory_space<vmem>>, vector<16xf32>,
      tpu.vector_store %arg5[%swap3A_299], %bitcast_convert_type3A_298 {strides = array<i32>} : memref<32768xf32, #tpu.memory_space<vmem>>, vector<16xf32>,
      %shift_right_arithmetic3A_301 = arith.constant 21 : i32
      %shift_right_arithmetic3A_302 = vector.broadcast %shift_right_arithmetic3A_301 : i32 to vector<16xi32>
      %shift_right_arithmetic3A_303 = arith.shrsi %select_n3A_297, %shift_right_arithmetic3A_302 : vector<16xi32>
      %add3A_304 = arith.constant 1024 : i32
      %add3A_305 = vector.broadcast %add3A_304 : i32 to vector<16xi32>
      %add3A_306 = arith.addi %shift_right_arithmetic3A_303, %add3A_305 : vector<16xi32>
      %add3A_307 = arith.addi %mul3A_6, %add3A_306 : vector<16xi32>
      tpu.vector_store_idx %arg6[%add3A_307], %broadcast_in_dim3A_1 {add = true} : memref<32768xi32, #tpu.memory_space<vmem>>[vector<16xi32>], vector<16xi32>,
      %mul3A_308 = arith.constant 8 : i32
      %mul3A_309 = arith.muli %scan3A_149, %mul3A_308 : i32
      %add3A_310 = arith.constant 5 : i32
      %add3A_311 = arith.addi %mul3A_309, %add3A_310 : i32
      %mul3A_312 = arith.constant 16 : i32
      %mul3A_313 = arith.muli %add3A_311, %mul3A_312 : i32
      %get3A_314 = arith.index_cast %mul3A_313 : i32 to index
      %get3A_315 = tpu.vector_load %arg5[%get3A_314] {strides = array<i32>} : memref<32768xf32, #tpu.memory_space<vmem>>, vector<16xf32>,
      %bitcast_convert_type3A_316 = tpu.bitcast %get3A_315 : vector<16xf32> -> vector<16xi32>
      %shift_right_arithmetic3A_317 = arith.constant 31 : i32
      %shift_right_arithmetic3A_318 = vector.broadcast %shift_right_arithmetic3A_317 : i32 to vector<16xi32>
      %shift_right_arithmetic3A_319 = arith.shrsi %bitcast_convert_type3A_316, %shift_right_arithmetic3A_318 : vector<16xi32>
      %and3A_320 = arith.constant 2147483647 : i32
      %and3A_321 = vector.broadcast %and3A_320 : i32 to vector<16xi32>
      %and3A_322 = arith.andi %shift_right_arithmetic3A_319, %and3A_321 : vector<16xi32>
      %xor3A_323 = arith.xori %bitcast_convert_type3A_316, %and3A_322 : vector<16xi32>
      %eq3A_324 = arith.constant -1 : i32
      %eq3A_325 = vector.broadcast %eq3A_324 : i32 to vector<16xi32>
      %eq3A_326 = arith.cmpi eq, %xor3A_323, %eq3A_325 : vector<16xi32>
      %jit3A_327 = arith.constant 0 : i32
      %broadcast_in_dim3A_328 = vector.broadcast %jit3A_327 : i32 to vector<16xi32>
      %select_n3A_329 = arith.select %eq3A_326, %broadcast_in_dim3A_328, %xor3A_323 : vector<16xi1>, vector<16xi32>
      %bitcast_convert_type3A_330 = tpu.bitcast %select_n3A_329 : vector<16xi32> -> vector<16xf32>
      %swap3A_331 = arith.index_cast %mul3A_313 : i32 to index
      %swap3A_332 = tpu.vector_load %arg5[%swap3A_331] {strides = array<i32>} : memref<32768xf32, #tpu.memory_space<vmem>>, vector<16xf32>,
      tpu.vector_store %arg5[%swap3A_331], %bitcast_convert_type3A_330 {strides = array<i32>} : memref<32768xf32, #tpu.memory_space<vmem>>, vector<16xf32>,
      %shift_right_arithmetic3A_333 = arith.constant 21 : i32
      %shift_right_arithmetic3A_334 = vector.broadcast %shift_right_arithmetic3A_333 : i32 to vector<16xi32>
      %shift_right_arithmetic3A_335 = arith.shrsi %select_n3A_329, %shift_right_arithmetic3A_334 : vector<16xi32>
      %add3A_336 = arith.constant 1024 : i32
      %add3A_337 = vector.broadcast %add3A_336 : i32 to vector<16xi32>
      %add3A_338 = arith.addi %shift_right_arithmetic3A_335, %add3A_337 : vector<16xi32>
      %add3A_339 = arith.addi %mul3A_6, %add3A_338 : vector<16xi32>
      tpu.vector_store_idx %arg6[%add3A_339], %broadcast_in_dim3A_1 {add = true} : memref<32768xi32, #tpu.memory_space<vmem>>[vector<16xi32>], vector<16xi32>,
      %mul3A_340 = arith.constant 8 : i32
      %mul3A_341 = arith.muli %scan3A_149, %mul3A_340 : i32
      %add3A_342 = arith.constant 6 : i32
      %add3A_343 = arith.addi %mul3A_341, %add3A_342 : i32
      %mul3A_344 = arith.constant 16 : i32
      %mul3A_345 = arith.muli %add3A_343, %mul3A_344 : i32
      %get3A_346 = arith.index_cast %mul3A_345 : i32 to index
      %get3A_347 = tpu.vector_load %arg5[%get3A_346] {strides = array<i32>} : memref<32768xf32, #tpu.memory_space<vmem>>, vector<16xf32>,
      %bitcast_convert_type3A_348 = tpu.bitcast %get3A_347 : vector<16xf32> -> vector<16xi32>
      %shift_right_arithmetic3A_349 = arith.constant 31 : i32
      %shift_right_arithmetic3A_350 = vector.broadcast %shift_right_arithmetic3A_349 : i32 to vector<16xi32>
      %shift_right_arithmetic3A_351 = arith.shrsi %bitcast_convert_type3A_348, %shift_right_arithmetic3A_350 : vector<16xi32>
      %and3A_352 = arith.constant 2147483647 : i32
      %and3A_353 = vector.broadcast %and3A_352 : i32 to vector<16xi32>
      %and3A_354 = arith.andi %shift_right_arithmetic3A_351, %and3A_353 : vector<16xi32>
      %xor3A_355 = arith.xori %bitcast_convert_type3A_348, %and3A_354 : vector<16xi32>
      %eq3A_356 = arith.constant -1 : i32
      %eq3A_357 = vector.broadcast %eq3A_356 : i32 to vector<16xi32>
      %eq3A_358 = arith.cmpi eq, %xor3A_355, %eq3A_357 : vector<16xi32>
      %jit3A_359 = arith.constant 0 : i32
      %broadcast_in_dim3A_360 = vector.broadcast %jit3A_359 : i32 to vector<16xi32>
      %select_n3A_361 = arith.select %eq3A_358, %broadcast_in_dim3A_360, %xor3A_355 : vector<16xi1>, vector<16xi32>
      %bitcast_convert_type3A_362 = tpu.bitcast %select_n3A_361 : vector<16xi32> -> vector<16xf32>
      %swap3A_363 = arith.index_cast %mul3A_345 : i32 to index
      %swap3A_364 = tpu.vector_load %arg5[%swap3A_363] {strides = array<i32>} : memref<32768xf32, #tpu.memory_space<vmem>>, vector<16xf32>,
      tpu.vector_store %arg5[%swap3A_363], %bitcast_convert_type3A_362 {strides = array<i32>} : memref<32768xf32, #tpu.memory_space<vmem>>, vector<16xf32>,
      %shift_right_arithmetic3A_365 = arith.constant 21 : i32
      %shift_right_arithmetic3A_366 = vector.broadcast %shift_right_arithmetic3A_365 : i32 to vector<16xi32>
      %shift_right_arithmetic3A_367 = arith.shrsi %select_n3A_361, %shift_right_arithmetic3A_366 : vector<16xi32>
      %add3A_368 = arith.constant 1024 : i32
      %add3A_369 = vector.broadcast %add3A_368 : i32 to vector<16xi32>
      %add3A_370 = arith.addi %shift_right_arithmetic3A_367, %add3A_369 : vector<16xi32>
      %add3A_371 = arith.addi %mul3A_6, %add3A_370 : vector<16xi32>
      tpu.vector_store_idx %arg6[%add3A_371], %broadcast_in_dim3A_1 {add = true} : memref<32768xi32, #tpu.memory_space<vmem>>[vector<16xi32>], vector<16xi32>,
      %mul3A_372 = arith.constant 8 : i32
      %mul3A_373 = arith.muli %scan3A_149, %mul3A_372 : i32
      %add3A_374 = arith.constant 7 : i32
      %add3A_375 = arith.addi %mul3A_373, %add3A_374 : i32
      %mul3A_376 = arith.constant 16 : i32
      %mul3A_377 = arith.muli %add3A_375, %mul3A_376 : i32
      %get3A_378 = arith.index_cast %mul3A_377 : i32 to index
      %get3A_379 = tpu.vector_load %arg5[%get3A_378] {strides = array<i32>} : memref<32768xf32, #tpu.memory_space<vmem>>, vector<16xf32>,
      %bitcast_convert_type3A_380 = tpu.bitcast %get3A_379 : vector<16xf32> -> vector<16xi32>
      %shift_right_arithmetic3A_381 = arith.constant 31 : i32
      %shift_right_arithmetic3A_382 = vector.broadcast %shift_right_arithmetic3A_381 : i32 to vector<16xi32>
      %shift_right_arithmetic3A_383 = arith.shrsi %bitcast_convert_type3A_380, %shift_right_arithmetic3A_382 : vector<16xi32>
      %and3A_384 = arith.constant 2147483647 : i32
      %and3A_385 = vector.broadcast %and3A_384 : i32 to vector<16xi32>
      %and3A_386 = arith.andi %shift_right_arithmetic3A_383, %and3A_385 : vector<16xi32>
      %xor3A_387 = arith.xori %bitcast_convert_type3A_380, %and3A_386 : vector<16xi32>
      %eq3A_388 = arith.constant -1 : i32
      %eq3A_389 = vector.broadcast %eq3A_388 : i32 to vector<16xi32>
      %eq3A_390 = arith.cmpi eq, %xor3A_387, %eq3A_389 : vector<16xi32>
      %jit3A_391 = arith.constant 0 : i32
      %broadcast_in_dim3A_392 = vector.broadcast %jit3A_391 : i32 to vector<16xi32>
      %select_n3A_393 = arith.select %eq3A_390, %broadcast_in_dim3A_392, %xor3A_387 : vector<16xi1>, vector<16xi32>
      %bitcast_convert_type3A_394 = tpu.bitcast %select_n3A_393 : vector<16xi32> -> vector<16xf32>
      %swap3A_395 = arith.index_cast %mul3A_377 : i32 to index
      %swap3A_396 = tpu.vector_load %arg5[%swap3A_395] {strides = array<i32>} : memref<32768xf32, #tpu.memory_space<vmem>>, vector<16xf32>,
      tpu.vector_store %arg5[%swap3A_395], %bitcast_convert_type3A_394 {strides = array<i32>} : memref<32768xf32, #tpu.memory_space<vmem>>, vector<16xf32>,
      %shift_right_arithmetic3A_397 = arith.constant 21 : i32
      %shift_right_arithmetic3A_398 = vector.broadcast %shift_right_arithmetic3A_397 : i32 to vector<16xi32>
      %shift_right_arithmetic3A_399 = arith.shrsi %select_n3A_393, %shift_right_arithmetic3A_398 : vector<16xi32>
      %add3A_400 = arith.constant 1024 : i32
      %add3A_401 = vector.broadcast %add3A_400 : i32 to vector<16xi32>
      %add3A_402 = arith.addi %shift_right_arithmetic3A_399, %add3A_401 : vector<16xi32>
      %add3A_403 = arith.addi %mul3A_6, %add3A_402 : vector<16xi32>
      tpu.vector_store_idx %arg6[%add3A_403], %broadcast_in_dim3A_1 {add = true} : memref<32768xi32, #tpu.memory_space<vmem>>[vector<16xi32>], vector<16xi32>,
    }
    %scan3A_50 = arith.constant 256 : i32
    %scan3A_51 = arith.constant 0 : i32
    %scan3A_52 = arith.constant 0 : i32
    %scan3A_53 = arith.constant 0 : i32
    %scan3A_54 = arith.constant 0 : i32
    %scan3A_55 = arith.constant 128 : i32
    %scan3A_56 = arith.addi %scan3A_54, %scan3A_55 : i32
    %scan3A_57 = arith.constant 1 : i32
    %scan3A_58:3 = scf.for %scan3A_149 = %scan3A_54 to %scan3A_56 step %scan3A_57 iter_args(%scan3A_150 = %scan3A_51, %scan3A_151 = %scan3A_52, %scan3A_152 = %scan3A_53) -> (i32, i32, i32)  : i32 {
      %sub3A_153 = arith.constant 127 : i32
      %sub3A_154 = arith.subi %sub3A_153, %scan3A_149 : i32
      %broadcast_in_dim3A_155 = arith.constant 0 : i32
      %broadcast_in_dim3A_156 = vector.broadcast %broadcast_in_dim3A_155 : i32 to vector<16xi32>
      %mul3A_157 = arith.constant 16 : i32
      %mul3A_158 = arith.muli %sub3A_154, %mul3A_157 : i32
      %add3A_159 = arith.constant 0 : i32
      %add3A_160 = arith.addi %add3A_159, %mul3A_158 : i32
      %get3A_161 = arith.index_cast %add3A_160 : i32 to index
      %get3A_162 = tpu.vector_load %arg6[%get3A_161] {strides = array<i32>} : memref<32768xi32, #tpu.memory_space<vmem>>, vector<16xi32>,
      %add3A_163 = arith.addi %broadcast_in_dim3A_156, %get3A_162 : vector<16xi32>
      %mul3A_164 = arith.constant 16 : i32
      %mul3A_165 = arith.muli %sub3A_154, %mul3A_164 : i32
      %add3A_166 = arith.constant 2048 : i32
      %add3A_167 = arith.addi %add3A_166, %mul3A_165 : i32
      %get3A_168 = arith.index_cast %add3A_167 : i32 to index
      %get3A_169 = tpu.vector_load %arg6[%get3A_168] {strides = array<i32>} : memref<32768xi32, #tpu.memory_space<vmem>>, vector<16xi32>,
      %add3A_170 = arith.addi %add3A_163, %get3A_169 : vector<16xi32>
      %mul3A_171 = arith.constant 16 : i32
      %mul3A_172 = arith.muli %sub3A_154, %mul3A_171 : i32
      %add3A_173 = arith.constant 4096 : i32
      %add3A_174 = arith.addi %add3A_173, %mul3A_172 : i32
      %get3A_175 = arith.index_cast %add3A_174 : i32 to index
      %get3A_176 = tpu.vector_load %arg6[%get3A_175] {strides = array<i32>} : memref<32768xi32, #tpu.memory_space<vmem>>, vector<16xi32>,
      %add3A_177 = arith.addi %add3A_170, %get3A_176 : vector<16xi32>
      %mul3A_178 = arith.constant 16 : i32
      %mul3A_179 = arith.muli %sub3A_154, %mul3A_178 : i32
      %add3A_180 = arith.constant 6144 : i32
      %add3A_181 = arith.addi %add3A_180, %mul3A_179 : i32
      %get3A_182 = arith.index_cast %add3A_181 : i32 to index
      %get3A_183 = tpu.vector_load %arg6[%get3A_182] {strides = array<i32>} : memref<32768xi32, #tpu.memory_space<vmem>>, vector<16xi32>,
      %add3A_184 = arith.addi %add3A_177, %get3A_183 : vector<16xi32>
      %mul3A_185 = arith.constant 16 : i32
      %mul3A_186 = arith.muli %sub3A_154, %mul3A_185 : i32
      %add3A_187 = arith.constant 8192 : i32
      %add3A_188 = arith.addi %add3A_187, %mul3A_186 : i32
      %get3A_189 = arith.index_cast %add3A_188 : i32 to index
      %get3A_190 = tpu.vector_load %arg6[%get3A_189] {strides = array<i32>} : memref<32768xi32, #tpu.memory_space<vmem>>, vector<16xi32>,
      %add3A_191 = arith.addi %add3A_184, %get3A_190 : vector<16xi32>
      %mul3A_192 = arith.constant 16 : i32
      %mul3A_193 = arith.muli %sub3A_154, %mul3A_192 : i32
      %add3A_194 = arith.constant 10240 : i32
      %add3A_195 = arith.addi %add3A_194, %mul3A_193 : i32
      %get3A_196 = arith.index_cast %add3A_195 : i32 to index
      %get3A_197 = tpu.vector_load %arg6[%get3A_196] {strides = array<i32>} : memref<32768xi32, #tpu.memory_space<vmem>>, vector<16xi32>,
      %add3A_198 = arith.addi %add3A_191, %get3A_197 : vector<16xi32>
      %mul3A_199 = arith.constant 16 : i32
      %mul3A_200 = arith.muli %sub3A_154, %mul3A_199 : i32
      %add3A_201 = arith.constant 12288 : i32
      %add3A_202 = arith.addi %add3A_201, %mul3A_200 : i32
      %get3A_203 = arith.index_cast %add3A_202 : i32 to index
      %get3A_204 = tpu.vector_load %arg6[%get3A_203] {strides = array<i32>} : memref<32768xi32, #tpu.memory_space<vmem>>, vector<16xi32>,
      %add3A_205 = arith.addi %add3A_198, %get3A_204 : vector<16xi32>
      %mul3A_206 = arith.constant 16 : i32
      %mul3A_207 = arith.muli %sub3A_154, %mul3A_206 : i32
      %add3A_208 = arith.constant 14336 : i32
      %add3A_209 = arith.addi %add3A_208, %mul3A_207 : i32
      %get3A_210 = arith.index_cast %add3A_209 : i32 to index
      %get3A_211 = tpu.vector_load %arg6[%get3A_210] {strides = array<i32>} : memref<32768xi32, #tpu.memory_space<vmem>>, vector<16xi32>,
      %add3A_212 = arith.addi %add3A_205, %get3A_211 : vector<16xi32>
      %mul3A_213 = arith.constant 16 : i32
      %mul3A_214 = arith.muli %sub3A_154, %mul3A_213 : i32
      %add3A_215 = arith.constant 16384 : i32
      %add3A_216 = arith.addi %add3A_215, %mul3A_214 : i32
      %get3A_217 = arith.index_cast %add3A_216 : i32 to index
      %get3A_218 = tpu.vector_load %arg6[%get3A_217] {strides = array<i32>} : memref<32768xi32, #tpu.memory_space<vmem>>, vector<16xi32>,
      %add3A_219 = arith.addi %add3A_212, %get3A_218 : vector<16xi32>
      %mul3A_220 = arith.constant 16 : i32
      %mul3A_221 = arith.muli %sub3A_154, %mul3A_220 : i32
      %add3A_222 = arith.constant 18432 : i32
      %add3A_223 = arith.addi %add3A_222, %mul3A_221 : i32
      %get3A_224 = arith.index_cast %add3A_223 : i32 to index
      %get3A_225 = tpu.vector_load %arg6[%get3A_224] {strides = array<i32>} : memref<32768xi32, #tpu.memory_space<vmem>>, vector<16xi32>,
      %add3A_226 = arith.addi %add3A_219, %get3A_225 : vector<16xi32>
      %mul3A_227 = arith.constant 16 : i32
      %mul3A_228 = arith.muli %sub3A_154, %mul3A_227 : i32
      %add3A_229 = arith.constant 20480 : i32
      %add3A_230 = arith.addi %add3A_229, %mul3A_228 : i32
      %get3A_231 = arith.index_cast %add3A_230 : i32 to index
      %get3A_232 = tpu.vector_load %arg6[%get3A_231] {strides = array<i32>} : memref<32768xi32, #tpu.memory_space<vmem>>, vector<16xi32>,
      %add3A_233 = arith.addi %add3A_226, %get3A_232 : vector<16xi32>
      %mul3A_234 = arith.constant 16 : i32
      %mul3A_235 = arith.muli %sub3A_154, %mul3A_234 : i32
      %add3A_236 = arith.constant 22528 : i32
      %add3A_237 = arith.addi %add3A_236, %mul3A_235 : i32
      %get3A_238 = arith.index_cast %add3A_237 : i32 to index
      %get3A_239 = tpu.vector_load %arg6[%get3A_238] {strides = array<i32>} : memref<32768xi32, #tpu.memory_space<vmem>>, vector<16xi32>,
      %add3A_240 = arith.addi %add3A_233, %get3A_239 : vector<16xi32>
      %mul3A_241 = arith.constant 16 : i32
      %mul3A_242 = arith.muli %sub3A_154, %mul3A_241 : i32
      %add3A_243 = arith.constant 24576 : i32
      %add3A_244 = arith.addi %add3A_243, %mul3A_242 : i32
      %get3A_245 = arith.index_cast %add3A_244 : i32 to index
      %get3A_246 = tpu.vector_load %arg6[%get3A_245] {strides = array<i32>} : memref<32768xi32, #tpu.memory_space<vmem>>, vector<16xi32>,
      %add3A_247 = arith.addi %add3A_240, %get3A_246 : vector<16xi32>
      %mul3A_248 = arith.constant 16 : i32
      %mul3A_249 = arith.muli %sub3A_154, %mul3A_248 : i32
      %add3A_250 = arith.constant 26624 : i32
      %add3A_251 = arith.addi %add3A_250, %mul3A_249 : i32
      %get3A_252 = arith.index_cast %add3A_251 : i32 to index
      %get3A_253 = tpu.vector_load %arg6[%get3A_252] {strides = array<i32>} : memref<32768xi32, #tpu.memory_space<vmem>>, vector<16xi32>,
      %add3A_254 = arith.addi %add3A_247, %get3A_253 : vector<16xi32>
      %mul3A_255 = arith.constant 16 : i32
      %mul3A_256 = arith.muli %sub3A_154, %mul3A_255 : i32
      %add3A_257 = arith.constant 28672 : i32
      %add3A_258 = arith.addi %add3A_257, %mul3A_256 : i32
      %get3A_259 = arith.index_cast %add3A_258 : i32 to index
      %get3A_260 = tpu.vector_load %arg6[%get3A_259] {strides = array<i32>} : memref<32768xi32, #tpu.memory_space<vmem>>, vector<16xi32>,
      %add3A_261 = arith.addi %add3A_254, %get3A_260 : vector<16xi32>
      %mul3A_262 = arith.constant 16 : i32
      %mul3A_263 = arith.muli %sub3A_154, %mul3A_262 : i32
      %add3A_264 = arith.constant 30720 : i32
      %add3A_265 = arith.addi %add3A_264, %mul3A_263 : i32
      %get3A_266 = arith.index_cast %add3A_265 : i32 to index
      %get3A_267 = tpu.vector_load %arg6[%get3A_266] {strides = array<i32>} : memref<32768xi32, #tpu.memory_space<vmem>>, vector<16xi32>,
      %add3A_268 = arith.addi %add3A_261, %get3A_267 : vector<16xi32>
      %cumsum3A = arith.constant true
      %cumsum3A_269 = vector.broadcast %cumsum3A : i1 to vector<16xi1>
      %cumsum3A_270 = tpu.scan <sum>, %add3A_268 masked %cumsum3A_269 : vector<16xi32>, vector<16xi1> -> vector<16xi32>
      %reduce_sum3A_271 = arith.constant true
      %reduce_sum3A_272 = vector.broadcast %reduce_sum3A_271 : i1 to vector<16xi1>
      %reduce_sum3A_273 = tpu.scan <sum>, %add3A_268 masked %reduce_sum3A_272 : vector<16xi32>, vector<16xi1> -> vector<16xi32>
      %reduce_sum3A_274 = vector.extract %reduce_sum3A_273[15] : i32 from vector<16xi32>
      %add3A_275 = arith.addi %scan3A_150, %reduce_sum3A_274 : i32
      %sub3A_276 = vector.broadcast %add3A_275 : i32 to vector<16xi32>
      %sub3A_277 = arith.subi %sub3A_276, %cumsum3A_270 : vector<16xi32>
      %add3A_278 = arith.addi %sub3A_277, %add3A_268 : vector<16xi32>
      %ge3A = vector.broadcast %min3A : i32 to vector<16xi32>
      %ge3A_279 = arith.cmpi sge, %add3A_278, %ge3A : vector<16xi32>
      %convert_element_type3A = arith.extui %ge3A_279 : vector<16xi1> to vector<16xi32>
      %reduce_sum3A_280 = arith.constant true
      %reduce_sum3A_281 = vector.broadcast %reduce_sum3A_280 : i1 to vector<16xi1>
      %reduce_sum3A_282 = tpu.scan <sum>, %convert_element_type3A masked %reduce_sum3A_281 : vector<16xi32>, vector<16xi1> -> vector<16xi32>
      %reduce_sum3A_283 = vector.extract %reduce_sum3A_282[15] : i32 from vector<16xi32>
      %sub3A_284 = arith.constant 1 : i32
      %sub3A_285 = arith.subi %reduce_sum3A_283, %sub3A_284 : i32
      %lt3A = arith.cmpi slt, %scan3A_150, %min3A : i32
      %add3A_286 = arith.addi %scan3A_150, %reduce_sum3A_274 : i32
      %ge3A_287 = arith.cmpi sge, %add3A_286, %min3A : i32
      %and3A_288 = arith.andi %lt3A, %ge3A_287 : i1
      %eq3A_289 = vector.broadcast %sub3A_285 : i32 to vector<16xi32>
      %eq3A_290 = arith.cmpi eq, %iota3A, %eq3A_289 : vector<16xi32>
      %jit3A_291 = arith.constant 0 : i32
      %broadcast_in_dim3A_292 = vector.broadcast %jit3A_291 : i32 to vector<16xi32>
      %select_n3A_293 = arith.select %eq3A_290, %add3A_278, %broadcast_in_dim3A_292 : vector<16xi1>, vector<16xi32>
      %reduce_sum3A_294 = arith.constant true
      %reduce_sum3A_295 = vector.broadcast %reduce_sum3A_294 : i1 to vector<16xi1>
      %reduce_sum3A_296 = tpu.scan <sum>, %select_n3A_293 masked %reduce_sum3A_295 : vector<16xi32>, vector<16xi1> -> vector<16xi32>
      %reduce_sum3A_297 = vector.extract %reduce_sum3A_296[15] : i32 from vector<16xi32>
      %jit3A_298 = arith.constant 0 : i32
      %broadcast_in_dim3A_299 = vector.broadcast %jit3A_298 : i32 to vector<16xi32>
      %select_n3A_300 = arith.select %eq3A_290, %add3A_268, %broadcast_in_dim3A_299 : vector<16xi1>, vector<16xi32>
      %reduce_sum3A_301 = arith.constant true
      %reduce_sum3A_302 = vector.broadcast %reduce_sum3A_301 : i1 to vector<16xi1>
      %reduce_sum3A_303 = tpu.scan <sum>, %select_n3A_300 masked %reduce_sum3A_302 : vector<16xi32>, vector<16xi1> -> vector<16xi32>
      %reduce_sum3A_304 = vector.extract %reduce_sum3A_303[15] : i32 from vector<16xi32>
      %mul3A_305 = arith.constant 16 : i32
      %mul3A_306 = arith.muli %sub3A_154, %mul3A_305 : i32
      %add3A_307 = arith.addi %mul3A_306, %sub3A_285 : i32
      %select_n3A_308 = arith.select %and3A_288, %add3A_307, %scan3A_151 : i32
      %sub3A_309 = arith.subi %reduce_sum3A_297, %reduce_sum3A_304 : i32
      %select_n3A_310 = arith.select %and3A_288, %sub3A_309, %scan3A_152 : i32
      %add3A_311 = arith.addi %scan3A_150, %reduce_sum3A_274 : i32
      scf.yield %add3A_311, %select_n3A_308, %select_n3A_310 : i32, i32, i32
    }
    %scan3A_59 = arith.constant 128 : i32
    %sub3A_60 = arith.subi %min3A, %scan3A_58#2 : i32
    %sub3A_61 = arith.constant 1024 : i32
    %sub3A_62 = arith.subi %scan3A_58#1, %sub3A_61 : i32
    %scan3A_63 = arith.constant 0 : i32
    %scan3A_64 = arith.constant 0 : i32
    %scan3A_65 = arith.constant 256 : i32
    %scan3A_66 = arith.addi %scan3A_64, %scan3A_65 : i32
    %scan3A_67 = arith.constant 1 : i32
    scf.for %scan3A_149 = %scan3A_64 to %scan3A_66 step %scan3A_67  : i32 {
      %mul3A_150 = arith.constant 8 : i32
      %mul3A_151 = arith.muli %scan3A_149, %mul3A_150 : i32
      %add3A_152 = arith.constant 0 : i32
      %add3A_153 = arith.addi %mul3A_151, %add3A_152 : i32
      %mul3A_154 = arith.constant 16 : i32
      %mul3A_155 = arith.muli %add3A_153, %mul3A_154 : i32
      %swap3A_156 = arith.index_cast %mul3A_155 : i32 to index
      %swap3A_157 = tpu.vector_load %arg6[%swap3A_156] {strides = array<i32>} : memref<32768xi32, #tpu.memory_space<vmem>>, vector<16xi32>,
      tpu.vector_store %arg6[%swap3A_156], %broadcast_in_dim3A_3 {strides = array<i32>} : memref<32768xi32, #tpu.memory_space<vmem>>, vector<16xi32>,
      %mul3A_158 = arith.constant 8 : i32
      %mul3A_159 = arith.muli %scan3A_149, %mul3A_158 : i32
      %add3A_160 = arith.constant 1 : i32
      %add3A_161 = arith.addi %mul3A_159, %add3A_160 : i32
      %mul3A_162 = arith.constant 16 : i32
      %mul3A_163 = arith.muli %add3A_161, %mul3A_162 : i32
      %swap3A_164 = arith.index_cast %mul3A_163 : i32 to index
      %swap3A_165 = tpu.vector_load %arg6[%swap3A_164] {strides = array<i32>} : memref<32768xi32, #tpu.memory_space<vmem>>, vector<16xi32>,
      tpu.vector_store %arg6[%swap3A_164], %broadcast_in_dim3A_3 {strides = array<i32>} : memref<32768xi32, #tpu.memory_space<vmem>>, vector<16xi32>,
      %mul3A_166 = arith.constant 8 : i32
      %mul3A_167 = arith.muli %scan3A_149, %mul3A_166 : i32
      %add3A_168 = arith.constant 2 : i32
      %add3A_169 = arith.addi %mul3A_167, %add3A_168 : i32
      %mul3A_170 = arith.constant 16 : i32
      %mul3A_171 = arith.muli %add3A_169, %mul3A_170 : i32
      %swap3A_172 = arith.index_cast %mul3A_171 : i32 to index
      %swap3A_173 = tpu.vector_load %arg6[%swap3A_172] {strides = array<i32>} : memref<32768xi32, #tpu.memory_space<vmem>>, vector<16xi32>,
      tpu.vector_store %arg6[%swap3A_172], %broadcast_in_dim3A_3 {strides = array<i32>} : memref<32768xi32, #tpu.memory_space<vmem>>, vector<16xi32>,
      %mul3A_174 = arith.constant 8 : i32
      %mul3A_175 = arith.muli %scan3A_149, %mul3A_174 : i32
      %add3A_176 = arith.constant 3 : i32
      %add3A_177 = arith.addi %mul3A_175, %add3A_176 : i32
      %mul3A_178 = arith.constant 16 : i32
      %mul3A_179 = arith.muli %add3A_177, %mul3A_178 : i32
      %swap3A_180 = arith.index_cast %mul3A_179 : i32 to index
      %swap3A_181 = tpu.vector_load %arg6[%swap3A_180] {strides = array<i32>} : memref<32768xi32, #tpu.memory_space<vmem>>, vector<16xi32>,
      tpu.vector_store %arg6[%swap3A_180], %broadcast_in_dim3A_3 {strides = array<i32>} : memref<32768xi32, #tpu.memory_space<vmem>>, vector<16xi32>,
      %mul3A_182 = arith.constant 8 : i32
      %mul3A_183 = arith.muli %scan3A_149, %mul3A_182 : i32
      %add3A_184 = arith.constant 4 : i32
      %add3A_185 = arith.addi %mul3A_183, %add3A_184 : i32
      %mul3A_186 = arith.constant 16 : i32
      %mul3A_187 = arith.muli %add3A_185, %mul3A_186 : i32
      %swap3A_188 = arith.index_cast %mul3A_187 : i32 to index
      %swap3A_189 = tpu.vector_load %arg6[%swap3A_188] {strides = array<i32>} : memref<32768xi32, #tpu.memory_space<vmem>>, vector<16xi32>,
      tpu.vector_store %arg6[%swap3A_188], %broadcast_in_dim3A_3 {strides = array<i32>} : memref<32768xi32, #tpu.memory_space<vmem>>, vector<16xi32>,
      %mul3A_190 = arith.constant 8 : i32
      %mul3A_191 = arith.muli %scan3A_149, %mul3A_190 : i32
      %add3A_192 = arith.constant 5 : i32
      %add3A_193 = arith.addi %mul3A_191, %add3A_192 : i32
      %mul3A_194 = arith.constant 16 : i32
      %mul3A_195 = arith.muli %add3A_193, %mul3A_194 : i32
      %swap3A_196 = arith.index_cast %mul3A_195 : i32 to index
      %swap3A_197 = tpu.vector_load %arg6[%swap3A_196] {strides = array<i32>} : memref<32768xi32, #tpu.memory_space<vmem>>, vector<16xi32>,
      tpu.vector_store %arg6[%swap3A_196], %broadcast_in_dim3A_3 {strides = array<i32>} : memref<32768xi32, #tpu.memory_space<vmem>>, vector<16xi32>,
      %mul3A_198 = arith.constant 8 : i32
      %mul3A_199 = arith.muli %scan3A_149, %mul3A_198 : i32
      %add3A_200 = arith.constant 6 : i32
      %add3A_201 = arith.addi %mul3A_199, %add3A_200 : i32
      %mul3A_202 = arith.constant 16 : i32
      %mul3A_203 = arith.muli %add3A_201, %mul3A_202 : i32
      %swap3A_204 = arith.index_cast %mul3A_203 : i32 to index
      %swap3A_205 = tpu.vector_load %arg6[%swap3A_204] {strides = array<i32>} : memref<32768xi32, #tpu.memory_space<vmem>>, vector<16xi32>,
      tpu.vector_store %arg6[%swap3A_204], %broadcast_in_dim3A_3 {strides = array<i32>} : memref<32768xi32, #tpu.memory_space<vmem>>, vector<16xi32>,
      %mul3A_206 = arith.constant 8 : i32
      %mul3A_207 = arith.muli %scan3A_149, %mul3A_206 : i32
      %add3A_208 = arith.constant 7 : i32
      %add3A_209 = arith.addi %mul3A_207, %add3A_208 : i32
      %mul3A_210 = arith.constant 16 : i32
      %mul3A_211 = arith.muli %add3A_209, %mul3A_210 : i32
      %swap3A_212 = arith.index_cast %mul3A_211 : i32 to index
      %swap3A_213 = tpu.vector_load %arg6[%swap3A_212] {strides = array<i32>} : memref<32768xi32, #tpu.memory_space<vmem>>, vector<16xi32>,
      tpu.vector_store %arg6[%swap3A_212], %broadcast_in_dim3A_3 {strides = array<i32>} : memref<32768xi32, #tpu.memory_space<vmem>>, vector<16xi32>,
    }
    %scan3A_68 = arith.constant 256 : i32
    %scan3A_69 = arith.constant 0 : i32
    %scan3A_70 = arith.constant 0 : i32
    %scan3A_71 = arith.constant 256 : i32
    %scan3A_72 = arith.addi %scan3A_70, %scan3A_71 : i32
    %scan3A_73 = arith.constant 1 : i32
    %scan3A_74 = scf.for %scan3A_149 = %scan3A_70 to %scan3A_72 step %scan3A_73 iter_args(%scan3A_150 = %scan3A_69) -> (i32)  : i32 {
      %mul3A_151 = arith.constant 8 : i32
      %mul3A_152 = arith.muli %scan3A_149, %mul3A_151 : i32
      %add3A_153 = arith.constant 0 : i32
      %add3A_154 = arith.addi %mul3A_152, %add3A_153 : i32
      %mul3A_155 = arith.constant 16 : i32
      %mul3A_156 = arith.muli %add3A_154, %mul3A_155 : i32
      %get3A_157 = arith.index_cast %mul3A_156 : i32 to index
      %get3A_158 = tpu.vector_load %arg5[%get3A_157] {strides = array<i32>} : memref<32768xf32, #tpu.memory_space<vmem>>, vector<16xf32>,
      %bitcast_convert_type3A = tpu.bitcast %get3A_158 : vector<16xf32> -> vector<16xi32>
      %shift_right_arithmetic3A_159 = arith.constant 21 : i32
      %shift_right_arithmetic3A_160 = vector.broadcast %shift_right_arithmetic3A_159 : i32 to vector<16xi32>
      %shift_right_arithmetic3A_161 = arith.shrsi %bitcast_convert_type3A, %shift_right_arithmetic3A_160 : vector<16xi32>
      %eq3A_162 = vector.broadcast %sub3A_62 : i32 to vector<16xi32>
      %eq3A_163 = arith.cmpi eq, %shift_right_arithmetic3A_161, %eq3A_162 : vector<16xi32>
      %shift_right_arithmetic3A_164 = arith.constant 10 : i32
      %shift_right_arithmetic3A_165 = vector.broadcast %shift_right_arithmetic3A_164 : i32 to vector<16xi32>
      %shift_right_arithmetic3A_166 = arith.shrsi %bitcast_convert_type3A, %shift_right_arithmetic3A_165 : vector<16xi32>
      %and3A_167 = arith.constant 2047 : i32
      %and3A_168 = vector.broadcast %and3A_167 : i32 to vector<16xi32>
      %and3A_169 = arith.andi %shift_right_arithmetic3A_166, %and3A_168 : vector<16xi32>
      %add3A_170 = arith.addi %mul3A_6, %and3A_169 : vector<16xi32>
      tpu.vector_store_idx %arg6[%add3A_170], %broadcast_in_dim3A_1 masked %eq3A_163 {add = true} : memref<32768xi32, #tpu.memory_space<vmem>>[vector<16xi32>], vector<16xi32>, vector<16xi1>
      %mul3A_171 = arith.constant 16 : i32
      %mul3A_172 = arith.muli %add3A_154, %mul3A_171 : i32
      %add3A_173 = vector.broadcast %mul3A_172 : i32 to vector<16xi32>
      %add3A_174 = arith.addi %add3A_173, %iota3A : vector<16xi32>
      %swap3A_175 = arith.index_cast %scan3A_150 : i32 to index
      %swap3A_176 = tpu.vector_load %arg7[%swap3A_175] masked %eq3A_163 {strides = array<i32>} : memref<32784xi32, #tpu.memory_space<vmem>>, vector<16xi32>, vector<16xi1>
      tpu.vector_store %arg7[%swap3A_175], %add3A_174 masked %eq3A_163 {strides = array<i32>} : memref<32784xi32, #tpu.memory_space<vmem>>, vector<16xi32>, vector<16xi1>
      %convert_element_type3A = arith.extui %eq3A_163 : vector<16xi1> to vector<16xi32>
      %reduce_sum3A_177 = arith.constant true
      %reduce_sum3A_178 = vector.broadcast %reduce_sum3A_177 : i1 to vector<16xi1>
      %reduce_sum3A_179 = tpu.scan <sum>, %convert_element_type3A masked %reduce_sum3A_178 : vector<16xi32>, vector<16xi1> -> vector<16xi32>
      %reduce_sum3A_180 = vector.extract %reduce_sum3A_179[15] : i32 from vector<16xi32>
      %add3A_181 = arith.addi %scan3A_150, %reduce_sum3A_180 : i32
      %mul3A_182 = arith.constant 8 : i32
      %mul3A_183 = arith.muli %scan3A_149, %mul3A_182 : i32
      %add3A_184 = arith.constant 1 : i32
      %add3A_185 = arith.addi %mul3A_183, %add3A_184 : i32
      %mul3A_186 = arith.constant 16 : i32
      %mul3A_187 = arith.muli %add3A_185, %mul3A_186 : i32
      %get3A_188 = arith.index_cast %mul3A_187 : i32 to index
      %get3A_189 = tpu.vector_load %arg5[%get3A_188] {strides = array<i32>} : memref<32768xf32, #tpu.memory_space<vmem>>, vector<16xf32>,
      %bitcast_convert_type3A_190 = tpu.bitcast %get3A_189 : vector<16xf32> -> vector<16xi32>
      %shift_right_arithmetic3A_191 = arith.constant 21 : i32
      %shift_right_arithmetic3A_192 = vector.broadcast %shift_right_arithmetic3A_191 : i32 to vector<16xi32>
      %shift_right_arithmetic3A_193 = arith.shrsi %bitcast_convert_type3A_190, %shift_right_arithmetic3A_192 : vector<16xi32>
      %eq3A_194 = vector.broadcast %sub3A_62 : i32 to vector<16xi32>
      %eq3A_195 = arith.cmpi eq, %shift_right_arithmetic3A_193, %eq3A_194 : vector<16xi32>
      %shift_right_arithmetic3A_196 = arith.constant 10 : i32
      %shift_right_arithmetic3A_197 = vector.broadcast %shift_right_arithmetic3A_196 : i32 to vector<16xi32>
      %shift_right_arithmetic3A_198 = arith.shrsi %bitcast_convert_type3A_190, %shift_right_arithmetic3A_197 : vector<16xi32>
      %and3A_199 = arith.constant 2047 : i32
      %and3A_200 = vector.broadcast %and3A_199 : i32 to vector<16xi32>
      %and3A_201 = arith.andi %shift_right_arithmetic3A_198, %and3A_200 : vector<16xi32>
      %add3A_202 = arith.addi %mul3A_6, %and3A_201 : vector<16xi32>
      tpu.vector_store_idx %arg6[%add3A_202], %broadcast_in_dim3A_1 masked %eq3A_195 {add = true} : memref<32768xi32, #tpu.memory_space<vmem>>[vector<16xi32>], vector<16xi32>, vector<16xi1>
      %mul3A_203 = arith.constant 16 : i32
      %mul3A_204 = arith.muli %add3A_185, %mul3A_203 : i32
      %add3A_205 = vector.broadcast %mul3A_204 : i32 to vector<16xi32>
      %add3A_206 = arith.addi %add3A_205, %iota3A : vector<16xi32>
      %swap3A_207 = arith.index_cast %add3A_181 : i32 to index
      %swap3A_208 = tpu.vector_load %arg7[%swap3A_207] masked %eq3A_195 {strides = array<i32>} : memref<32784xi32, #tpu.memory_space<vmem>>, vector<16xi32>, vector<16xi1>
      tpu.vector_store %arg7[%swap3A_207], %add3A_206 masked %eq3A_195 {strides = array<i32>} : memref<32784xi32, #tpu.memory_space<vmem>>, vector<16xi32>, vector<16xi1>
      %convert_element_type3A_209 = arith.extui %eq3A_195 : vector<16xi1> to vector<16xi32>
      %reduce_sum3A_210 = arith.constant true
      %reduce_sum3A_211 = vector.broadcast %reduce_sum3A_210 : i1 to vector<16xi1>
      %reduce_sum3A_212 = tpu.scan <sum>, %convert_element_type3A_209 masked %reduce_sum3A_211 : vector<16xi32>, vector<16xi1> -> vector<16xi32>
      %reduce_sum3A_213 = vector.extract %reduce_sum3A_212[15] : i32 from vector<16xi32>
      %add3A_214 = arith.addi %add3A_181, %reduce_sum3A_213 : i32
      %mul3A_215 = arith.constant 8 : i32
      %mul3A_216 = arith.muli %scan3A_149, %mul3A_215 : i32
      %add3A_217 = arith.constant 2 : i32
      %add3A_218 = arith.addi %mul3A_216, %add3A_217 : i32
      %mul3A_219 = arith.constant 16 : i32
      %mul3A_220 = arith.muli %add3A_218, %mul3A_219 : i32
      %get3A_221 = arith.index_cast %mul3A_220 : i32 to index
      %get3A_222 = tpu.vector_load %arg5[%get3A_221] {strides = array<i32>} : memref<32768xf32, #tpu.memory_space<vmem>>, vector<16xf32>,
      %bitcast_convert_type3A_223 = tpu.bitcast %get3A_222 : vector<16xf32> -> vector<16xi32>
      %shift_right_arithmetic3A_224 = arith.constant 21 : i32
      %shift_right_arithmetic3A_225 = vector.broadcast %shift_right_arithmetic3A_224 : i32 to vector<16xi32>
      %shift_right_arithmetic3A_226 = arith.shrsi %bitcast_convert_type3A_223, %shift_right_arithmetic3A_225 : vector<16xi32>
      %eq3A_227 = vector.broadcast %sub3A_62 : i32 to vector<16xi32>
      %eq3A_228 = arith.cmpi eq, %shift_right_arithmetic3A_226, %eq3A_227 : vector<16xi32>
      %shift_right_arithmetic3A_229 = arith.constant 10 : i32
      %shift_right_arithmetic3A_230 = vector.broadcast %shift_right_arithmetic3A_229 : i32 to vector<16xi32>
      %shift_right_arithmetic3A_231 = arith.shrsi %bitcast_convert_type3A_223, %shift_right_arithmetic3A_230 : vector<16xi32>
      %and3A_232 = arith.constant 2047 : i32
      %and3A_233 = vector.broadcast %and3A_232 : i32 to vector<16xi32>
      %and3A_234 = arith.andi %shift_right_arithmetic3A_231, %and3A_233 : vector<16xi32>
      %add3A_235 = arith.addi %mul3A_6, %and3A_234 : vector<16xi32>
      tpu.vector_store_idx %arg6[%add3A_235], %broadcast_in_dim3A_1 masked %eq3A_228 {add = true} : memref<32768xi32, #tpu.memory_space<vmem>>[vector<16xi32>], vector<16xi32>, vector<16xi1>
      %mul3A_236 = arith.constant 16 : i32
      %mul3A_237 = arith.muli %add3A_218, %mul3A_236 : i32
      %add3A_238 = vector.broadcast %mul3A_237 : i32 to vector<16xi32>
      %add3A_239 = arith.addi %add3A_238, %iota3A : vector<16xi32>
      %swap3A_240 = arith.index_cast %add3A_214 : i32 to index
      %swap3A_241 = tpu.vector_load %arg7[%swap3A_240] masked %eq3A_228 {strides = array<i32>} : memref<32784xi32, #tpu.memory_space<vmem>>, vector<16xi32>, vector<16xi1>
      tpu.vector_store %arg7[%swap3A_240], %add3A_239 masked %eq3A_228 {strides = array<i32>} : memref<32784xi32, #tpu.memory_space<vmem>>, vector<16xi32>, vector<16xi1>
      %convert_element_type3A_242 = arith.extui %eq3A_228 : vector<16xi1> to vector<16xi32>
      %reduce_sum3A_243 = arith.constant true
      %reduce_sum3A_244 = vector.broadcast %reduce_sum3A_243 : i1 to vector<16xi1>
      %reduce_sum3A_245 = tpu.scan <sum>, %convert_element_type3A_242 masked %reduce_sum3A_244 : vector<16xi32>, vector<16xi1> -> vector<16xi32>
      %reduce_sum3A_246 = vector.extract %reduce_sum3A_245[15] : i32 from vector<16xi32>
      %add3A_247 = arith.addi %add3A_214, %reduce_sum3A_246 : i32
      %mul3A_248 = arith.constant 8 : i32
      %mul3A_249 = arith.muli %scan3A_149, %mul3A_248 : i32
      %add3A_250 = arith.constant 3 : i32
      %add3A_251 = arith.addi %mul3A_249, %add3A_250 : i32
      %mul3A_252 = arith.constant 16 : i32
      %mul3A_253 = arith.muli %add3A_251, %mul3A_252 : i32
      %get3A_254 = arith.index_cast %mul3A_253 : i32 to index
      %get3A_255 = tpu.vector_load %arg5[%get3A_254] {strides = array<i32>} : memref<32768xf32, #tpu.memory_space<vmem>>, vector<16xf32>,
      %bitcast_convert_type3A_256 = tpu.bitcast %get3A_255 : vector<16xf32> -> vector<16xi32>
      %shift_right_arithmetic3A_257 = arith.constant 21 : i32
      %shift_right_arithmetic3A_258 = vector.broadcast %shift_right_arithmetic3A_257 : i32 to vector<16xi32>
      %shift_right_arithmetic3A_259 = arith.shrsi %bitcast_convert_type3A_256, %shift_right_arithmetic3A_258 : vector<16xi32>
      %eq3A_260 = vector.broadcast %sub3A_62 : i32 to vector<16xi32>
      %eq3A_261 = arith.cmpi eq, %shift_right_arithmetic3A_259, %eq3A_260 : vector<16xi32>
      %shift_right_arithmetic3A_262 = arith.constant 10 : i32
      %shift_right_arithmetic3A_263 = vector.broadcast %shift_right_arithmetic3A_262 : i32 to vector<16xi32>
      %shift_right_arithmetic3A_264 = arith.shrsi %bitcast_convert_type3A_256, %shift_right_arithmetic3A_263 : vector<16xi32>
      %and3A_265 = arith.constant 2047 : i32
      %and3A_266 = vector.broadcast %and3A_265 : i32 to vector<16xi32>
      %and3A_267 = arith.andi %shift_right_arithmetic3A_264, %and3A_266 : vector<16xi32>
      %add3A_268 = arith.addi %mul3A_6, %and3A_267 : vector<16xi32>
      tpu.vector_store_idx %arg6[%add3A_268], %broadcast_in_dim3A_1 masked %eq3A_261 {add = true} : memref<32768xi32, #tpu.memory_space<vmem>>[vector<16xi32>], vector<16xi32>, vector<16xi1>
      %mul3A_269 = arith.constant 16 : i32
      %mul3A_270 = arith.muli %add3A_251, %mul3A_269 : i32
      %add3A_271 = vector.broadcast %mul3A_270 : i32 to vector<16xi32>
      %add3A_272 = arith.addi %add3A_271, %iota3A : vector<16xi32>
      %swap3A_273 = arith.index_cast %add3A_247 : i32 to index
      %swap3A_274 = tpu.vector_load %arg7[%swap3A_273] masked %eq3A_261 {strides = array<i32>} : memref<32784xi32, #tpu.memory_space<vmem>>, vector<16xi32>, vector<16xi1>
      tpu.vector_store %arg7[%swap3A_273], %add3A_272 masked %eq3A_261 {strides = array<i32>} : memref<32784xi32, #tpu.memory_space<vmem>>, vector<16xi32>, vector<16xi1>
      %convert_element_type3A_275 = arith.extui %eq3A_261 : vector<16xi1> to vector<16xi32>
      %reduce_sum3A_276 = arith.constant true
      %reduce_sum3A_277 = vector.broadcast %reduce_sum3A_276 : i1 to vector<16xi1>
      %reduce_sum3A_278 = tpu.scan <sum>, %convert_element_type3A_275 masked %reduce_sum3A_277 : vector<16xi32>, vector<16xi1> -> vector<16xi32>
      %reduce_sum3A_279 = vector.extract %reduce_sum3A_278[15] : i32 from vector<16xi32>
      %add3A_280 = arith.addi %add3A_247, %reduce_sum3A_279 : i32
      %mul3A_281 = arith.constant 8 : i32
      %mul3A_282 = arith.muli %scan3A_149, %mul3A_281 : i32
      %add3A_283 = arith.constant 4 : i32
      %add3A_284 = arith.addi %mul3A_282, %add3A_283 : i32
      %mul3A_285 = arith.constant 16 : i32
      %mul3A_286 = arith.muli %add3A_284, %mul3A_285 : i32
      %get3A_287 = arith.index_cast %mul3A_286 : i32 to index
      %get3A_288 = tpu.vector_load %arg5[%get3A_287] {strides = array<i32>} : memref<32768xf32, #tpu.memory_space<vmem>>, vector<16xf32>,
      %bitcast_convert_type3A_289 = tpu.bitcast %get3A_288 : vector<16xf32> -> vector<16xi32>
      %shift_right_arithmetic3A_290 = arith.constant 21 : i32
      %shift_right_arithmetic3A_291 = vector.broadcast %shift_right_arithmetic3A_290 : i32 to vector<16xi32>
      %shift_right_arithmetic3A_292 = arith.shrsi %bitcast_convert_type3A_289, %shift_right_arithmetic3A_291 : vector<16xi32>
      %eq3A_293 = vector.broadcast %sub3A_62 : i32 to vector<16xi32>
      %eq3A_294 = arith.cmpi eq, %shift_right_arithmetic3A_292, %eq3A_293 : vector<16xi32>
      %shift_right_arithmetic3A_295 = arith.constant 10 : i32
      %shift_right_arithmetic3A_296 = vector.broadcast %shift_right_arithmetic3A_295 : i32 to vector<16xi32>
      %shift_right_arithmetic3A_297 = arith.shrsi %bitcast_convert_type3A_289, %shift_right_arithmetic3A_296 : vector<16xi32>
      %and3A_298 = arith.constant 2047 : i32
      %and3A_299 = vector.broadcast %and3A_298 : i32 to vector<16xi32>
      %and3A_300 = arith.andi %shift_right_arithmetic3A_297, %and3A_299 : vector<16xi32>
      %add3A_301 = arith.addi %mul3A_6, %and3A_300 : vector<16xi32>
      tpu.vector_store_idx %arg6[%add3A_301], %broadcast_in_dim3A_1 masked %eq3A_294 {add = true} : memref<32768xi32, #tpu.memory_space<vmem>>[vector<16xi32>], vector<16xi32>, vector<16xi1>
      %mul3A_302 = arith.constant 16 : i32
      %mul3A_303 = arith.muli %add3A_284, %mul3A_302 : i32
      %add3A_304 = vector.broadcast %mul3A_303 : i32 to vector<16xi32>
      %add3A_305 = arith.addi %add3A_304, %iota3A : vector<16xi32>
      %swap3A_306 = arith.index_cast %add3A_280 : i32 to index
      %swap3A_307 = tpu.vector_load %arg7[%swap3A_306] masked %eq3A_294 {strides = array<i32>} : memref<32784xi32, #tpu.memory_space<vmem>>, vector<16xi32>, vector<16xi1>
      tpu.vector_store %arg7[%swap3A_306], %add3A_305 masked %eq3A_294 {strides = array<i32>} : memref<32784xi32, #tpu.memory_space<vmem>>, vector<16xi32>, vector<16xi1>
      %convert_element_type3A_308 = arith.extui %eq3A_294 : vector<16xi1> to vector<16xi32>
      %reduce_sum3A_309 = arith.constant true
      %reduce_sum3A_310 = vector.broadcast %reduce_sum3A_309 : i1 to vector<16xi1>
      %reduce_sum3A_311 = tpu.scan <sum>, %convert_element_type3A_308 masked %reduce_sum3A_310 : vector<16xi32>, vector<16xi1> -> vector<16xi32>
      %reduce_sum3A_312 = vector.extract %reduce_sum3A_311[15] : i32 from vector<16xi32>
      %add3A_313 = arith.addi %add3A_280, %reduce_sum3A_312 : i32
      %mul3A_314 = arith.constant 8 : i32
      %mul3A_315 = arith.muli %scan3A_149, %mul3A_314 : i32
      %add3A_316 = arith.constant 5 : i32
      %add3A_317 = arith.addi %mul3A_315, %add3A_316 : i32
      %mul3A_318 = arith.constant 16 : i32
      %mul3A_319 = arith.muli %add3A_317, %mul3A_318 : i32
      %get3A_320 = arith.index_cast %mul3A_319 : i32 to index
      %get3A_321 = tpu.vector_load %arg5[%get3A_320] {strides = array<i32>} : memref<32768xf32, #tpu.memory_space<vmem>>, vector<16xf32>,
      %bitcast_convert_type3A_322 = tpu.bitcast %get3A_321 : vector<16xf32> -> vector<16xi32>
      %shift_right_arithmetic3A_323 = arith.constant 21 : i32
      %shift_right_arithmetic3A_324 = vector.broadcast %shift_right_arithmetic3A_323 : i32 to vector<16xi32>
      %shift_right_arithmetic3A_325 = arith.shrsi %bitcast_convert_type3A_322, %shift_right_arithmetic3A_324 : vector<16xi32>
      %eq3A_326 = vector.broadcast %sub3A_62 : i32 to vector<16xi32>
      %eq3A_327 = arith.cmpi eq, %shift_right_arithmetic3A_325, %eq3A_326 : vector<16xi32>
      %shift_right_arithmetic3A_328 = arith.constant 10 : i32
      %shift_right_arithmetic3A_329 = vector.broadcast %shift_right_arithmetic3A_328 : i32 to vector<16xi32>
      %shift_right_arithmetic3A_330 = arith.shrsi %bitcast_convert_type3A_322, %shift_right_arithmetic3A_329 : vector<16xi32>
      %and3A_331 = arith.constant 2047 : i32
      %and3A_332 = vector.broadcast %and3A_331 : i32 to vector<16xi32>
      %and3A_333 = arith.andi %shift_right_arithmetic3A_330, %and3A_332 : vector<16xi32>
      %add3A_334 = arith.addi %mul3A_6, %and3A_333 : vector<16xi32>
      tpu.vector_store_idx %arg6[%add3A_334], %broadcast_in_dim3A_1 masked %eq3A_327 {add = true} : memref<32768xi32, #tpu.memory_space<vmem>>[vector<16xi32>], vector<16xi32>, vector<16xi1>
      %mul3A_335 = arith.constant 16 : i32
      %mul3A_336 = arith.muli %add3A_317, %mul3A_335 : i32
      %add3A_337 = vector.broadcast %mul3A_336 : i32 to vector<16xi32>
      %add3A_338 = arith.addi %add3A_337, %iota3A : vector<16xi32>
      %swap3A_339 = arith.index_cast %add3A_313 : i32 to index
      %swap3A_340 = tpu.vector_load %arg7[%swap3A_339] masked %eq3A_327 {strides = array<i32>} : memref<32784xi32, #tpu.memory_space<vmem>>, vector<16xi32>, vector<16xi1>
      tpu.vector_store %arg7[%swap3A_339], %add3A_338 masked %eq3A_327 {strides = array<i32>} : memref<32784xi32, #tpu.memory_space<vmem>>, vector<16xi32>, vector<16xi1>
      %convert_element_type3A_341 = arith.extui %eq3A_327 : vector<16xi1> to vector<16xi32>
      %reduce_sum3A_342 = arith.constant true
      %reduce_sum3A_343 = vector.broadcast %reduce_sum3A_342 : i1 to vector<16xi1>
      %reduce_sum3A_344 = tpu.scan <sum>, %convert_element_type3A_341 masked %reduce_sum3A_343 : vector<16xi32>, vector<16xi1> -> vector<16xi32>
      %reduce_sum3A_345 = vector.extract %reduce_sum3A_344[15] : i32 from vector<16xi32>
      %add3A_346 = arith.addi %add3A_313, %reduce_sum3A_345 : i32
      %mul3A_347 = arith.constant 8 : i32
      %mul3A_348 = arith.muli %scan3A_149, %mul3A_347 : i32
      %add3A_349 = arith.constant 6 : i32
      %add3A_350 = arith.addi %mul3A_348, %add3A_349 : i32
      %mul3A_351 = arith.constant 16 : i32
      %mul3A_352 = arith.muli %add3A_350, %mul3A_351 : i32
      %get3A_353 = arith.index_cast %mul3A_352 : i32 to index
      %get3A_354 = tpu.vector_load %arg5[%get3A_353] {strides = array<i32>} : memref<32768xf32, #tpu.memory_space<vmem>>, vector<16xf32>,
      %bitcast_convert_type3A_355 = tpu.bitcast %get3A_354 : vector<16xf32> -> vector<16xi32>
      %shift_right_arithmetic3A_356 = arith.constant 21 : i32
      %shift_right_arithmetic3A_357 = vector.broadcast %shift_right_arithmetic3A_356 : i32 to vector<16xi32>
      %shift_right_arithmetic3A_358 = arith.shrsi %bitcast_convert_type3A_355, %shift_right_arithmetic3A_357 : vector<16xi32>
      %eq3A_359 = vector.broadcast %sub3A_62 : i32 to vector<16xi32>
      %eq3A_360 = arith.cmpi eq, %shift_right_arithmetic3A_358, %eq3A_359 : vector<16xi32>
      %shift_right_arithmetic3A_361 = arith.constant 10 : i32
      %shift_right_arithmetic3A_362 = vector.broadcast %shift_right_arithmetic3A_361 : i32 to vector<16xi32>
      %shift_right_arithmetic3A_363 = arith.shrsi %bitcast_convert_type3A_355, %shift_right_arithmetic3A_362 : vector<16xi32>
      %and3A_364 = arith.constant 2047 : i32
      %and3A_365 = vector.broadcast %and3A_364 : i32 to vector<16xi32>
      %and3A_366 = arith.andi %shift_right_arithmetic3A_363, %and3A_365 : vector<16xi32>
      %add3A_367 = arith.addi %mul3A_6, %and3A_366 : vector<16xi32>
      tpu.vector_store_idx %arg6[%add3A_367], %broadcast_in_dim3A_1 masked %eq3A_360 {add = true} : memref<32768xi32, #tpu.memory_space<vmem>>[vector<16xi32>], vector<16xi32>, vector<16xi1>
      %mul3A_368 = arith.constant 16 : i32
      %mul3A_369 = arith.muli %add3A_350, %mul3A_368 : i32
      %add3A_370 = vector.broadcast %mul3A_369 : i32 to vector<16xi32>
      %add3A_371 = arith.addi %add3A_370, %iota3A : vector<16xi32>
      %swap3A_372 = arith.index_cast %add3A_346 : i32 to index
      %swap3A_373 = tpu.vector_load %arg7[%swap3A_372] masked %eq3A_360 {strides = array<i32>} : memref<32784xi32, #tpu.memory_space<vmem>>, vector<16xi32>, vector<16xi1>
      tpu.vector_store %arg7[%swap3A_372], %add3A_371 masked %eq3A_360 {strides = array<i32>} : memref<32784xi32, #tpu.memory_space<vmem>>, vector<16xi32>, vector<16xi1>
      %convert_element_type3A_374 = arith.extui %eq3A_360 : vector<16xi1> to vector<16xi32>
      %reduce_sum3A_375 = arith.constant true
      %reduce_sum3A_376 = vector.broadcast %reduce_sum3A_375 : i1 to vector<16xi1>
      %reduce_sum3A_377 = tpu.scan <sum>, %convert_element_type3A_374 masked %reduce_sum3A_376 : vector<16xi32>, vector<16xi1> -> vector<16xi32>
      %reduce_sum3A_378 = vector.extract %reduce_sum3A_377[15] : i32 from vector<16xi32>
      %add3A_379 = arith.addi %add3A_346, %reduce_sum3A_378 : i32
      %mul3A_380 = arith.constant 8 : i32
      %mul3A_381 = arith.muli %scan3A_149, %mul3A_380 : i32
      %add3A_382 = arith.constant 7 : i32
      %add3A_383 = arith.addi %mul3A_381, %add3A_382 : i32
      %mul3A_384 = arith.constant 16 : i32
      %mul3A_385 = arith.muli %add3A_383, %mul3A_384 : i32
      %get3A_386 = arith.index_cast %mul3A_385 : i32 to index
      %get3A_387 = tpu.vector_load %arg5[%get3A_386] {strides = array<i32>} : memref<32768xf32, #tpu.memory_space<vmem>>, vector<16xf32>,
      %bitcast_convert_type3A_388 = tpu.bitcast %get3A_387 : vector<16xf32> -> vector<16xi32>
      %shift_right_arithmetic3A_389 = arith.constant 21 : i32
      %shift_right_arithmetic3A_390 = vector.broadcast %shift_right_arithmetic3A_389 : i32 to vector<16xi32>
      %shift_right_arithmetic3A_391 = arith.shrsi %bitcast_convert_type3A_388, %shift_right_arithmetic3A_390 : vector<16xi32>
      %eq3A_392 = vector.broadcast %sub3A_62 : i32 to vector<16xi32>
      %eq3A_393 = arith.cmpi eq, %shift_right_arithmetic3A_391, %eq3A_392 : vector<16xi32>
      %shift_right_arithmetic3A_394 = arith.constant 10 : i32
      %shift_right_arithmetic3A_395 = vector.broadcast %shift_right_arithmetic3A_394 : i32 to vector<16xi32>
      %shift_right_arithmetic3A_396 = arith.shrsi %bitcast_convert_type3A_388, %shift_right_arithmetic3A_395 : vector<16xi32>
      %and3A_397 = arith.constant 2047 : i32
      %and3A_398 = vector.broadcast %and3A_397 : i32 to vector<16xi32>
      %and3A_399 = arith.andi %shift_right_arithmetic3A_396, %and3A_398 : vector<16xi32>
      %add3A_400 = arith.addi %mul3A_6, %and3A_399 : vector<16xi32>
      tpu.vector_store_idx %arg6[%add3A_400], %broadcast_in_dim3A_1 masked %eq3A_393 {add = true} : memref<32768xi32, #tpu.memory_space<vmem>>[vector<16xi32>], vector<16xi32>, vector<16xi1>
      %mul3A_401 = arith.constant 16 : i32
      %mul3A_402 = arith.muli %add3A_383, %mul3A_401 : i32
      %add3A_403 = vector.broadcast %mul3A_402 : i32 to vector<16xi32>
      %add3A_404 = arith.addi %add3A_403, %iota3A : vector<16xi32>
      %swap3A_405 = arith.index_cast %add3A_379 : i32 to index
      %swap3A_406 = tpu.vector_load %arg7[%swap3A_405] masked %eq3A_393 {strides = array<i32>} : memref<32784xi32, #tpu.memory_space<vmem>>, vector<16xi32>, vector<16xi1>
      tpu.vector_store %arg7[%swap3A_405], %add3A_404 masked %eq3A_393 {strides = array<i32>} : memref<32784xi32, #tpu.memory_space<vmem>>, vector<16xi32>, vector<16xi1>
      %convert_element_type3A_407 = arith.extui %eq3A_393 : vector<16xi1> to vector<16xi32>
      %reduce_sum3A_408 = arith.constant true
      %reduce_sum3A_409 = vector.broadcast %reduce_sum3A_408 : i1 to vector<16xi1>
      %reduce_sum3A_410 = tpu.scan <sum>, %convert_element_type3A_407 masked %reduce_sum3A_409 : vector<16xi32>, vector<16xi1> -> vector<16xi32>
      %reduce_sum3A_411 = vector.extract %reduce_sum3A_410[15] : i32 from vector<16xi32>
      %add3A_412 = arith.addi %add3A_379, %reduce_sum3A_411 : i32
      scf.yield %add3A_412 : i32
    }
    %scan3A_75 = arith.constant 256 : i32
    %scan3A_76 = arith.constant 0 : i32
    %scan3A_77 = arith.constant 0 : i32
    %scan3A_78 = arith.constant 0 : i32
    %scan3A_79 = arith.constant 0 : i32
    %scan3A_80 = arith.constant 128 : i32
    %scan3A_81 = arith.addi %scan3A_79, %scan3A_80 : i32
    %scan3A_82 = arith.constant 1 : i32
    %scan3A_83:3 = scf.for %scan3A_149 = %scan3A_79 to %scan3A_81 step %scan3A_82 iter_args(%scan3A_150 = %scan3A_76, %scan3A_151 = %scan3A_77, %scan3A_152 = %scan3A_78) -> (i32, i32, i32)  : i32 {
      %sub3A_153 = arith.constant 127 : i32
      %sub3A_154 = arith.subi %sub3A_153, %scan3A_149 : i32
      %broadcast_in_dim3A_155 = arith.constant 0 : i32
      %broadcast_in_dim3A_156 = vector.broadcast %broadcast_in_dim3A_155 : i32 to vector<16xi32>
      %mul3A_157 = arith.constant 16 : i32
      %mul3A_158 = arith.muli %sub3A_154, %mul3A_157 : i32
      %add3A_159 = arith.constant 0 : i32
      %add3A_160 = arith.addi %add3A_159, %mul3A_158 : i32
      %get3A_161 = arith.index_cast %add3A_160 : i32 to index
      %get3A_162 = tpu.vector_load %arg6[%get3A_161] {strides = array<i32>} : memref<32768xi32, #tpu.memory_space<vmem>>, vector<16xi32>,
      %add3A_163 = arith.addi %broadcast_in_dim3A_156, %get3A_162 : vector<16xi32>
      %mul3A_164 = arith.constant 16 : i32
      %mul3A_165 = arith.muli %sub3A_154, %mul3A_164 : i32
      %add3A_166 = arith.constant 2048 : i32
      %add3A_167 = arith.addi %add3A_166, %mul3A_165 : i32
      %get3A_168 = arith.index_cast %add3A_167 : i32 to index
      %get3A_169 = tpu.vector_load %arg6[%get3A_168] {strides = array<i32>} : memref<32768xi32, #tpu.memory_space<vmem>>, vector<16xi32>,
      %add3A_170 = arith.addi %add3A_163, %get3A_169 : vector<16xi32>
      %mul3A_171 = arith.constant 16 : i32
      %mul3A_172 = arith.muli %sub3A_154, %mul3A_171 : i32
      %add3A_173 = arith.constant 4096 : i32
      %add3A_174 = arith.addi %add3A_173, %mul3A_172 : i32
      %get3A_175 = arith.index_cast %add3A_174 : i32 to index
      %get3A_176 = tpu.vector_load %arg6[%get3A_175] {strides = array<i32>} : memref<32768xi32, #tpu.memory_space<vmem>>, vector<16xi32>,
      %add3A_177 = arith.addi %add3A_170, %get3A_176 : vector<16xi32>
      %mul3A_178 = arith.constant 16 : i32
      %mul3A_179 = arith.muli %sub3A_154, %mul3A_178 : i32
      %add3A_180 = arith.constant 6144 : i32
      %add3A_181 = arith.addi %add3A_180, %mul3A_179 : i32
      %get3A_182 = arith.index_cast %add3A_181 : i32 to index
      %get3A_183 = tpu.vector_load %arg6[%get3A_182] {strides = array<i32>} : memref<32768xi32, #tpu.memory_space<vmem>>, vector<16xi32>,
      %add3A_184 = arith.addi %add3A_177, %get3A_183 : vector<16xi32>
      %mul3A_185 = arith.constant 16 : i32
      %mul3A_186 = arith.muli %sub3A_154, %mul3A_185 : i32
      %add3A_187 = arith.constant 8192 : i32
      %add3A_188 = arith.addi %add3A_187, %mul3A_186 : i32
      %get3A_189 = arith.index_cast %add3A_188 : i32 to index
      %get3A_190 = tpu.vector_load %arg6[%get3A_189] {strides = array<i32>} : memref<32768xi32, #tpu.memory_space<vmem>>, vector<16xi32>,
      %add3A_191 = arith.addi %add3A_184, %get3A_190 : vector<16xi32>
      %mul3A_192 = arith.constant 16 : i32
      %mul3A_193 = arith.muli %sub3A_154, %mul3A_192 : i32
      %add3A_194 = arith.constant 10240 : i32
      %add3A_195 = arith.addi %add3A_194, %mul3A_193 : i32
      %get3A_196 = arith.index_cast %add3A_195 : i32 to index
      %get3A_197 = tpu.vector_load %arg6[%get3A_196] {strides = array<i32>} : memref<32768xi32, #tpu.memory_space<vmem>>, vector<16xi32>,
      %add3A_198 = arith.addi %add3A_191, %get3A_197 : vector<16xi32>
      %mul3A_199 = arith.constant 16 : i32
      %mul3A_200 = arith.muli %sub3A_154, %mul3A_199 : i32
      %add3A_201 = arith.constant 12288 : i32
      %add3A_202 = arith.addi %add3A_201, %mul3A_200 : i32
      %get3A_203 = arith.index_cast %add3A_202 : i32 to index
      %get3A_204 = tpu.vector_load %arg6[%get3A_203] {strides = array<i32>} : memref<32768xi32, #tpu.memory_space<vmem>>, vector<16xi32>,
      %add3A_205 = arith.addi %add3A_198, %get3A_204 : vector<16xi32>
      %mul3A_206 = arith.constant 16 : i32
      %mul3A_207 = arith.muli %sub3A_154, %mul3A_206 : i32
      %add3A_208 = arith.constant 14336 : i32
      %add3A_209 = arith.addi %add3A_208, %mul3A_207 : i32
      %get3A_210 = arith.index_cast %add3A_209 : i32 to index
      %get3A_211 = tpu.vector_load %arg6[%get3A_210] {strides = array<i32>} : memref<32768xi32, #tpu.memory_space<vmem>>, vector<16xi32>,
      %add3A_212 = arith.addi %add3A_205, %get3A_211 : vector<16xi32>
      %mul3A_213 = arith.constant 16 : i32
      %mul3A_214 = arith.muli %sub3A_154, %mul3A_213 : i32
      %add3A_215 = arith.constant 16384 : i32
      %add3A_216 = arith.addi %add3A_215, %mul3A_214 : i32
      %get3A_217 = arith.index_cast %add3A_216 : i32 to index
      %get3A_218 = tpu.vector_load %arg6[%get3A_217] {strides = array<i32>} : memref<32768xi32, #tpu.memory_space<vmem>>, vector<16xi32>,
      %add3A_219 = arith.addi %add3A_212, %get3A_218 : vector<16xi32>
      %mul3A_220 = arith.constant 16 : i32
      %mul3A_221 = arith.muli %sub3A_154, %mul3A_220 : i32
      %add3A_222 = arith.constant 18432 : i32
      %add3A_223 = arith.addi %add3A_222, %mul3A_221 : i32
      %get3A_224 = arith.index_cast %add3A_223 : i32 to index
      %get3A_225 = tpu.vector_load %arg6[%get3A_224] {strides = array<i32>} : memref<32768xi32, #tpu.memory_space<vmem>>, vector<16xi32>,
      %add3A_226 = arith.addi %add3A_219, %get3A_225 : vector<16xi32>
      %mul3A_227 = arith.constant 16 : i32
      %mul3A_228 = arith.muli %sub3A_154, %mul3A_227 : i32
      %add3A_229 = arith.constant 20480 : i32
      %add3A_230 = arith.addi %add3A_229, %mul3A_228 : i32
      %get3A_231 = arith.index_cast %add3A_230 : i32 to index
      %get3A_232 = tpu.vector_load %arg6[%get3A_231] {strides = array<i32>} : memref<32768xi32, #tpu.memory_space<vmem>>, vector<16xi32>,
      %add3A_233 = arith.addi %add3A_226, %get3A_232 : vector<16xi32>
      %mul3A_234 = arith.constant 16 : i32
      %mul3A_235 = arith.muli %sub3A_154, %mul3A_234 : i32
      %add3A_236 = arith.constant 22528 : i32
      %add3A_237 = arith.addi %add3A_236, %mul3A_235 : i32
      %get3A_238 = arith.index_cast %add3A_237 : i32 to index
      %get3A_239 = tpu.vector_load %arg6[%get3A_238] {strides = array<i32>} : memref<32768xi32, #tpu.memory_space<vmem>>, vector<16xi32>,
      %add3A_240 = arith.addi %add3A_233, %get3A_239 : vector<16xi32>
      %mul3A_241 = arith.constant 16 : i32
      %mul3A_242 = arith.muli %sub3A_154, %mul3A_241 : i32
      %add3A_243 = arith.constant 24576 : i32
      %add3A_244 = arith.addi %add3A_243, %mul3A_242 : i32
      %get3A_245 = arith.index_cast %add3A_244 : i32 to index
      %get3A_246 = tpu.vector_load %arg6[%get3A_245] {strides = array<i32>} : memref<32768xi32, #tpu.memory_space<vmem>>, vector<16xi32>,
      %add3A_247 = arith.addi %add3A_240, %get3A_246 : vector<16xi32>
      %mul3A_248 = arith.constant 16 : i32
      %mul3A_249 = arith.muli %sub3A_154, %mul3A_248 : i32
      %add3A_250 = arith.constant 26624 : i32
      %add3A_251 = arith.addi %add3A_250, %mul3A_249 : i32
      %get3A_252 = arith.index_cast %add3A_251 : i32 to index
      %get3A_253 = tpu.vector_load %arg6[%get3A_252] {strides = array<i32>} : memref<32768xi32, #tpu.memory_space<vmem>>, vector<16xi32>,
      %add3A_254 = arith.addi %add3A_247, %get3A_253 : vector<16xi32>
      %mul3A_255 = arith.constant 16 : i32
      %mul3A_256 = arith.muli %sub3A_154, %mul3A_255 : i32
      %add3A_257 = arith.constant 28672 : i32
      %add3A_258 = arith.addi %add3A_257, %mul3A_256 : i32
      %get3A_259 = arith.index_cast %add3A_258 : i32 to index
      %get3A_260 = tpu.vector_load %arg6[%get3A_259] {strides = array<i32>} : memref<32768xi32, #tpu.memory_space<vmem>>, vector<16xi32>,
      %add3A_261 = arith.addi %add3A_254, %get3A_260 : vector<16xi32>
      %mul3A_262 = arith.constant 16 : i32
      %mul3A_263 = arith.muli %sub3A_154, %mul3A_262 : i32
      %add3A_264 = arith.constant 30720 : i32
      %add3A_265 = arith.addi %add3A_264, %mul3A_263 : i32
      %get3A_266 = arith.index_cast %add3A_265 : i32 to index
      %get3A_267 = tpu.vector_load %arg6[%get3A_266] {strides = array<i32>} : memref<32768xi32, #tpu.memory_space<vmem>>, vector<16xi32>,
      %add3A_268 = arith.addi %add3A_261, %get3A_267 : vector<16xi32>
      %cumsum3A = arith.constant true
      %cumsum3A_269 = vector.broadcast %cumsum3A : i1 to vector<16xi1>
      %cumsum3A_270 = tpu.scan <sum>, %add3A_268 masked %cumsum3A_269 : vector<16xi32>, vector<16xi1> -> vector<16xi32>
      %reduce_sum3A_271 = arith.constant true
      %reduce_sum3A_272 = vector.broadcast %reduce_sum3A_271 : i1 to vector<16xi1>
      %reduce_sum3A_273 = tpu.scan <sum>, %add3A_268 masked %reduce_sum3A_272 : vector<16xi32>, vector<16xi1> -> vector<16xi32>
      %reduce_sum3A_274 = vector.extract %reduce_sum3A_273[15] : i32 from vector<16xi32>
      %add3A_275 = arith.addi %scan3A_150, %reduce_sum3A_274 : i32
      %sub3A_276 = vector.broadcast %add3A_275 : i32 to vector<16xi32>
      %sub3A_277 = arith.subi %sub3A_276, %cumsum3A_270 : vector<16xi32>
      %add3A_278 = arith.addi %sub3A_277, %add3A_268 : vector<16xi32>
      %ge3A = vector.broadcast %sub3A_60 : i32 to vector<16xi32>
      %ge3A_279 = arith.cmpi sge, %add3A_278, %ge3A : vector<16xi32>
      %convert_element_type3A = arith.extui %ge3A_279 : vector<16xi1> to vector<16xi32>
      %reduce_sum3A_280 = arith.constant true
      %reduce_sum3A_281 = vector.broadcast %reduce_sum3A_280 : i1 to vector<16xi1>
      %reduce_sum3A_282 = tpu.scan <sum>, %convert_element_type3A masked %reduce_sum3A_281 : vector<16xi32>, vector<16xi1> -> vector<16xi32>
      %reduce_sum3A_283 = vector.extract %reduce_sum3A_282[15] : i32 from vector<16xi32>
      %sub3A_284 = arith.constant 1 : i32
      %sub3A_285 = arith.subi %reduce_sum3A_283, %sub3A_284 : i32
      %lt3A = arith.cmpi slt, %scan3A_150, %sub3A_60 : i32
      %add3A_286 = arith.addi %scan3A_150, %reduce_sum3A_274 : i32
      %ge3A_287 = arith.cmpi sge, %add3A_286, %sub3A_60 : i32
      %and3A_288 = arith.andi %lt3A, %ge3A_287 : i1
      %eq3A_289 = vector.broadcast %sub3A_285 : i32 to vector<16xi32>
      %eq3A_290 = arith.cmpi eq, %iota3A, %eq3A_289 : vector<16xi32>
      %jit3A_291 = arith.constant 0 : i32
      %broadcast_in_dim3A_292 = vector.broadcast %jit3A_291 : i32 to vector<16xi32>
      %select_n3A_293 = arith.select %eq3A_290, %add3A_278, %broadcast_in_dim3A_292 : vector<16xi1>, vector<16xi32>
      %reduce_sum3A_294 = arith.constant true
      %reduce_sum3A_295 = vector.broadcast %reduce_sum3A_294 : i1 to vector<16xi1>
      %reduce_sum3A_296 = tpu.scan <sum>, %select_n3A_293 masked %reduce_sum3A_295 : vector<16xi32>, vector<16xi1> -> vector<16xi32>
      %reduce_sum3A_297 = vector.extract %reduce_sum3A_296[15] : i32 from vector<16xi32>
      %jit3A_298 = arith.constant 0 : i32
      %broadcast_in_dim3A_299 = vector.broadcast %jit3A_298 : i32 to vector<16xi32>
      %select_n3A_300 = arith.select %eq3A_290, %add3A_268, %broadcast_in_dim3A_299 : vector<16xi1>, vector<16xi32>
      %reduce_sum3A_301 = arith.constant true
      %reduce_sum3A_302 = vector.broadcast %reduce_sum3A_301 : i1 to vector<16xi1>
      %reduce_sum3A_303 = tpu.scan <sum>, %select_n3A_300 masked %reduce_sum3A_302 : vector<16xi32>, vector<16xi1> -> vector<16xi32>
      %reduce_sum3A_304 = vector.extract %reduce_sum3A_303[15] : i32 from vector<16xi32>
      %mul3A_305 = arith.constant 16 : i32
      %mul3A_306 = arith.muli %sub3A_154, %mul3A_305 : i32
      %add3A_307 = arith.addi %mul3A_306, %sub3A_285 : i32
      %select_n3A_308 = arith.select %and3A_288, %add3A_307, %scan3A_151 : i32
      %sub3A_309 = arith.subi %reduce_sum3A_297, %reduce_sum3A_304 : i32
      %select_n3A_310 = arith.select %and3A_288, %sub3A_309, %scan3A_152 : i32
      %add3A_311 = arith.addi %scan3A_150, %reduce_sum3A_274 : i32
      scf.yield %add3A_311, %select_n3A_308, %select_n3A_310 : i32, i32, i32
    }
    %scan3A_84 = arith.constant 128 : i32
    %sub3A_85 = arith.subi %sub3A_60, %scan3A_83#2 : i32
    %shift_left3A = arith.constant 11 : i32
    %shift_left3A_86 = arith.shli %sub3A_62, %shift_left3A : i32
    %or3A = arith.ori %shift_left3A_86, %scan3A_83#1 : i32
    %scan3A_87 = arith.constant 0 : i32
    %scan3A_88 = arith.constant 0 : i32
    %scan3A_89 = arith.constant 256 : i32
    %scan3A_90 = arith.addi %scan3A_88, %scan3A_89 : i32
    %scan3A_91 = arith.constant 1 : i32
    scf.for %scan3A_149 = %scan3A_88 to %scan3A_90 step %scan3A_91  : i32 {
      %mul3A_150 = arith.constant 8 : i32
      %mul3A_151 = arith.muli %scan3A_149, %mul3A_150 : i32
      %add3A_152 = arith.constant 0 : i32
      %add3A_153 = arith.addi %mul3A_151, %add3A_152 : i32
      %mul3A_154 = arith.constant 16 : i32
      %mul3A_155 = arith.muli %add3A_153, %mul3A_154 : i32
      %swap3A_156 = arith.index_cast %mul3A_155 : i32 to index
      %swap3A_157 = tpu.vector_load %arg6[%swap3A_156] {strides = array<i32>} : memref<32768xi32, #tpu.memory_space<vmem>>, vector<16xi32>,
      tpu.vector_store %arg6[%swap3A_156], %broadcast_in_dim3A_3 {strides = array<i32>} : memref<32768xi32, #tpu.memory_space<vmem>>, vector<16xi32>,
      %mul3A_158 = arith.constant 8 : i32
      %mul3A_159 = arith.muli %scan3A_149, %mul3A_158 : i32
      %add3A_160 = arith.constant 1 : i32
      %add3A_161 = arith.addi %mul3A_159, %add3A_160 : i32
      %mul3A_162 = arith.constant 16 : i32
      %mul3A_163 = arith.muli %add3A_161, %mul3A_162 : i32
      %swap3A_164 = arith.index_cast %mul3A_163 : i32 to index
      %swap3A_165 = tpu.vector_load %arg6[%swap3A_164] {strides = array<i32>} : memref<32768xi32, #tpu.memory_space<vmem>>, vector<16xi32>,
      tpu.vector_store %arg6[%swap3A_164], %broadcast_in_dim3A_3 {strides = array<i32>} : memref<32768xi32, #tpu.memory_space<vmem>>, vector<16xi32>,
      %mul3A_166 = arith.constant 8 : i32
      %mul3A_167 = arith.muli %scan3A_149, %mul3A_166 : i32
      %add3A_168 = arith.constant 2 : i32
      %add3A_169 = arith.addi %mul3A_167, %add3A_168 : i32
      %mul3A_170 = arith.constant 16 : i32
      %mul3A_171 = arith.muli %add3A_169, %mul3A_170 : i32
      %swap3A_172 = arith.index_cast %mul3A_171 : i32 to index
      %swap3A_173 = tpu.vector_load %arg6[%swap3A_172] {strides = array<i32>} : memref<32768xi32, #tpu.memory_space<vmem>>, vector<16xi32>,
      tpu.vector_store %arg6[%swap3A_172], %broadcast_in_dim3A_3 {strides = array<i32>} : memref<32768xi32, #tpu.memory_space<vmem>>, vector<16xi32>,
      %mul3A_174 = arith.constant 8 : i32
      %mul3A_175 = arith.muli %scan3A_149, %mul3A_174 : i32
      %add3A_176 = arith.constant 3 : i32
      %add3A_177 = arith.addi %mul3A_175, %add3A_176 : i32
      %mul3A_178 = arith.constant 16 : i32
      %mul3A_179 = arith.muli %add3A_177, %mul3A_178 : i32
      %swap3A_180 = arith.index_cast %mul3A_179 : i32 to index
      %swap3A_181 = tpu.vector_load %arg6[%swap3A_180] {strides = array<i32>} : memref<32768xi32, #tpu.memory_space<vmem>>, vector<16xi32>,
      tpu.vector_store %arg6[%swap3A_180], %broadcast_in_dim3A_3 {strides = array<i32>} : memref<32768xi32, #tpu.memory_space<vmem>>, vector<16xi32>,
      %mul3A_182 = arith.constant 8 : i32
      %mul3A_183 = arith.muli %scan3A_149, %mul3A_182 : i32
      %add3A_184 = arith.constant 4 : i32
      %add3A_185 = arith.addi %mul3A_183, %add3A_184 : i32
      %mul3A_186 = arith.constant 16 : i32
      %mul3A_187 = arith.muli %add3A_185, %mul3A_186 : i32
      %swap3A_188 = arith.index_cast %mul3A_187 : i32 to index
      %swap3A_189 = tpu.vector_load %arg6[%swap3A_188] {strides = array<i32>} : memref<32768xi32, #tpu.memory_space<vmem>>, vector<16xi32>,
      tpu.vector_store %arg6[%swap3A_188], %broadcast_in_dim3A_3 {strides = array<i32>} : memref<32768xi32, #tpu.memory_space<vmem>>, vector<16xi32>,
      %mul3A_190 = arith.constant 8 : i32
      %mul3A_191 = arith.muli %scan3A_149, %mul3A_190 : i32
      %add3A_192 = arith.constant 5 : i32
      %add3A_193 = arith.addi %mul3A_191, %add3A_192 : i32
      %mul3A_194 = arith.constant 16 : i32
      %mul3A_195 = arith.muli %add3A_193, %mul3A_194 : i32
      %swap3A_196 = arith.index_cast %mul3A_195 : i32 to index
      %swap3A_197 = tpu.vector_load %arg6[%swap3A_196] {strides = array<i32>} : memref<32768xi32, #tpu.memory_space<vmem>>, vector<16xi32>,
      tpu.vector_store %arg6[%swap3A_196], %broadcast_in_dim3A_3 {strides = array<i32>} : memref<32768xi32, #tpu.memory_space<vmem>>, vector<16xi32>,
      %mul3A_198 = arith.constant 8 : i32
      %mul3A_199 = arith.muli %scan3A_149, %mul3A_198 : i32
      %add3A_200 = arith.constant 6 : i32
      %add3A_201 = arith.addi %mul3A_199, %add3A_200 : i32
      %mul3A_202 = arith.constant 16 : i32
      %mul3A_203 = arith.muli %add3A_201, %mul3A_202 : i32
      %swap3A_204 = arith.index_cast %mul3A_203 : i32 to index
      %swap3A_205 = tpu.vector_load %arg6[%swap3A_204] {strides = array<i32>} : memref<32768xi32, #tpu.memory_space<vmem>>, vector<16xi32>,
      tpu.vector_store %arg6[%swap3A_204], %broadcast_in_dim3A_3 {strides = array<i32>} : memref<32768xi32, #tpu.memory_space<vmem>>, vector<16xi32>,
      %mul3A_206 = arith.constant 8 : i32
      %mul3A_207 = arith.muli %scan3A_149, %mul3A_206 : i32
      %add3A_208 = arith.constant 7 : i32
      %add3A_209 = arith.addi %mul3A_207, %add3A_208 : i32
      %mul3A_210 = arith.constant 16 : i32
      %mul3A_211 = arith.muli %add3A_209, %mul3A_210 : i32
      %swap3A_212 = arith.index_cast %mul3A_211 : i32 to index
      %swap3A_213 = tpu.vector_load %arg6[%swap3A_212] {strides = array<i32>} : memref<32768xi32, #tpu.memory_space<vmem>>, vector<16xi32>,
      tpu.vector_store %arg6[%swap3A_212], %broadcast_in_dim3A_3 {strides = array<i32>} : memref<32768xi32, #tpu.memory_space<vmem>>, vector<16xi32>,
    }
    %scan3A_92 = arith.constant 256 : i32
    %add3A_93 = arith.constant 15 : i32
    %add3A_94 = arith.addi %scan3A_74, %add3A_93 : i32
    %shift_right_arithmetic3A = arith.constant 4 : i32
    %shift_right_arithmetic3A_95 = arith.shrsi %add3A_94, %shift_right_arithmetic3A : i32
    %while3A = arith.constant 0 : i32
    %while3A_96 = arith.constant 0 : i32
    %while3A_97 = arith.subi %shift_right_arithmetic3A_95, %while3A_96 : i32
    %while3A_98 = arith.addi %while3A_96, %while3A_97 : i32
    %while3A_99 = arith.constant 1 : i32
    %while3A_100 = arith.divsi %while3A_97, %while3A_99 : i32
    %while3A_101 = arith.muli %while3A_100, %while3A_99 : i32
    %while3A_102 = arith.addi %while3A_96, %while3A_101 : i32
    %while3A_103 = arith.constant 1 : i32
    scf.for %while3A_149 = %while3A_96 to %while3A_102 step %while3A_103  : i32 {
      %mul3A_150 = arith.constant 16 : i32
      %mul3A_151 = arith.muli %while3A_149, %mul3A_150 : i32
      %get3A_152 = arith.index_cast %mul3A_151 : i32 to index
      %get3A_153 = tpu.vector_load %arg7[%get3A_152] {strides = array<i32>} : memref<32784xi32, #tpu.memory_space<vmem>>, vector<16xi32>,
      %and3A_154 = arith.constant 32767 : i32
      %and3A_155 = vector.broadcast %and3A_154 : i32 to vector<16xi32>
      %and3A_156 = arith.andi %get3A_153, %and3A_155 : vector<16xi32>
      %mul3A_157 = arith.constant 16 : i32
      %mul3A_158 = arith.muli %while3A_149, %mul3A_157 : i32
      %add3A_159 = vector.broadcast %mul3A_158 : i32 to vector<16xi32>
      %add3A_160 = arith.addi %add3A_159, %iota3A : vector<16xi32>
      %lt3A = vector.broadcast %scan3A_74 : i32 to vector<16xi32>
      %lt3A_161 = arith.cmpi slt, %add3A_160, %lt3A : vector<16xi32>
      %gather3A = tpu.vector_load_idx %arg5[%and3A_156] masked %lt3A_161 : memref<32768xf32, #tpu.memory_space<vmem>>[vector<16xi32>], vector<16xf32>, vector<16xi1>
      %bitcast_convert_type3A = tpu.bitcast %gather3A : vector<16xf32> -> vector<16xi32>
      %shift_right_arithmetic3A_162 = arith.constant 10 : i32
      %shift_right_arithmetic3A_163 = vector.broadcast %shift_right_arithmetic3A_162 : i32 to vector<16xi32>
      %shift_right_arithmetic3A_164 = arith.shrsi %bitcast_convert_type3A, %shift_right_arithmetic3A_163 : vector<16xi32>
      %eq3A_165 = vector.broadcast %or3A : i32 to vector<16xi32>
      %eq3A_166 = arith.cmpi eq, %shift_right_arithmetic3A_164, %eq3A_165 : vector<16xi32>
      %and3A_167 = arith.andi %eq3A_166, %lt3A_161 : vector<16xi1>
      %and3A_168 = arith.constant 1023 : i32
      %and3A_169 = vector.broadcast %and3A_168 : i32 to vector<16xi32>
      %and3A_170 = arith.andi %bitcast_convert_type3A, %and3A_169 : vector<16xi32>
      %add3A_171 = arith.addi %mul3A_6, %and3A_170 : vector<16xi32>
      tpu.vector_store_idx %arg6[%add3A_171], %broadcast_in_dim3A_1 masked %and3A_167 {add = true} : memref<32768xi32, #tpu.memory_space<vmem>>[vector<16xi32>], vector<16xi32>, vector<16xi1>
    }
    %while3A_104 = arith.constant 1 : i32
    scf.for %while3A_149 = %while3A_102 to %while3A_98 step %while3A_104  : i32 {
      %mul3A_150 = arith.constant 16 : i32
      %mul3A_151 = arith.muli %while3A_149, %mul3A_150 : i32
      %get3A_152 = arith.index_cast %mul3A_151 : i32 to index
      %get3A_153 = tpu.vector_load %arg7[%get3A_152] {strides = array<i32>} : memref<32784xi32, #tpu.memory_space<vmem>>, vector<16xi32>,
      %and3A_154 = arith.constant 32767 : i32
      %and3A_155 = vector.broadcast %and3A_154 : i32 to vector<16xi32>
      %and3A_156 = arith.andi %get3A_153, %and3A_155 : vector<16xi32>
      %mul3A_157 = arith.constant 16 : i32
      %mul3A_158 = arith.muli %while3A_149, %mul3A_157 : i32
      %add3A_159 = vector.broadcast %mul3A_158 : i32 to vector<16xi32>
      %add3A_160 = arith.addi %add3A_159, %iota3A : vector<16xi32>
      %lt3A = vector.broadcast %scan3A_74 : i32 to vector<16xi32>
      %lt3A_161 = arith.cmpi slt, %add3A_160, %lt3A : vector<16xi32>
      %gather3A = tpu.vector_load_idx %arg5[%and3A_156] masked %lt3A_161 : memref<32768xf32, #tpu.memory_space<vmem>>[vector<16xi32>], vector<16xf32>, vector<16xi1>
      %bitcast_convert_type3A = tpu.bitcast %gather3A : vector<16xf32> -> vector<16xi32>
      %shift_right_arithmetic3A_162 = arith.constant 10 : i32
      %shift_right_arithmetic3A_163 = vector.broadcast %shift_right_arithmetic3A_162 : i32 to vector<16xi32>
      %shift_right_arithmetic3A_164 = arith.shrsi %bitcast_convert_type3A, %shift_right_arithmetic3A_163 : vector<16xi32>
      %eq3A_165 = vector.broadcast %or3A : i32 to vector<16xi32>
      %eq3A_166 = arith.cmpi eq, %shift_right_arithmetic3A_164, %eq3A_165 : vector<16xi32>
      %and3A_167 = arith.andi %eq3A_166, %lt3A_161 : vector<16xi1>
      %and3A_168 = arith.constant 1023 : i32
      %and3A_169 = vector.broadcast %and3A_168 : i32 to vector<16xi32>
      %and3A_170 = arith.andi %bitcast_convert_type3A, %and3A_169 : vector<16xi32>
      %add3A_171 = arith.addi %mul3A_6, %and3A_170 : vector<16xi32>
      tpu.vector_store_idx %arg6[%add3A_171], %broadcast_in_dim3A_1 masked %and3A_167 {add = true} : memref<32768xi32, #tpu.memory_space<vmem>>[vector<16xi32>], vector<16xi32>, vector<16xi1>
    }
    %scan3A_105 = arith.constant 0 : i32
    %scan3A_106 = arith.constant 0 : i32
    %scan3A_107 = arith.constant 0 : i32
    %scan3A_108 = arith.constant 0 : i32
    %scan3A_109 = arith.constant 64 : i32
    %scan3A_110 = arith.addi %scan3A_108, %scan3A_109 : i32
    %scan3A_111 = arith.constant 1 : i32
    %scan3A_112:3 = scf.for %scan3A_149 = %scan3A_108 to %scan3A_110 step %scan3A_111 iter_args(%scan3A_150 = %scan3A_105, %scan3A_151 = %scan3A_106, %scan3A_152 = %scan3A_107) -> (i32, i32, i32)  : i32 {
      %sub3A_153 = arith.constant 63 : i32
      %sub3A_154 = arith.subi %sub3A_153, %scan3A_149 : i32
      %broadcast_in_dim3A_155 = arith.constant 0 : i32
      %broadcast_in_dim3A_156 = vector.broadcast %broadcast_in_dim3A_155 : i32 to vector<16xi32>
      %mul3A_157 = arith.constant 16 : i32
      %mul3A_158 = arith.muli %sub3A_154, %mul3A_157 : i32
      %add3A_159 = arith.constant 0 : i32
      %add3A_160 = arith.addi %add3A_159, %mul3A_158 : i32
      %get3A_161 = arith.index_cast %add3A_160 : i32 to index
      %get3A_162 = tpu.vector_load %arg6[%get3A_161] {strides = array<i32>} : memref<32768xi32, #tpu.memory_space<vmem>>, vector<16xi32>,
      %add3A_163 = arith.addi %broadcast_in_dim3A_156, %get3A_162 : vector<16xi32>
      %mul3A_164 = arith.constant 16 : i32
      %mul3A_165 = arith.muli %sub3A_154, %mul3A_164 : i32
      %add3A_166 = arith.constant 2048 : i32
      %add3A_167 = arith.addi %add3A_166, %mul3A_165 : i32
      %get3A_168 = arith.index_cast %add3A_167 : i32 to index
      %get3A_169 = tpu.vector_load %arg6[%get3A_168] {strides = array<i32>} : memref<32768xi32, #tpu.memory_space<vmem>>, vector<16xi32>,
      %add3A_170 = arith.addi %add3A_163, %get3A_169 : vector<16xi32>
      %mul3A_171 = arith.constant 16 : i32
      %mul3A_172 = arith.muli %sub3A_154, %mul3A_171 : i32
      %add3A_173 = arith.constant 4096 : i32
      %add3A_174 = arith.addi %add3A_173, %mul3A_172 : i32
      %get3A_175 = arith.index_cast %add3A_174 : i32 to index
      %get3A_176 = tpu.vector_load %arg6[%get3A_175] {strides = array<i32>} : memref<32768xi32, #tpu.memory_space<vmem>>, vector<16xi32>,
      %add3A_177 = arith.addi %add3A_170, %get3A_176 : vector<16xi32>
      %mul3A_178 = arith.constant 16 : i32
      %mul3A_179 = arith.muli %sub3A_154, %mul3A_178 : i32
      %add3A_180 = arith.constant 6144 : i32
      %add3A_181 = arith.addi %add3A_180, %mul3A_179 : i32
      %get3A_182 = arith.index_cast %add3A_181 : i32 to index
      %get3A_183 = tpu.vector_load %arg6[%get3A_182] {strides = array<i32>} : memref<32768xi32, #tpu.memory_space<vmem>>, vector<16xi32>,
      %add3A_184 = arith.addi %add3A_177, %get3A_183 : vector<16xi32>
      %mul3A_185 = arith.constant 16 : i32
      %mul3A_186 = arith.muli %sub3A_154, %mul3A_185 : i32
      %add3A_187 = arith.constant 8192 : i32
      %add3A_188 = arith.addi %add3A_187, %mul3A_186 : i32
      %get3A_189 = arith.index_cast %add3A_188 : i32 to index
      %get3A_190 = tpu.vector_load %arg6[%get3A_189] {strides = array<i32>} : memref<32768xi32, #tpu.memory_space<vmem>>, vector<16xi32>,
      %add3A_191 = arith.addi %add3A_184, %get3A_190 : vector<16xi32>
      %mul3A_192 = arith.constant 16 : i32
      %mul3A_193 = arith.muli %sub3A_154, %mul3A_192 : i32
      %add3A_194 = arith.constant 10240 : i32
      %add3A_195 = arith.addi %add3A_194, %mul3A_193 : i32
      %get3A_196 = arith.index_cast %add3A_195 : i32 to index
      %get3A_197 = tpu.vector_load %arg6[%get3A_196] {strides = array<i32>} : memref<32768xi32, #tpu.memory_space<vmem>>, vector<16xi32>,
      %add3A_198 = arith.addi %add3A_191, %get3A_197 : vector<16xi32>
      %mul3A_199 = arith.constant 16 : i32
      %mul3A_200 = arith.muli %sub3A_154, %mul3A_199 : i32
      %add3A_201 = arith.constant 12288 : i32
      %add3A_202 = arith.addi %add3A_201, %mul3A_200 : i32
      %get3A_203 = arith.index_cast %add3A_202 : i32 to index
      %get3A_204 = tpu.vector_load %arg6[%get3A_203] {strides = array<i32>} : memref<32768xi32, #tpu.memory_space<vmem>>, vector<16xi32>,
      %add3A_205 = arith.addi %add3A_198, %get3A_204 : vector<16xi32>
      %mul3A_206 = arith.constant 16 : i32
      %mul3A_207 = arith.muli %sub3A_154, %mul3A_206 : i32
      %add3A_208 = arith.constant 14336 : i32
      %add3A_209 = arith.addi %add3A_208, %mul3A_207 : i32
      %get3A_210 = arith.index_cast %add3A_209 : i32 to index
      %get3A_211 = tpu.vector_load %arg6[%get3A_210] {strides = array<i32>} : memref<32768xi32, #tpu.memory_space<vmem>>, vector<16xi32>,
      %add3A_212 = arith.addi %add3A_205, %get3A_211 : vector<16xi32>
      %mul3A_213 = arith.constant 16 : i32
      %mul3A_214 = arith.muli %sub3A_154, %mul3A_213 : i32
      %add3A_215 = arith.constant 16384 : i32
      %add3A_216 = arith.addi %add3A_215, %mul3A_214 : i32
      %get3A_217 = arith.index_cast %add3A_216 : i32 to index
      %get3A_218 = tpu.vector_load %arg6[%get3A_217] {strides = array<i32>} : memref<32768xi32, #tpu.memory_space<vmem>>, vector<16xi32>,
      %add3A_219 = arith.addi %add3A_212, %get3A_218 : vector<16xi32>
      %mul3A_220 = arith.constant 16 : i32
      %mul3A_221 = arith.muli %sub3A_154, %mul3A_220 : i32
      %add3A_222 = arith.constant 18432 : i32
      %add3A_223 = arith.addi %add3A_222, %mul3A_221 : i32
      %get3A_224 = arith.index_cast %add3A_223 : i32 to index
      %get3A_225 = tpu.vector_load %arg6[%get3A_224] {strides = array<i32>} : memref<32768xi32, #tpu.memory_space<vmem>>, vector<16xi32>,
      %add3A_226 = arith.addi %add3A_219, %get3A_225 : vector<16xi32>
      %mul3A_227 = arith.constant 16 : i32
      %mul3A_228 = arith.muli %sub3A_154, %mul3A_227 : i32
      %add3A_229 = arith.constant 20480 : i32
      %add3A_230 = arith.addi %add3A_229, %mul3A_228 : i32
      %get3A_231 = arith.index_cast %add3A_230 : i32 to index
      %get3A_232 = tpu.vector_load %arg6[%get3A_231] {strides = array<i32>} : memref<32768xi32, #tpu.memory_space<vmem>>, vector<16xi32>,
      %add3A_233 = arith.addi %add3A_226, %get3A_232 : vector<16xi32>
      %mul3A_234 = arith.constant 16 : i32
      %mul3A_235 = arith.muli %sub3A_154, %mul3A_234 : i32
      %add3A_236 = arith.constant 22528 : i32
      %add3A_237 = arith.addi %add3A_236, %mul3A_235 : i32
      %get3A_238 = arith.index_cast %add3A_237 : i32 to index
      %get3A_239 = tpu.vector_load %arg6[%get3A_238] {strides = array<i32>} : memref<32768xi32, #tpu.memory_space<vmem>>, vector<16xi32>,
      %add3A_240 = arith.addi %add3A_233, %get3A_239 : vector<16xi32>
      %mul3A_241 = arith.constant 16 : i32
      %mul3A_242 = arith.muli %sub3A_154, %mul3A_241 : i32
      %add3A_243 = arith.constant 24576 : i32
      %add3A_244 = arith.addi %add3A_243, %mul3A_242 : i32
      %get3A_245 = arith.index_cast %add3A_244 : i32 to index
      %get3A_246 = tpu.vector_load %arg6[%get3A_245] {strides = array<i32>} : memref<32768xi32, #tpu.memory_space<vmem>>, vector<16xi32>,
      %add3A_247 = arith.addi %add3A_240, %get3A_246 : vector<16xi32>
      %mul3A_248 = arith.constant 16 : i32
      %mul3A_249 = arith.muli %sub3A_154, %mul3A_248 : i32
      %add3A_250 = arith.constant 26624 : i32
      %add3A_251 = arith.addi %add3A_250, %mul3A_249 : i32
      %get3A_252 = arith.index_cast %add3A_251 : i32 to index
      %get3A_253 = tpu.vector_load %arg6[%get3A_252] {strides = array<i32>} : memref<32768xi32, #tpu.memory_space<vmem>>, vector<16xi32>,
      %add3A_254 = arith.addi %add3A_247, %get3A_253 : vector<16xi32>
      %mul3A_255 = arith.constant 16 : i32
      %mul3A_256 = arith.muli %sub3A_154, %mul3A_255 : i32
      %add3A_257 = arith.constant 28672 : i32
      %add3A_258 = arith.addi %add3A_257, %mul3A_256 : i32
      %get3A_259 = arith.index_cast %add3A_258 : i32 to index
      %get3A_260 = tpu.vector_load %arg6[%get3A_259] {strides = array<i32>} : memref<32768xi32, #tpu.memory_space<vmem>>, vector<16xi32>,
      %add3A_261 = arith.addi %add3A_254, %get3A_260 : vector<16xi32>
      %mul3A_262 = arith.constant 16 : i32
      %mul3A_263 = arith.muli %sub3A_154, %mul3A_262 : i32
      %add3A_264 = arith.constant 30720 : i32
      %add3A_265 = arith.addi %add3A_264, %mul3A_263 : i32
      %get3A_266 = arith.index_cast %add3A_265 : i32 to index
      %get3A_267 = tpu.vector_load %arg6[%get3A_266] {strides = array<i32>} : memref<32768xi32, #tpu.memory_space<vmem>>, vector<16xi32>,
      %add3A_268 = arith.addi %add3A_261, %get3A_267 : vector<16xi32>
      %cumsum3A = arith.constant true
      %cumsum3A_269 = vector.broadcast %cumsum3A : i1 to vector<16xi1>
      %cumsum3A_270 = tpu.scan <sum>, %add3A_268 masked %cumsum3A_269 : vector<16xi32>, vector<16xi1> -> vector<16xi32>
      %reduce_sum3A_271 = arith.constant true
      %reduce_sum3A_272 = vector.broadcast %reduce_sum3A_271 : i1 to vector<16xi1>
      %reduce_sum3A_273 = tpu.scan <sum>, %add3A_268 masked %reduce_sum3A_272 : vector<16xi32>, vector<16xi1> -> vector<16xi32>
      %reduce_sum3A_274 = vector.extract %reduce_sum3A_273[15] : i32 from vector<16xi32>
      %add3A_275 = arith.addi %scan3A_150, %reduce_sum3A_274 : i32
      %sub3A_276 = vector.broadcast %add3A_275 : i32 to vector<16xi32>
      %sub3A_277 = arith.subi %sub3A_276, %cumsum3A_270 : vector<16xi32>
      %add3A_278 = arith.addi %sub3A_277, %add3A_268 : vector<16xi32>
      %ge3A = vector.broadcast %sub3A_85 : i32 to vector<16xi32>
      %ge3A_279 = arith.cmpi sge, %add3A_278, %ge3A : vector<16xi32>
      %convert_element_type3A = arith.extui %ge3A_279 : vector<16xi1> to vector<16xi32>
      %reduce_sum3A_280 = arith.constant true
      %reduce_sum3A_281 = vector.broadcast %reduce_sum3A_280 : i1 to vector<16xi1>
      %reduce_sum3A_282 = tpu.scan <sum>, %convert_element_type3A masked %reduce_sum3A_281 : vector<16xi32>, vector<16xi1> -> vector<16xi32>
      %reduce_sum3A_283 = vector.extract %reduce_sum3A_282[15] : i32 from vector<16xi32>
      %sub3A_284 = arith.constant 1 : i32
      %sub3A_285 = arith.subi %reduce_sum3A_283, %sub3A_284 : i32
      %lt3A = arith.cmpi slt, %scan3A_150, %sub3A_85 : i32
      %add3A_286 = arith.addi %scan3A_150, %reduce_sum3A_274 : i32
      %ge3A_287 = arith.cmpi sge, %add3A_286, %sub3A_85 : i32
      %and3A_288 = arith.andi %lt3A, %ge3A_287 : i1
      %eq3A_289 = vector.broadcast %sub3A_285 : i32 to vector<16xi32>
      %eq3A_290 = arith.cmpi eq, %iota3A, %eq3A_289 : vector<16xi32>
      %jit3A_291 = arith.constant 0 : i32
      %broadcast_in_dim3A_292 = vector.broadcast %jit3A_291 : i32 to vector<16xi32>
      %select_n3A_293 = arith.select %eq3A_290, %add3A_278, %broadcast_in_dim3A_292 : vector<16xi1>, vector<16xi32>
      %reduce_sum3A_294 = arith.constant true
      %reduce_sum3A_295 = vector.broadcast %reduce_sum3A_294 : i1 to vector<16xi1>
      %reduce_sum3A_296 = tpu.scan <sum>, %select_n3A_293 masked %reduce_sum3A_295 : vector<16xi32>, vector<16xi1> -> vector<16xi32>
      %reduce_sum3A_297 = vector.extract %reduce_sum3A_296[15] : i32 from vector<16xi32>
      %jit3A_298 = arith.constant 0 : i32
      %broadcast_in_dim3A_299 = vector.broadcast %jit3A_298 : i32 to vector<16xi32>
      %select_n3A_300 = arith.select %eq3A_290, %add3A_268, %broadcast_in_dim3A_299 : vector<16xi1>, vector<16xi32>
      %reduce_sum3A_301 = arith.constant true
      %reduce_sum3A_302 = vector.broadcast %reduce_sum3A_301 : i1 to vector<16xi1>
      %reduce_sum3A_303 = tpu.scan <sum>, %select_n3A_300 masked %reduce_sum3A_302 : vector<16xi32>, vector<16xi1> -> vector<16xi32>
      %reduce_sum3A_304 = vector.extract %reduce_sum3A_303[15] : i32 from vector<16xi32>
      %mul3A_305 = arith.constant 16 : i32
      %mul3A_306 = arith.muli %sub3A_154, %mul3A_305 : i32
      %add3A_307 = arith.addi %mul3A_306, %sub3A_285 : i32
      %select_n3A_308 = arith.select %and3A_288, %add3A_307, %scan3A_151 : i32
      %sub3A_309 = arith.subi %reduce_sum3A_297, %reduce_sum3A_304 : i32
      %select_n3A_310 = arith.select %and3A_288, %sub3A_309, %scan3A_152 : i32
      %add3A_311 = arith.addi %scan3A_150, %reduce_sum3A_274 : i32
      scf.yield %add3A_311, %select_n3A_308, %select_n3A_310 : i32, i32, i32
    }
    %scan3A_113 = arith.constant 64 : i32
    %sub3A_114 = arith.subi %sub3A_85, %scan3A_112#2 : i32
    %shift_left3A_115 = arith.constant 21 : i32
    %shift_left3A_116 = arith.shli %sub3A_62, %shift_left3A_115 : i32
    %shift_left3A_117 = arith.constant 10 : i32
    %shift_left3A_118 = arith.shli %scan3A_83#1, %shift_left3A_117 : i32
    %or3A_119 = arith.ori %shift_left3A_116, %shift_left3A_118 : i32
    %or3A_120 = arith.ori %or3A_119, %scan3A_112#1 : i32
    %while3A_121 = arith.constant 0 : i32
    %while3A_122 = arith.constant 0 : i32
    %while3A_123 = arith.constant 0 : i32
    %while3A_124 = arith.subi %shift_right_arithmetic3A_95, %while3A_121 : i32
    %while3A_125 = arith.addi %while3A_121, %while3A_124 : i32
    %while3A_126 = arith.constant 1 : i32
    %while3A_127 = arith.divsi %while3A_124, %while3A_126 : i32
    %while3A_128 = arith.muli %while3A_127, %while3A_126 : i32
    %while3A_129 = arith.addi %while3A_121, %while3A_128 : i32
    %while3A_130 = arith.constant 1 : i32
    %while3A_131:2 = scf.for %while3A_149 = %while3A_121 to %while3A_129 step %while3A_130 iter_args(%while3A_150 = %while3A_122, %while3A_151 = %while3A_123) -> (i32, i32)  : i32 {
      %mul3A_152 = arith.constant 16 : i32
      %mul3A_153 = arith.muli %while3A_149, %mul3A_152 : i32
      %get3A_154 = arith.index_cast %mul3A_153 : i32 to index
      %get3A_155 = tpu.vector_load %arg7[%get3A_154] {strides = array<i32>} : memref<32784xi32, #tpu.memory_space<vmem>>, vector<16xi32>,
      %and3A_156 = arith.constant 32767 : i32
      %and3A_157 = vector.broadcast %and3A_156 : i32 to vector<16xi32>
      %and3A_158 = arith.andi %get3A_155, %and3A_157 : vector<16xi32>
      %mul3A_159 = arith.constant 16 : i32
      %mul3A_160 = arith.muli %while3A_149, %mul3A_159 : i32
      %add3A_161 = vector.broadcast %mul3A_160 : i32 to vector<16xi32>
      %add3A_162 = arith.addi %add3A_161, %iota3A : vector<16xi32>
      %lt3A = vector.broadcast %scan3A_74 : i32 to vector<16xi32>
      %lt3A_163 = arith.cmpi slt, %add3A_162, %lt3A : vector<16xi32>
      %gather3A = tpu.vector_load_idx %arg5[%and3A_158] masked %lt3A_163 : memref<32768xf32, #tpu.memory_space<vmem>>[vector<16xi32>], vector<16xf32>, vector<16xi1>
      %bitcast_convert_type3A = tpu.bitcast %gather3A : vector<16xf32> -> vector<16xi32>
      %eq3A_164 = vector.broadcast %or3A_120 : i32 to vector<16xi32>
      %eq3A_165 = arith.cmpi eq, %bitcast_convert_type3A, %eq3A_164 : vector<16xi32>
      %and3A_166 = arith.andi %eq3A_165, %lt3A_163 : vector<16xi1>
      %convert_element_type3A = arith.extui %and3A_166 : vector<16xi1> to vector<16xi32>
      %cumsum3A = arith.constant true
      %cumsum3A_167 = vector.broadcast %cumsum3A : i1 to vector<16xi1>
      %cumsum3A_168 = tpu.scan <sum>, %convert_element_type3A masked %cumsum3A_167 : vector<16xi32>, vector<16xi1> -> vector<16xi32>
      %add3A_169 = vector.broadcast %while3A_150 : i32 to vector<16xi32>
      %add3A_170 = arith.addi %add3A_169, %cumsum3A_168 : vector<16xi32>
      %eq3A_171 = vector.broadcast %sub3A_114 : i32 to vector<16xi32>
      %eq3A_172 = arith.cmpi eq, %add3A_170, %eq3A_171 : vector<16xi32>
      %and3A_173 = arith.andi %and3A_166, %eq3A_172 : vector<16xi1>
      %add3A_174 = arith.constant 1 : i32
      %add3A_175 = vector.broadcast %add3A_174 : i32 to vector<16xi32>
      %add3A_176 = arith.addi %and3A_158, %add3A_175 : vector<16xi32>
      %jit3A_177 = arith.constant 0 : i32
      %broadcast_in_dim3A_178 = vector.broadcast %jit3A_177 : i32 to vector<16xi32>
      %select_n3A_179 = arith.select %and3A_173, %add3A_176, %broadcast_in_dim3A_178 : vector<16xi1>, vector<16xi32>
      %reduce_sum3A_180 = arith.constant true
      %reduce_sum3A_181 = vector.broadcast %reduce_sum3A_180 : i1 to vector<16xi1>
      %reduce_sum3A_182 = tpu.scan <sum>, %select_n3A_179 masked %reduce_sum3A_181 : vector<16xi32>, vector<16xi1> -> vector<16xi32>
      %reduce_sum3A_183 = vector.extract %reduce_sum3A_182[15] : i32 from vector<16xi32>
      %add3A_184 = arith.addi %while3A_151, %reduce_sum3A_183 : i32
      %reduce_sum3A_185 = arith.constant true
      %reduce_sum3A_186 = vector.broadcast %reduce_sum3A_185 : i1 to vector<16xi1>
      %reduce_sum3A_187 = tpu.scan <sum>, %convert_element_type3A masked %reduce_sum3A_186 : vector<16xi32>, vector<16xi1> -> vector<16xi32>
      %reduce_sum3A_188 = vector.extract %reduce_sum3A_187[15] : i32 from vector<16xi32>
      %add3A_189 = arith.addi %while3A_150, %reduce_sum3A_188 : i32
      scf.yield %add3A_189, %add3A_184 : i32, i32
    }
    %while3A_132 = arith.constant 1 : i32
    %while3A_133:2 = scf.for %while3A_149 = %while3A_129 to %while3A_125 step %while3A_132 iter_args(%while3A_150 = %while3A_131#0, %while3A_151 = %while3A_131#1) -> (i32, i32)  : i32 {
      %mul3A_152 = arith.constant 16 : i32
      %mul3A_153 = arith.muli %while3A_149, %mul3A_152 : i32
      %get3A_154 = arith.index_cast %mul3A_153 : i32 to index
      %get3A_155 = tpu.vector_load %arg7[%get3A_154] {strides = array<i32>} : memref<32784xi32, #tpu.memory_space<vmem>>, vector<16xi32>,
      %and3A_156 = arith.constant 32767 : i32
      %and3A_157 = vector.broadcast %and3A_156 : i32 to vector<16xi32>
      %and3A_158 = arith.andi %get3A_155, %and3A_157 : vector<16xi32>
      %mul3A_159 = arith.constant 16 : i32
      %mul3A_160 = arith.muli %while3A_149, %mul3A_159 : i32
      %add3A_161 = vector.broadcast %mul3A_160 : i32 to vector<16xi32>
      %add3A_162 = arith.addi %add3A_161, %iota3A : vector<16xi32>
      %lt3A = vector.broadcast %scan3A_74 : i32 to vector<16xi32>
      %lt3A_163 = arith.cmpi slt, %add3A_162, %lt3A : vector<16xi32>
      %gather3A = tpu.vector_load_idx %arg5[%and3A_158] masked %lt3A_163 : memref<32768xf32, #tpu.memory_space<vmem>>[vector<16xi32>], vector<16xf32>, vector<16xi1>
      %bitcast_convert_type3A = tpu.bitcast %gather3A : vector<16xf32> -> vector<16xi32>
      %eq3A_164 = vector.broadcast %or3A_120 : i32 to vector<16xi32>
      %eq3A_165 = arith.cmpi eq, %bitcast_convert_type3A, %eq3A_164 : vector<16xi32>
      %and3A_166 = arith.andi %eq3A_165, %lt3A_163 : vector<16xi1>
      %convert_element_type3A = arith.extui %and3A_166 : vector<16xi1> to vector<16xi32>
      %cumsum3A = arith.constant true
      %cumsum3A_167 = vector.broadcast %cumsum3A : i1 to vector<16xi1>
      %cumsum3A_168 = tpu.scan <sum>, %convert_element_type3A masked %cumsum3A_167 : vector<16xi32>, vector<16xi1> -> vector<16xi32>
      %add3A_169 = vector.broadcast %while3A_150 : i32 to vector<16xi32>
      %add3A_170 = arith.addi %add3A_169, %cumsum3A_168 : vector<16xi32>
      %eq3A_171 = vector.broadcast %sub3A_114 : i32 to vector<16xi32>
      %eq3A_172 = arith.cmpi eq, %add3A_170, %eq3A_171 : vector<16xi32>
      %and3A_173 = arith.andi %and3A_166, %eq3A_172 : vector<16xi1>
      %add3A_174 = arith.constant 1 : i32
      %add3A_175 = vector.broadcast %add3A_174 : i32 to vector<16xi32>
      %add3A_176 = arith.addi %and3A_158, %add3A_175 : vector<16xi32>
      %jit3A_177 = arith.constant 0 : i32
      %broadcast_in_dim3A_178 = vector.broadcast %jit3A_177 : i32 to vector<16xi32>
      %select_n3A_179 = arith.select %and3A_173, %add3A_176, %broadcast_in_dim3A_178 : vector<16xi1>, vector<16xi32>
      %reduce_sum3A_180 = arith.constant true
      %reduce_sum3A_181 = vector.broadcast %reduce_sum3A_180 : i1 to vector<16xi1>
      %reduce_sum3A_182 = tpu.scan <sum>, %select_n3A_179 masked %reduce_sum3A_181 : vector<16xi32>, vector<16xi1> -> vector<16xi32>
      %reduce_sum3A_183 = vector.extract %reduce_sum3A_182[15] : i32 from vector<16xi32>
      %add3A_184 = arith.addi %while3A_151, %reduce_sum3A_183 : i32
      %reduce_sum3A_185 = arith.constant true
      %reduce_sum3A_186 = vector.broadcast %reduce_sum3A_185 : i1 to vector<16xi1>
      %reduce_sum3A_187 = tpu.scan <sum>, %convert_element_type3A masked %reduce_sum3A_186 : vector<16xi32>, vector<16xi1> -> vector<16xi32>
      %reduce_sum3A_188 = vector.extract %reduce_sum3A_187[15] : i32 from vector<16xi32>
      %add3A_189 = arith.addi %while3A_150, %reduce_sum3A_188 : i32
      scf.yield %add3A_189, %add3A_184 : i32, i32
    }
    %eq3A_134 = arith.constant 0 : i32
    %eq3A_135 = vector.broadcast %eq3A_134 : i32 to vector<16xi32>
    %eq3A_136 = arith.cmpi eq, %iota3A, %eq3A_135 : vector<16xi32>
    %eq3A_137 = arith.constant 1 : i32
    %eq3A_138 = vector.broadcast %eq3A_137 : i32 to vector<16xi32>
    %eq3A_139 = arith.cmpi eq, %iota3A, %eq3A_138 : vector<16xi32>
    %jit3A_140 = arith.constant 0 : i32
    %broadcast_in_dim3A_141 = vector.broadcast %while3A_133#1 : i32 to vector<16xi32>
    %broadcast_in_dim3A_142 = vector.broadcast %jit3A_140 : i32 to vector<16xi32>
    %select_n3A_143 = arith.select %eq3A_139, %broadcast_in_dim3A_141, %broadcast_in_dim3A_142 : vector<16xi1>, vector<16xi32>
    %broadcast_in_dim3A_144 = vector.broadcast %or3A_120 : i32 to vector<16xi32>
    %select_n3A_145 = arith.select %eq3A_136, %broadcast_in_dim3A_144, %select_n3A_143 : vector<16xi1>, vector<16xi32>
    %swap3A = arith.constant 0 : index
    %swap3A_146 = tpu.vector_load %arg8[%swap3A] {strides = array<i32>} : memref<16xi32, #tpu.memory_space<vmem>>, vector<16xi32>,
    tpu.vector_store %arg8[%swap3A], %select_n3A_145 {strides = array<i32>} : memref<16xi32, #tpu.memory_space<vmem>>, vector<16xi32>,
    %mul3A_147 = arith.constant 16 : i32
    %mul3A_148 = arith.muli %add3A, %mul3A_147 : i32
    "tpu.region"() ({
      %run_scoped3A = tpu.sem_alloc : memref<!tpu.dma_semaphore, #tpu.memory_space<semaphore_mem>>
      %dma_start3A_149 = tpu.memref_slice %arg4[%mul3A_148] : memref<512xi32, #tpu.memory_space<hbm>> -> memref<16xi32, #tpu.memory_space<hbm>>
      %dma_start3A_150 = tpu.memref_slice %arg4[%mul3A_148] : memref<512xi32, #tpu.memory_space<hbm>> -> memref<16xi32, #tpu.memory_space<hbm>>
      tpu.enqueue_dma source(%arg8 : memref<16xi32, #tpu.memory_space<vmem>>) target(%dma_start3A_150 : memref<16xi32, #tpu.memory_space<hbm>>) target_semaphore(%run_scoped3A : memref<!tpu.dma_semaphore, #tpu.memory_space<semaphore_mem>>)
      %dma_wait3A_151 = tpu.memref_slice %arg4[%mul3A_148] : memref<512xi32, #tpu.memory_space<hbm>> -> memref<16xi32, #tpu.memory_space<hbm>>
      %dma_wait3A_152 = tpu.memref_slice %arg4[%mul3A_148] : memref<512xi32, #tpu.memory_space<hbm>> -> memref<16xi32, #tpu.memory_space<hbm>>
      tpu.wait_dma2 semaphore(%run_scoped3A : memref<!tpu.dma_semaphore, #tpu.memory_space<semaphore_mem>>) src(%arg8 : memref<16xi32, #tpu.memory_space<vmem>>) dst(%dma_wait3A_152 : memref<16xi32, #tpu.memory_space<hbm>>)
      tpu.yield
    }) : () -> ()
    return
  }
}

module attributes {stable_mosaic.version = 14 : i64} {
  func.func @_reduce_kernel(%arg0: i32, %arg1: memref<32x4096xf32, #tpu.memory_space<vmem>>, %arg2: memref<32x4096xf32, #tpu.memory_space<vmem>>, %arg3: memref<32x4096xf32, #tpu.memory_space<vmem>>, %arg4: memref<32x4096xf32, #tpu.memory_space<vmem>>, %arg5: memref<32x4096xf32, #tpu.memory_space<vmem>>, %arg6: memref<32x4096xi32, #tpu.memory_space<vmem>>, %arg7: memref<32x1xi32, #tpu.memory_space<vmem>>, %arg8: memref<32x1xi32, #tpu.memory_space<vmem>>, %arg9: memref<1x32xf32, #tpu.memory_space<vmem>>, %arg10: memref<32x8xf32, #tpu.memory_space<vmem>>, %arg11: memref<1x8xf32, #tpu.memory_space<vmem>>, %arg12: memref<32x1xf32, #tpu.memory_space<vmem>>, %arg13: memref<32x1xf32, #tpu.memory_space<vmem>>) attributes {dimension_semantics = [#tpu.dimension_semantics<arbitrary>], iteration_bounds = array<i64: 8>, scalar_prefetch = 0 : i64, scratch_operands = 0 : i64, tpu.core_type = #tpu.core_type<tc>, window_params = [{transform_indices = @transform_0, window_bounds = array<i64: 32, 4096>}, {transform_indices = @transform_1, window_bounds = array<i64: 32, 4096>}, {transform_indices = @transform_2, window_bounds = array<i64: 32, 4096>}, {transform_indices = @transform_3, window_bounds = array<i64: 32, 4096>}, {transform_indices = @transform_4, window_bounds = array<i64: 32, 4096>}, {transform_indices = @transform_5, window_bounds = array<i64: 32, 4096>}, {pipeline_mode = #tpu.pipeline_mode<synchronous>, transform_indices = @transform_6, window_bounds = array<i64: 32, 1>}, {pipeline_mode = #tpu.pipeline_mode<synchronous>, transform_indices = @transform_7, window_bounds = array<i64: 32, 1>}, {pipeline_mode = #tpu.pipeline_mode<synchronous>, transform_indices = @transform_8, window_bounds = array<i64: 1, 32>}, {pipeline_mode = #tpu.pipeline_mode<synchronous>, transform_indices = @transform_9, window_bounds = array<i64: 32, 8>}, {pipeline_mode = #tpu.pipeline_mode<synchronous>, transform_indices = @transform_10, window_bounds = array<i64: 1, 8>}, {pipeline_mode = #tpu.pipeline_mode<synchronous>, transform_indices = @transform_11, window_bounds = array<i64: 32, 1>}, {pipeline_mode = #tpu.pipeline_mode<synchronous>, transform_indices = @transform_12, window_bounds = array<i64: 32, 1>}]} {
    %get3A = arith.constant 0 : index
    %get3A_0 = arith.constant 0 : index
    %get3A_1 = vector.load %arg5[%get3A, %get3A_0] : memref<32x4096xf32, #tpu.memory_space<vmem>>, vector<32x4096xf32>
    %bitcast_convert_type3A = tpu.bitcast %get3A_1 : vector<32x4096xf32> -> vector<32x4096xi32>
    %shift_right_arithmetic3A = arith.constant 31 : i32
    %shift_right_arithmetic3A_2 = vector.broadcast %shift_right_arithmetic3A : i32 to vector<32x4096xi32>
    %shift_right_arithmetic3A_3 = arith.shrsi %bitcast_convert_type3A, %shift_right_arithmetic3A_2 : vector<32x4096xi32>
    %and3A = arith.constant 2147483647 : i32
    %and3A_4 = vector.broadcast %and3A : i32 to vector<32x4096xi32>
    %and3A_5 = arith.andi %shift_right_arithmetic3A_3, %and3A_4 : vector<32x4096xi32>
    %xor3A = arith.xori %bitcast_convert_type3A, %and3A_5 : vector<32x4096xi32>
    %eq3A = arith.constant -1 : i32
    %eq3A_6 = vector.broadcast %eq3A : i32 to vector<32x4096xi32>
    %eq3A_7 = arith.cmpi eq, %xor3A, %eq3A_6 : vector<32x4096xi32>
    %jit3A = arith.constant 0 : i32
    %broadcast_in_dim3A = vector.broadcast %jit3A : i32 to vector<32x4096xi32>
    %select_n3A = arith.select %eq3A_7, %broadcast_in_dim3A, %xor3A : vector<32x4096xi1>, vector<32x4096xi32>
    %iota3A = tpu.iota {dimensions = array<i32: 1>} : vector<32x4096xi32>
    %mul3A = arith.constant 4096 : i32
    %mul3A_8 = arith.muli %arg0, %mul3A : i32
    %add3A = vector.broadcast %mul3A_8 : i32 to vector<32x4096xi32>
    %add3A_9 = arith.addi %iota3A, %add3A : vector<32x4096xi32>
    %get3A_10 = arith.constant 0 : index
    %get3A_11 = arith.constant 0 : index
    %get3A_12 = vector.load %arg7[%get3A_10, %get3A_11] : memref<32x1xi32, #tpu.memory_space<vmem>>, vector<32x1xi32>
    %gt3A = vector.broadcast %get3A_12 : vector<32x1xi32> to vector<32x4096xi32>
    %gt3A_13 = arith.cmpi sgt, %select_n3A, %gt3A : vector<32x4096xi32>
    %eq3A_14 = vector.broadcast %get3A_12 : vector<32x1xi32> to vector<32x4096xi32>
    %eq3A_15 = arith.cmpi eq, %select_n3A, %eq3A_14 : vector<32x4096xi32>
    %get3A_16 = arith.constant 0 : index
    %get3A_17 = arith.constant 0 : index
    %get3A_18 = vector.load %arg8[%get3A_16, %get3A_17] : memref<32x1xi32, #tpu.memory_space<vmem>>, vector<32x1xi32>
    %lt3A = vector.broadcast %get3A_18 : vector<32x1xi32> to vector<32x4096xi32>
    %lt3A_19 = arith.cmpi slt, %add3A_9, %lt3A : vector<32x4096xi32>
    %and3A_20 = arith.andi %eq3A_15, %lt3A_19 : vector<32x4096xi1>
    %or3A = arith.ori %gt3A_13, %and3A_20 : vector<32x4096xi1>
    %get3A_21 = arith.constant 0 : index
    %get3A_22 = arith.constant 0 : index
    %get3A_23 = vector.load %arg6[%get3A_21, %get3A_22] : memref<32x4096xi32, #tpu.memory_space<vmem>>, vector<32x4096xi32>
    %get3A_24 = arith.constant dense<0> : vector<32x4096xi32>
    %get3A_25 = arith.cmpi ne, %get3A_23, %get3A_24 : vector<32x4096xi32>
    %not3A = arith.constant dense<true> : vector<32x4096xi1>
    %not3A_26 = arith.xori %or3A, %not3A : vector<32x4096xi1>
    %and3A_27 = arith.andi %get3A_25, %not3A_26 : vector<32x4096xi1>
    %jit3A_28 = arith.constant 1.000000e+00 : f32
    %jit3A_29 = arith.constant 0.000000e+00 : f32
    %broadcast_in_dim3A_30 = vector.broadcast %jit3A_28 : f32 to vector<32x4096xf32>
    %broadcast_in_dim3A_31 = vector.broadcast %jit3A_29 : f32 to vector<32x4096xf32>
    %select_n3A_32 = arith.select %and3A_27, %broadcast_in_dim3A_30, %broadcast_in_dim3A_31 : vector<32x4096xi1>, vector<32x4096xf32>
    %get3A_33 = arith.constant 0 : index
    %get3A_34 = arith.constant 0 : index
    %get3A_35 = vector.load %arg9[%get3A_33, %get3A_34] : memref<1x32xf32, #tpu.memory_space<vmem>>, vector<1x32xf32>
    %integer_pow3A = arith.mulf %get3A_35, %get3A_35 : vector<1x32xf32>
    %integer_pow3A_36 = arith.mulf %get3A_35, %integer_pow3A : vector<1x32xf32>
    %mul3A_37 = arith.constant 4.471500e-02 : f32
    %mul3A_38 = vector.broadcast %mul3A_37 : f32 to vector<1x32xf32>
    %mul3A_39 = arith.mulf %mul3A_38, %integer_pow3A_36 : vector<1x32xf32>
    %add3A_40 = arith.addf %get3A_35, %mul3A_39 : vector<1x32xf32>
    %mul3A_41 = arith.constant 0.797884583 : f32
    %mul3A_42 = vector.broadcast %mul3A_41 : f32 to vector<1x32xf32>
    %mul3A_43 = arith.mulf %mul3A_42, %add3A_40 : vector<1x32xf32>
    %tanh3A = math.tanh %mul3A_43 : vector<1x32xf32>
    %add3A_44 = arith.constant 1.000000e+00 : f32
    %add3A_45 = vector.broadcast %add3A_44 : f32 to vector<1x32xf32>
    %add3A_46 = arith.addf %add3A_45, %tanh3A : vector<1x32xf32>
    %mul3A_47 = arith.constant 5.000000e-01 : f32
    %mul3A_48 = vector.broadcast %mul3A_47 : f32 to vector<1x32xf32>
    %mul3A_49 = arith.mulf %mul3A_48, %add3A_46 : vector<1x32xf32>
    %mul3A_50 = arith.mulf %get3A_35, %mul3A_49 : vector<1x32xf32>
    %squeeze3A = vector.shape_cast %mul3A_50 : vector<1x32xf32> to vector<32xf32>
    %broadcast_in_dim3A_51 = vector.shape_cast %squeeze3A : vector<32xf32> to vector<32x1xf32>
    %get3A_52 = arith.constant 0 : index
    %get3A_53 = arith.constant 0 : index
    %get3A_54 = vector.load %arg10[%get3A_52, %get3A_53] : memref<32x8xf32, #tpu.memory_space<vmem>>, vector<32x8xf32>
    %mul3A_55 = vector.broadcast %broadcast_in_dim3A_51 : vector<32x1xf32> to vector<32x8xf32>
    %mul3A_56 = arith.mulf %mul3A_55, %get3A_54 : vector<32x8xf32>
    %reduce_sum3A = arith.constant dense<0.000000e+00> : vector<8xf32>
    %reduce_sum3A_57 = vector.multi_reduction <add>, %mul3A_56, %reduce_sum3A [0] : vector<32x8xf32> to vector<8xf32>
    %broadcast_in_dim3A_58 = vector.shape_cast %reduce_sum3A_57 : vector<8xf32> to vector<1x8xf32>
    %get3A_59 = arith.constant 0 : index
    %get3A_60 = arith.constant 0 : index
    %get3A_61 = vector.load %arg11[%get3A_59, %get3A_60] : memref<1x8xf32, #tpu.memory_space<vmem>>, vector<1x8xf32>
    %add3A_62 = arith.addf %broadcast_in_dim3A_58, %get3A_61 : vector<1x8xf32>
    %broadcast_in_dim3A_63 = arith.constant 0.000000e+00 : f32
    %broadcast_in_dim3A_64 = vector.broadcast %broadcast_in_dim3A_63 : f32 to vector<32x4096xf32>
    %slice3A = vector.extract_strided_slice %add3A_62 {offsets = [0, 0], sizes = [1, 1], strides = [1, 1]} : vector<1x8xf32> to vector<1x1xf32>
    %slice3A_65 = vector.extract_strided_slice %add3A_62 {offsets = [0, 1], sizes = [1, 1], strides = [1, 1]} : vector<1x8xf32> to vector<1x1xf32>
    %get3A_66 = arith.constant 0 : index
    %get3A_67 = arith.constant 0 : index
    %get3A_68 = vector.load %arg1[%get3A_66, %get3A_67] : memref<32x4096xf32, #tpu.memory_space<vmem>>, vector<32x4096xf32>
    %sub3A = vector.broadcast %slice3A : vector<1x1xf32> to vector<32x4096xf32>
    %sub3A_69 = arith.subf %sub3A, %get3A_68 : vector<32x4096xf32>
    %abs3A = math.absf %sub3A_69 : vector<32x4096xf32>
    %sub3A_70 = vector.broadcast %slice3A_65 : vector<1x1xf32> to vector<32x4096xf32>
    %sub3A_71 = arith.subf %sub3A_70, %get3A_68 : vector<32x4096xf32>
    %abs3A_72 = math.absf %sub3A_71 : vector<32x4096xf32>
    %add3A_73 = arith.addf %abs3A, %abs3A_72 : vector<32x4096xf32>
    %mul3A_74 = arith.constant 5.000000e-01 : f32
    %mul3A_75 = vector.broadcast %mul3A_74 : f32 to vector<32x4096xf32>
    %mul3A_76 = arith.mulf %mul3A_75, %add3A_73 : vector<32x4096xf32>
    %add3A_77 = arith.addf %broadcast_in_dim3A_64, %mul3A_76 : vector<32x4096xf32>
    %sub3A_78 = arith.subf %slice3A, %slice3A_65 : vector<1x1xf32>
    %abs3A_79 = math.absf %sub3A_78 : vector<1x1xf32>
    %squeeze3A_80 = vector.extract %abs3A_79[0, 0] : f32 from vector<1x1xf32>
    %mul3A_81 = arith.constant 2.500000e-01 : f32
    %mul3A_82 = arith.mulf %mul3A_81, %squeeze3A_80 : f32
    %add3A_83 = arith.constant 0.000000e+00 : f32
    %add3A_84 = arith.addf %add3A_83, %mul3A_82 : f32
    %slice3A_85 = vector.extract_strided_slice %add3A_62 {offsets = [0, 2], sizes = [1, 1], strides = [1, 1]} : vector<1x8xf32> to vector<1x1xf32>
    %slice3A_86 = vector.extract_strided_slice %add3A_62 {offsets = [0, 3], sizes = [1, 1], strides = [1, 1]} : vector<1x8xf32> to vector<1x1xf32>
    %get3A_87 = arith.constant 0 : index
    %get3A_88 = arith.constant 0 : index
    %get3A_89 = vector.load %arg2[%get3A_87, %get3A_88] : memref<32x4096xf32, #tpu.memory_space<vmem>>, vector<32x4096xf32>
    %sub3A_90 = vector.broadcast %slice3A_85 : vector<1x1xf32> to vector<32x4096xf32>
    %sub3A_91 = arith.subf %sub3A_90, %get3A_89 : vector<32x4096xf32>
    %abs3A_92 = math.absf %sub3A_91 : vector<32x4096xf32>
    %sub3A_93 = vector.broadcast %slice3A_86 : vector<1x1xf32> to vector<32x4096xf32>
    %sub3A_94 = arith.subf %sub3A_93, %get3A_89 : vector<32x4096xf32>
    %abs3A_95 = math.absf %sub3A_94 : vector<32x4096xf32>
    %add3A_96 = arith.addf %abs3A_92, %abs3A_95 : vector<32x4096xf32>
    %mul3A_97 = arith.constant 5.000000e-01 : f32
    %mul3A_98 = vector.broadcast %mul3A_97 : f32 to vector<32x4096xf32>
    %mul3A_99 = arith.mulf %mul3A_98, %add3A_96 : vector<32x4096xf32>
    %add3A_100 = arith.addf %add3A_77, %mul3A_99 : vector<32x4096xf32>
    %sub3A_101 = arith.subf %slice3A_85, %slice3A_86 : vector<1x1xf32>
    %abs3A_102 = math.absf %sub3A_101 : vector<1x1xf32>
    %squeeze3A_103 = vector.extract %abs3A_102[0, 0] : f32 from vector<1x1xf32>
    %mul3A_104 = arith.constant 2.500000e-01 : f32
    %mul3A_105 = arith.mulf %mul3A_104, %squeeze3A_103 : f32
    %add3A_106 = arith.addf %add3A_84, %mul3A_105 : f32
    %slice3A_107 = vector.extract_strided_slice %add3A_62 {offsets = [0, 4], sizes = [1, 1], strides = [1, 1]} : vector<1x8xf32> to vector<1x1xf32>
    %slice3A_108 = vector.extract_strided_slice %add3A_62 {offsets = [0, 5], sizes = [1, 1], strides = [1, 1]} : vector<1x8xf32> to vector<1x1xf32>
    %get3A_109 = arith.constant 0 : index
    %get3A_110 = arith.constant 0 : index
    %get3A_111 = vector.load %arg3[%get3A_109, %get3A_110] : memref<32x4096xf32, #tpu.memory_space<vmem>>, vector<32x4096xf32>
    %sub3A_112 = vector.broadcast %slice3A_107 : vector<1x1xf32> to vector<32x4096xf32>
    %sub3A_113 = arith.subf %sub3A_112, %get3A_111 : vector<32x4096xf32>
    %abs3A_114 = math.absf %sub3A_113 : vector<32x4096xf32>
    %sub3A_115 = vector.broadcast %slice3A_108 : vector<1x1xf32> to vector<32x4096xf32>
    %sub3A_116 = arith.subf %sub3A_115, %get3A_111 : vector<32x4096xf32>
    %abs3A_117 = math.absf %sub3A_116 : vector<32x4096xf32>
    %add3A_118 = arith.addf %abs3A_114, %abs3A_117 : vector<32x4096xf32>
    %mul3A_119 = arith.constant 5.000000e-01 : f32
    %mul3A_120 = vector.broadcast %mul3A_119 : f32 to vector<32x4096xf32>
    %mul3A_121 = arith.mulf %mul3A_120, %add3A_118 : vector<32x4096xf32>
    %add3A_122 = arith.addf %add3A_100, %mul3A_121 : vector<32x4096xf32>
    %sub3A_123 = arith.subf %slice3A_107, %slice3A_108 : vector<1x1xf32>
    %abs3A_124 = math.absf %sub3A_123 : vector<1x1xf32>
    %squeeze3A_125 = vector.extract %abs3A_124[0, 0] : f32 from vector<1x1xf32>
    %mul3A_126 = arith.constant 2.500000e-01 : f32
    %mul3A_127 = arith.mulf %mul3A_126, %squeeze3A_125 : f32
    %add3A_128 = arith.addf %add3A_106, %mul3A_127 : f32
    %slice3A_129 = vector.extract_strided_slice %add3A_62 {offsets = [0, 6], sizes = [1, 1], strides = [1, 1]} : vector<1x8xf32> to vector<1x1xf32>
    %slice3A_130 = vector.extract_strided_slice %add3A_62 {offsets = [0, 7], sizes = [1, 1], strides = [1, 1]} : vector<1x8xf32> to vector<1x1xf32>
    %get3A_131 = arith.constant 0 : index
    %get3A_132 = arith.constant 0 : index
    %get3A_133 = vector.load %arg4[%get3A_131, %get3A_132] : memref<32x4096xf32, #tpu.memory_space<vmem>>, vector<32x4096xf32>
    %sub3A_134 = vector.broadcast %slice3A_129 : vector<1x1xf32> to vector<32x4096xf32>
    %sub3A_135 = arith.subf %sub3A_134, %get3A_133 : vector<32x4096xf32>
    %abs3A_136 = math.absf %sub3A_135 : vector<32x4096xf32>
    %sub3A_137 = vector.broadcast %slice3A_130 : vector<1x1xf32> to vector<32x4096xf32>
    %sub3A_138 = arith.subf %sub3A_137, %get3A_133 : vector<32x4096xf32>
    %abs3A_139 = math.absf %sub3A_138 : vector<32x4096xf32>
    %add3A_140 = arith.addf %abs3A_136, %abs3A_139 : vector<32x4096xf32>
    %mul3A_141 = arith.constant 5.000000e-01 : f32
    %mul3A_142 = vector.broadcast %mul3A_141 : f32 to vector<32x4096xf32>
    %mul3A_143 = arith.mulf %mul3A_142, %add3A_140 : vector<32x4096xf32>
    %add3A_144 = arith.addf %add3A_122, %mul3A_143 : vector<32x4096xf32>
    %sub3A_145 = arith.subf %slice3A_129, %slice3A_130 : vector<1x1xf32>
    %abs3A_146 = math.absf %sub3A_145 : vector<1x1xf32>
    %squeeze3A_147 = vector.extract %abs3A_146[0, 0] : f32 from vector<1x1xf32>
    %mul3A_148 = arith.constant 2.500000e-01 : f32
    %mul3A_149 = arith.mulf %mul3A_148, %squeeze3A_147 : f32
    %add3A_150 = arith.addf %add3A_128, %mul3A_149 : f32
    %eq3A_151 = arith.constant 0 : i32
    %eq3A_152 = arith.cmpi eq, %arg0, %eq3A_151 : i32
    %convert_element_type3A = arith.extui %eq3A_152 : i1 to i32
    %cond3A = arith.constant 0 : i32
    %cond3A_153 = arith.cmpi ne, %convert_element_type3A, %cond3A : i32
    scf.if %cond3A_153 {
      %broadcast_in_dim3A_177 = arith.constant 0.000000e+00 : f32
      %broadcast_in_dim3A_178 = vector.broadcast %broadcast_in_dim3A_177 : f32 to vector<32x1xf32>
      %swap3A_179 = arith.constant 0 : index
      %swap3A_180 = arith.constant 0 : index
      %swap3A_181 = vector.load %arg12[%swap3A_179, %swap3A_180] : memref<32x1xf32, #tpu.memory_space<vmem>>, vector<32x1xf32>
      tpu.vector_store %arg12[%swap3A_179, %swap3A_180], %broadcast_in_dim3A_178 {strides = array<i32>} : memref<32x1xf32, #tpu.memory_space<vmem>>, vector<32x1xf32>,
      %broadcast_in_dim3A_182 = arith.constant 0.000000e+00 : f32
      %broadcast_in_dim3A_183 = vector.broadcast %broadcast_in_dim3A_182 : f32 to vector<32x1xf32>
      %swap3A_184 = arith.constant 0 : index
      %swap3A_185 = arith.constant 0 : index
      %swap3A_186 = vector.load %arg13[%swap3A_184, %swap3A_185] : memref<32x1xf32, #tpu.memory_space<vmem>>, vector<32x1xf32>
      tpu.vector_store %arg13[%swap3A_184, %swap3A_185], %broadcast_in_dim3A_183 {strides = array<i32>} : memref<32x1xf32, #tpu.memory_space<vmem>>, vector<32x1xf32>,
    } else {
    }
    %reduce_sum3A_154 = arith.constant dense<0.000000e+00> : vector<32xf32>
    %reduce_sum3A_155 = vector.multi_reduction <add>, %select_n3A_32, %reduce_sum3A_154 [1] : vector<32x4096xf32> to vector<32xf32>
    %broadcast_in_dim3A_156 = vector.shape_cast %reduce_sum3A_155 : vector<32xf32> to vector<32x1xf32>
    %get3A_157 = arith.constant 0 : index
    %get3A_158 = arith.constant 0 : index
    %get3A_159 = vector.load %arg12[%get3A_157, %get3A_158] : memref<32x1xf32, #tpu.memory_space<vmem>>, vector<32x1xf32>
    %mul3A_160 = arith.mulf %select_n3A_32, %add3A_144 : vector<32x4096xf32>
    %reduce_sum3A_161 = arith.constant dense<0.000000e+00> : vector<32xf32>
    %reduce_sum3A_162 = vector.multi_reduction <add>, %mul3A_160, %reduce_sum3A_161 [1] : vector<32x4096xf32> to vector<32xf32>
    %broadcast_in_dim3A_163 = vector.shape_cast %reduce_sum3A_162 : vector<32xf32> to vector<32x1xf32>
    %mul3A_164 = vector.broadcast %add3A_150 : f32 to vector<32x1xf32>
    %mul3A_165 = arith.mulf %mul3A_164, %broadcast_in_dim3A_156 : vector<32x1xf32>
    %sub3A_166 = arith.subf %broadcast_in_dim3A_163, %mul3A_165 : vector<32x1xf32>
    %add3A_167 = arith.addf %get3A_159, %sub3A_166 : vector<32x1xf32>
    %swap3A = arith.constant 0 : index
    %swap3A_168 = arith.constant 0 : index
    %swap3A_169 = vector.load %arg12[%swap3A, %swap3A_168] : memref<32x1xf32, #tpu.memory_space<vmem>>, vector<32x1xf32>
    tpu.vector_store %arg12[%swap3A, %swap3A_168], %add3A_167 {strides = array<i32>} : memref<32x1xf32, #tpu.memory_space<vmem>>, vector<32x1xf32>,
    %get3A_170 = arith.constant 0 : index
    %get3A_171 = arith.constant 0 : index
    %get3A_172 = vector.load %arg13[%get3A_170, %get3A_171] : memref<32x1xf32, #tpu.memory_space<vmem>>, vector<32x1xf32>
    %add3A_173 = arith.addf %get3A_172, %broadcast_in_dim3A_156 : vector<32x1xf32>
    %swap3A_174 = arith.constant 0 : index
    %swap3A_175 = arith.constant 0 : index
    %swap3A_176 = vector.load %arg13[%swap3A_174, %swap3A_175] : memref<32x1xf32, #tpu.memory_space<vmem>>, vector<32x1xf32>
    tpu.vector_store %arg13[%swap3A_174, %swap3A_175], %add3A_173 {strides = array<i32>} : memref<32x1xf32, #tpu.memory_space<vmem>>, vector<32x1xf32>,
    return
  }
  func.func @transform_0(%arg0: i32) -> (i32, i32) {
    %c0_i32 = arith.constant 0 : i32
    %c0_i32_0 = arith.constant 0 : i32
    return %c0_i32, %arg0 : i32, i32
  }
  func.func @transform_1(%arg0: i32) -> (i32, i32) {
    %c0_i32 = arith.constant 0 : i32
    %c0_i32_0 = arith.constant 0 : i32
    return %c0_i32, %arg0 : i32, i32
  }
  func.func @transform_2(%arg0: i32) -> (i32, i32) {
    %c0_i32 = arith.constant 0 : i32
    %c0_i32_0 = arith.constant 0 : i32
    return %c0_i32, %arg0 : i32, i32
  }
  func.func @transform_3(%arg0: i32) -> (i32, i32) {
    %c0_i32 = arith.constant 0 : i32
    %c0_i32_0 = arith.constant 0 : i32
    return %c0_i32, %arg0 : i32, i32
  }
  func.func @transform_4(%arg0: i32) -> (i32, i32) {
    %c0_i32 = arith.constant 0 : i32
    %c0_i32_0 = arith.constant 0 : i32
    return %c0_i32, %arg0 : i32, i32
  }
  func.func @transform_5(%arg0: i32) -> (i32, i32) {
    %c0_i32 = arith.constant 0 : i32
    %c0_i32_0 = arith.constant 0 : i32
    return %c0_i32, %arg0 : i32, i32
  }
  func.func @transform_6(%arg0: i32) -> (i32, i32) {
    %c0_i32 = arith.constant 0 : i32
    %c0_i32_0 = arith.constant 0 : i32
    %c0_i32_1 = arith.constant 0 : i32
    return %c0_i32, %c0_i32_0 : i32, i32
  }
  func.func @transform_7(%arg0: i32) -> (i32, i32) {
    %c0_i32 = arith.constant 0 : i32
    %c0_i32_0 = arith.constant 0 : i32
    %c0_i32_1 = arith.constant 0 : i32
    return %c0_i32, %c0_i32_0 : i32, i32
  }
  func.func @transform_8(%arg0: i32) -> (i32, i32) {
    %c0_i32 = arith.constant 0 : i32
    %c0_i32_0 = arith.constant 0 : i32
    %c0_i32_1 = arith.constant 0 : i32
    return %c0_i32, %c0_i32_0 : i32, i32
  }
  func.func @transform_9(%arg0: i32) -> (i32, i32) {
    %c0_i32 = arith.constant 0 : i32
    %c0_i32_0 = arith.constant 0 : i32
    %c0_i32_1 = arith.constant 0 : i32
    return %c0_i32, %c0_i32_0 : i32, i32
  }
  func.func @transform_10(%arg0: i32) -> (i32, i32) {
    %c0_i32 = arith.constant 0 : i32
    %c0_i32_0 = arith.constant 0 : i32
    %c0_i32_1 = arith.constant 0 : i32
    return %c0_i32, %c0_i32_0 : i32, i32
  }
  func.func @transform_11(%arg0: i32) -> (i32, i32) {
    %c0_i32 = arith.constant 0 : i32
    %c0_i32_0 = arith.constant 0 : i32
    %c0_i32_1 = arith.constant 0 : i32
    return %c0_i32, %c0_i32_0 : i32, i32
  }
  func.func @transform_12(%arg0: i32) -> (i32, i32) {
    %c0_i32 = arith.constant 0 : i32
    %c0_i32_0 = arith.constant 0 : i32
    %c0_i32_1 = arith.constant 0 : i32
    return %c0_i32, %c0_i32_0 : i32, i32
  }
}

</mosaic_0001>

<sc_bundles>
// kernel: kernel.4.cloned.1.call-start
scs
__scs_entry_jumppad:
0x0: {  	(pc) =	sbr.rel $0x88, $3  }
0x1: {  	(tag) =	ssettag $0x0;
	lr =	simm.s32 $0x1  }
0x2: {  	[smem:$0x3F9A] =	sst lr;
	_ =	strace $0xD0000000  }
0x3: {  	_ = 	snop  }
0x4: {  	_ = 	snop  }
0x5: {  	_ = 	snop  }
0x6: {  	_ = 	snop  }
0x7: {  	_ = 	snop  }
__scs_overlays_trampoline_lowered:
0x8: {  	[smem:$0x3FA9] =	sst s0  }
0x9: {  	[smem:$0x3FAA] =	sst s1  }
0xa: {  	[smem:$0x3FAB] =	sst s2  }
0xb: {  	[smem:$0x3FAC] =	sst s3  }
0xc: {  	[smem:$0x3FAD] =	sst s4  }
0xd: {  	[smem:$0x3FAE] =	sst s5  }
0xe: {  	[smem:$0x3FAF] =	sst s6  }
0xf: {  	[smem:$0x3FB0] =	sst s7  }
0x10: {  	[smem:$0x3FB1] =	sst s8  }
0x11: {  	[smem:$0x3FB2] =	sst s9;
	s0 =	simm.s32 @!p0 $0x0  }
0x12: {  	s1 =	sld [smem:$0x3F98];
	s0 =	simm.s32 @p0 $0x1  }
0x13: {  	[smem:$0x3FB3] =	sst s0;
	s0 =	simm.s32 @!p1 $0x0  }
0x14: {  	s2 =	sld [smem:$0x3F97];
	s0 =	simm.s32 @p1 $0x1  }
0x15: {  	[smem:$0x3FB4] =	sst s0;
	s0 =	simm.s32 @!p2 $0x0  }
0x16: {  	s3 =	sld [smem:$0x3FDB];
	s0 =	simm.s32 @p2 $0x1  }
0x17: {  	s4 =	simm.s32 $0x1BF5;
	[smem:$0x3FB6] =	sst s0  }
0x18: {  	s0 =	sld [smem:$0x3F99];
	_ =	swait.ge [sflag:s4], $0x0  }
0x19: {  	s7 =	sld [smem:$0x3F9A]  }
0x1a: {  	s8 =	sadd.s32 $0xFFFFE003, lr  }
0x1b: {  	s9 =	sadd.s32 $0xFFFFFEF7, lr;
	s5 =	simm.s32 $0xFFFFFFFF;
	p2 =	slt.u32 s8, $0xFFFFF086  }
0x1c: {  	p1 =	slt.u32 s9, $0xF7A;
	s5 =	simm.s32 @!p2 $0x0  }
0x1d: {  	s5 =	simm.s32 @p1 $0x1;
	p0 =	seq.s32 s7, s2  }
0x1e: {  	s7 =	smul.u32 @!p0 $0xF7A, s2;
	p2 =	seq.s32 @!p0 s5, $0x0  }
0x1f: {  	s9 =	smul.u32 $0xF7A, s1;
	s8 =	simm.s32 @!p0 $0x1BF5;
	p2 =	por !p2, p0  }
0x20: {  	[sflag:s8] =	ssyncset.s32 @!p0 $0xFFFFF086;
	s6 =	sadd.s32 @!p0 s3, s7;
	s7 =	simm.s32 @!p0 $0x108  }
0x21: {  	s3 =	sadd.s32 s3, s9;
	s6 =	sadd.s32 @!p0 $0x88, s6;
	s7 =	simm.s32 @p2 $0x1082  }
0x22: {  	[simem:s7], [sflag:s8] =	dma.local @!p0 [hbm:s6], $0xF7A  }
0x23: {  	s9 =	sor.u32 $0xD0000000, s2;
	s6 =	simm.s32 $0x108;
	_ =	swait.ge @!p0 [sflag:s8], $0x0  }
0x24: {  	s3 =	sadd.s32 $0x88, s3;
	s6 =	simm.s32 @!p1 $0x1082;
	[sflag:s4] =	ssyncset.s32 $0xFFFFF086  }
0x25: {  	[simem:s6], [sflag:s4] =	dma.local [hbm:s3], $0xF7A  }
0x26: {  	[smem:$0x3F9A] =	sst s1;
	(tag) =	ssettag s2;
	_ =	strace s9  }
0x27: {  	s1 =	sld [smem:$0x3FAA]  }
0x28: {  	s2 =	sld [smem:$0x3FAB]  }
0x29: {  	s4 =	sld [smem:$0x3FAD]  }
0x2a: {  	p0 =	seq.s32 s5, $0x0;
	s5 =	sld [smem:$0x3FAE]  }
0x2b: {  	s6 =	sld [smem:$0x3FAF]  }
0x2c: {  	s7 =	sld [smem:$0x3FB0]  }
0x2d: {  	s3 =	simm.s32 $0x108;
	s8 =	sld [smem:$0x3FB1]  }
0x2e: {  	s3 =	simm.s32 @!p0 $0x1082;
	s9 =	sld [smem:$0x3FB2]  }
0x2f: {  	lr =	sadd.s32 s0, s3;
	s0 =	sld [smem:$0x3FA9]  }
0x30: {  	s3 =	sld [smem:$0x3FAC]  }
0x31: {  	[smem:$0x3FB5] =	sst s10  }
0x32: {  	s10 =	sld [smem:$0x3FB3];
	_ =	sdelay $0x3  }
0x33: {  	p0 =	seq.s32 s10, $0x1;
	s10 =	sld [smem:$0x3FB5];
	_ =	sdelay $0x3  }
0x34: {  	[smem:$0x3FB5] =	sst s10  }
0x35: {  	s10 =	sld [smem:$0x3FB4];
	_ =	sdelay $0x3  }
0x36: {  	p1 =	seq.s32 s10, $0x1;
	s10 =	sld [smem:$0x3FB5];
	_ =	sdelay $0x3  }
0x37: {  	[smem:$0x3FB5] =	sst s10  }
0x38: {  	s10 =	sld [smem:$0x3FB6]  }
0x39: {  	_ = 	snop;
	(pc) =	sbr.ind lr, $3  }
0x3a: {  	_ = 	snop  }
0x3b: {  	_ = 	snop  }
0x3c: {  	p2 =	seq.s32 s10, $0x1;
	s10 =	sld [smem:$0x3FB5]  }
0x3d: {  	_ =	shalt  }
0x3e: {  	_ =	shalt  }
0x3f: {  	_ =	shalt  }
0x40: {  	_ =	shalt  }
0x41: {  	_ =	shalt  }
0x42: {  	_ =	shalt  }
0x43: {  	_ =	shalt  }
0x44: {  	_ =	shalt  }
0x45: {  	_ =	shalt  }
0x46: {  	_ =	shalt  }
0x47: {  	_ =	shalt  }
0x48: {  	_ =	shalt  }
0x49: {  	_ =	shalt  }
0x4a: {  	_ =	shalt  }
0x4b: {  	_ =	shalt  }
0x4c: {  	_ =	shalt  }
0x4d: {  	_ =	shalt  }
0x4e: {  	_ =	shalt  }
0x4f: {  	_ =	shalt  }
0x50: {  	_ =	shalt  }
0x51: {  	_ =	shalt  }
0x52: {  	_ =	shalt  }
0x53: {  	_ =	shalt  }
0x54: {  	_ =	shalt  }
0x55: {  	_ =	shalt  }
0x56: {  	_ =	shalt  }
0x57: {  	_ =	shalt  }
0x58: {  	_ =	shalt  }
0x59: {  	_ =	shalt  }
0x5a: {  	_ =	shalt  }
0x5b: {  	_ =	shalt  }
0x5c: {  	_ =	shalt  }
0x5d: {  	_ =	shalt  }
0x5e: {  	_ =	shalt  }
0x5f: {  	_ =	shalt  }
0x60: {  	_ =	shalt  }
0x61: {  	_ =	shalt  }
0x62: {  	_ =	shalt  }
0x63: {  	_ =	shalt  }
0x64: {  	_ =	shalt  }
0x65: {  	_ =	shalt  }
0x66: {  	_ =	shalt  }
0x67: {  	_ =	shalt  }
0x68: {  	_ =	shalt  }
0x69: {  	_ =	shalt  }
0x6a: {  	_ =	shalt  }
0x6b: {  	_ =	shalt  }
0x6c: {  	_ =	shalt  }
0x6d: {  	_ =	shalt  }
0x6e: {  	_ =	shalt  }
0x6f: {  	_ =	shalt  }
0x70: {  	_ =	shalt  }
0x71: {  	_ =	shalt  }
0x72: {  	_ =	shalt  }
0x73: {  	_ =	shalt  }
0x74: {  	_ =	shalt  }
0x75: {  	_ =	shalt  }
0x76: {  	_ =	shalt  }
0x77: {  	_ =	shalt  }
0x78: {  	_ =	shalt  }
0x79: {  	_ =	shalt  }
0x7a: {  	_ =	shalt  }
0x7b: {  	_ =	shalt  }
0x7c: {  	_ =	shalt  }
0x7d: {  	_ =	shalt  }
0x7e: {  	_ =	shalt  }
0x7f: {  	_ =	shalt  }
0x80: {  	_ =	shalt  }
0x81: {  	_ =	shalt  }
0x82: {  	_ =	shalt  }
0x83: {  	_ =	shalt  }
0x84: {  	_ =	shalt  }
0x85: {  	_ =	shalt  }
0x86: {  	_ =	shalt  }
0x87: {  	_ =	shalt  }
.Lfunc_end0:
.L_simem_size_0:
called_computation_lowered:
.L_overlay_start_0:
0x88: {  	s2 =	sld [smem:$0x3FD9]  }
0x89: {  	s3 =	sld [smem:$0x3FFE];
	_ =	sdelay $0x1  }
0x8a: {  	s1 =	srdreg.scid  }
0x8b: {  	s0 =	sand.u32 $0x1, s1  }
0x8c: {  	s17 =	sshll.u32 s0, $0xA;
	s2 =	sadd.s32 s3, s2  }
0x8d: {  	s2 =	sadd.s32 s2, s17  }
0x8e: {  	[smem:$0x3FC1] =	sst s2  }
0x8f: {  	_ = 	snop  }
0x90: {  	s2 =	sld [smem:$0x3FC7];
	(tm) =	ssettm $0x1  }
0x91: {  	s18 =	sld [smem:$0x3FFB];
	_ =	sdelay $0x3  }
0x92: {  	_ =	strace s18  }
0x93: {  	s3 =	sld [smem:$0x3FFC];
	_ =	sdelay $0x3  }
0x94: {  	_ =	strace s3  }
0x95: {  	s3 =	sld [smem:$0x3FFD];
	_ =	sdelay $0x3  }
0x96: {  	_ =	strace s3  }
0x97: {  	_ =	strace $0x8FFFFFFF  }
0x98: {  	s19 =	sld [smem:$0x3FDB];
	_ =	sdelay $0x1  }
0x99: {  	s4 =	simm.s32 $_scs_section_size  }
0x9a: {  	s5 =	simm.s32 $_size__tile_overlayer_lowered;
	s6 =	simm.s32 $_tile_overlayer_lowered  }
0x9b: {  	s22 =	simm.s32 $0x1BFF;
	s21 =	sshll.u32 s6, $0x1;
	s3 =	sadd.s32 s4, s19  }
0x9c: {  	s7 =	simm.s32 $0x0;
	s20 =	sshll.u32 s5, $0x1;
	s5 =	sadd.s32 s21, s3  }
0x9d: {  	[timem:s7], [sflag:s22] =	dma.local [hbm:s5], s20  }
0x9e: {  	_ =	swait.ge [sflag:s22], s20  }
0x9f: {  	s4 =	ssub.s32 $0x0, s20;
	[sflag:s22] =	ssyncset.done $0x0  }
0xa0: {  	[sflag:s22] =	ssyncadd.s32 s4;
	_ =	sdelay $0x1  }
0xa1: {  	s23 =	simm.s32 $0x1B8B  }
0xa2: {  	_ =	swait.ge [sflag:s23], $0x1  }
0xa3: {  	[sflag:s23] =	ssyncset.done $0x0  }
0xa4: {  	s25 =	simm.s32 $0x1B8E;
	s24 =	sld [smem:$0x3FFE];
	[sflag:s23] =	ssyncadd.s32 $0xFFFFFFFF  }
0xa5: {  	s26 =	simm.s32 $execute0_lowered;
	[smem:$0x3FD2] =	sst s25  }
0xa6: {  	s5 =	sshll.u32 s26, $0x1;
	_ =	strace $0x80000046;
	[dreg:$0x1] =	wrdreg $0xFFFFFFFF  }
0xa7: {  	s28 =	simm.s32 $_size_execute0_lowered;
	s3 =	sadd.s32 s3, s5;
	[dreg:$0x0] =	wrdreg $0x0  }
0xa8: {  	s5 =	sshll.u32 s28, $0x1;
	[dreg:$0x2] =	wrdreg s3  }
0xa9: {  	[dreg:$0x3] =	wrdreg s5  }
0xaa: {  	[dreg:$0x4] =	wrdreg $0xC0  }
0xab: {  	_ =	task [dreg:s7], $0x5FFFF  }
0xac: {  	[dreg:$0x1] =	wrdreg $0xFFFFFFFF  }
0xad: {  	[dreg:$0x0] =	wrdreg $0x60  }
0xae: {  	[dreg:$0x2] =	wrdreg s24  }
0xaf: {  	[dreg:$0x3] =	wrdreg s2  }
0xb0: {  	[dreg:$0x4] =	wrdreg $0x9  }
0xb1: {  	_ =	task.clear_ibuf [dreg:s7], $0x5FFFF;
	_ =	strace $0x90000046  }
0xb2: {  	s29 =	simm.s32 $0x9;
	_ =	strace $0x80000048  }
0xb3: {  	_ =	swait.ge [sflag:s29], $0x1  }
0xb4: {  	[sflag:s29] =	ssyncadd.s32 $0xFFFFFFFF  }
0xb5: {  	_ =	strace $0x90000048  }
0xb6: {  	_ =	sfence  }
0xb7: {  	s30 =	sld [smem:$0x0];
	_ =	sdelay $0x2  }
0xb8: {  	s31 =	sshll.u32 s1, $0xD;
	s1 =	sshrl.u32 s1, $0x2  }
0xb9: {  	s3 =	sand.u32 $0x4000, s31;
	s1 =	sadd.s32 s1, s30  }
0xba: {  	s0 =	sor.u32 s3, s0;
	s1 =	sshll.u32 s1, $0x11  }
0xbb: {  	s0 =	sor.u32 s1, s0  }
0xbc: {  	s0 =	sadd.s32 $0x8F2B, s0  }
0xbd: {  	[sflag:s0] =	ssyncadd.remote.s32 $0x1  }
0xbe: {  	_ =	sfence.sel $0xFFFF  }
0xbf: {  	[dreg:$0x0] =	wrdreg $0xFFFFFFFF;
	(pc) =	sbr.abs _section_cstart, $3  }
0xc0: {  	[dreg:$0x1] =	wrdreg $0xFFFFFFFF  }
0xc1: {  	_ =	task.clear_ibuf [dreg:s7], $0x2FFFF;
	_ =	strace $0x9FFFFFFF  }
0xc2: {  	(tm) =	ssettm $0x7FFFFFFF  }
0xc3: {  	_ =	shalt  }
tec
execute0_lowered:
.L_overlay_start_1:
0x0: {  	(tag) =	ssettag $0x1  }
0x1: {  	s0 =	rddreg [dreg:$0x0]  }
0x2: {  	s1 =	rddreg [dreg:$0x1];
	s3 =	srdreg.scid  }
0x3: {  	s4 =	stileid.u32;
	s2 =	simm.s32 $0x0;
	s8 =	simm.s32 $0x2  }
0x4: {  	s3 =	sand.u32 $0x1, s3;
	s4 =	sshll.u32 s4, $0x1;
	[smem:$0x7FF] =	sst s2  }
0x5: {  	s5 =	sor.u32 s3, s4;
	_ =	strace $0x80000047;
	s3 =	ssub.s32 $0x2, s3  }
0x6: {  	s4 =	sand.u32 $0x10, s4;
	s6 =	sshll.u32 s5, $0xC;
	s7 =	sshll.u32 s5, $0x1  }
0x7: {  	s30 =	sshrl.u32 s3, $0x1;
	s5 =	ssub.s32 s5, s4;
	s4 =	sshrl.u32 s4, $0x3  }
.Ltmp0:
0x8: {  	s6 =	sadd.s32 s6, s0;
	s1 =	sadd.s32 s1, s4;
	(pc) =	sbr.rel .LBB2_1-.Ltmp0, $4  }
0x9: {  	v0 =	vlaneseq.u32;
	s0 =	sadd.s32 s7, s0;
	v5 =	vmov s5;
	s6 =	sadd.s32 $0x1600, s6;
	[dreg:$0x4] =	wrdreg s1  }
0xa: {  	v1 =	vmul.u32 $0x800, v0;
	s3 =	ssub.s32 s3, s30;
	s0 =	sadd.s32 $0x21600, s0;
	vm0 =	veq.s32 v5, v0;
	v5 =	vimm.s32 $0x0;
	[dreg:$0x3] =	wrdreg s6  }
0xb: {  	s10 =	simm.s32 $0x8000;
	s31 =	smax.u32 s3, $0x1;
	[dreg:$0x5] =	wrdreg s0;
	v5 =	vsel vm0, $0xFFFFFFFF, v5  }
0xc: {  	v2 =	vimm.s32 $0x0;
	v4 =	vimm.s32 $0x1;
	s9 =	simm.s32 $0x0;
	v3 =	vor.u32 $0x400, v1;
	s7 =	simm.s32 $0x18080;
	[dreg:$0x6] =	wrdreg s31;
	[tilespmem:$0x1FFF0] =	vst v5  }
.LBB2_21:
0xd: {  	s0 =	simm.s32 $0x0  }
0xe: {  	s7 =	simm.s32 $0x18080;
	s8 =	simm.s32 $0x2;
	s9 =	rddreg [dreg:$0x7]  }
.LBB2_45:
0xf: {  	vm0 =	vcmask $0x300  }
0x10: {  	vm15 =	vcmask $0x704;
	v5 =	vnsel vm0, $0x0, v6  }
0x11: {  	v5 =	vsel vm15, s0, v5  }
0x12: {  	s30 =	rddreg [dreg:$0x5];
	[tilespmem:$0x18080] =	vst v5  }
0x13: {  	[hbm4b:s30+s2] =	stream.linear.scatter [tilespmem:s7], [sflag:$0x2], $0x10, $0x38;
	[tilespmem:$0x18100] =	vst v63  }
0x14: {  	_ =	swait.ge [sflag:s8], $0x10  }
0x15: {  	s9 =	sadd.s32 $0x1, s9;
	s31 =	rddreg [dreg:$0x6]  }
0x16: {  	p0 =	sne.s32 s9, s31  }
.Ltmp1:
0x17: {  	_ = 	snop;
	(pc) =	sbr.rel @!p0 .LBB2_46-.Ltmp1, $3  }
0x18: {  	_ =	sdelay $0x1  }
0x19: {  	[sflag:s8] =	ssyncset.done $0x0  }
0x1a: {  	[sflag:s8] =	ssyncadd.s32 $0xFFFFFFF0  }
.LBB2_1:
0x1b: {  	s0 =	rddreg [dreg:$0x3]  }
0x1c: {  	[tilespmem:s2], [sflag:$0x1] =	stream.linear.gather [hbm4b:s0+s2], $0x8000, $0x38;
	[tilespmem:$0x18100] =	vst v63  }
0x1d: {  	s1 =	simm.s32 $0x200;
	s0 =	simm.s32 $0x0  }
.LBB2_2:
0x1e: {  	p0 =	sne.s32 s1, $0x1FE00;
	[tilespmem:s0+$0x8070] =	vst v2  }
0x1f: {  	[tilespmem:s0+$0x8000] =	vst v2  }
0x20: {  	[tilespmem:s0+$0x8010] =	vst v2  }
.Ltmp2:
0x21: {  	[tilespmem:s0+$0x8020] =	vst v2;
	(pc) =	sbr.rel @p0 .LBB2_2-.Ltmp2, $4  }
0x22: {  	[tilespmem:s0+$0x8030] =	vst v2  }
0x23: {  	[tilespmem:s0+$0x8040] =	vst v2  }
0x24: {  	[tilespmem:s0+$0x8050] =	vst v2  }
0x25: {  	[tilespmem:s0+$0x8060] =	vst v2;
	s0 =	sshra.s32 s1, $0x2;
	s1 =	sadd.s32 $0x200, s1  }
0x26: {  	[tilespmem:s0+$0x8070] =	vst v2  }
0x27: {  	[tilespmem:s0+$0x8000] =	vst v2  }
0x28: {  	[tilespmem:s0+$0x8010] =	vst v2  }
0x29: {  	[tilespmem:s0+$0x8020] =	vst v2  }
0x2a: {  	[tilespmem:s0+$0x8030] =	vst v2  }
0x2b: {  	[tilespmem:s0+$0x8040] =	vst v2  }
0x2c: {  	[tilespmem:s0+$0x8050] =	vst v2  }
0x2d: {  	[tilespmem:s0+$0x8060] =	vst v2;
	s0 =	simm.s32 $0x0;
	s1 =	rddreg [dreg:$0x4]  }
0x2e: {  	[tilespmem:s7], [sflag:$0x2] =	stream.linear.gather [hbm4b:s1+s0], $0x10, $0x38;
	[tilespmem:$0x18100] =	vst v63  }
0x2f: {  	_ =	swait.ge [sflag:s8], $0x10  }
0x30: {  	[sflag:s8] =	ssyncset.done $0x0  }
0x31: {  	s31 =	simm.s32 $0x1;
	[sflag:s8] =	ssyncadd.s32 $0xFFFFFFF0  }
0x32: {  	v5 =	vld [tilespmem:$0x18080];
	_ =	swait.ge [sflag:s31], $0x8000  }
0x33: {  	[sflag:s31] =	ssyncset.done $0x0  }
0x34: {  	[sflag:s31] =	ssyncadd.s32 $0xFFFF8000  }
.LBB2_4:
0x35: {  	s1 =	sshra.s32 s0, $0x2  }
0x36: {  	v6 =	vld [tilespmem:s1+$0x0];
	_ =	sdelay $0x4  }
0x37: {  	v7 =	vshra.s32 v6, $0x1F  }
0x38: {  	v7 =	vand.u32 $0x7FFFFFFF, v7  }
0x39: {  	v6 =	vxor.u32 v6, v7  }
0x3a: {  	vm1 =	veq.s32 v6, $0xFFFFFFFF  }
0x3b: {  	v6 =	vsel vm1, $0x0, v6  }
0x3c: {  	v7 =	vshra.s32 v6, $0x15  }
0x3d: {  	v7 =	vadd.s32 v3, v7;
	_ =	sdelay $0x3  }
0x3e: {  	[tilespmem:s1+$0x0] =	vst v6  }
0x3f: {  	[tilespmem:v7+s10+$0x0] =	vst.idx.add.s32.msk $0xffff, v4  }
0x40: {  	v6 =	vld [tilespmem:s1+$0x10];
	_ =	sdelay $0x4  }
0x41: {  	v7 =	vshra.s32 v6, $0x1F  }
0x42: {  	v7 =	vand.u32 $0x7FFFFFFF, v7  }
0x43: {  	v6 =	vxor.u32 v6, v7  }
0x44: {  	vm9 =	veq.s32 v6, $0xFFFFFFFF  }
0x45: {  	v6 =	vsel vm9, $0x0, v6  }
0x46: {  	v7 =	vshra.s32 v6, $0x15  }
0x47: {  	v7 =	vadd.s32 v3, v7;
	_ =	sdelay $0x3  }
0x48: {  	[tilespmem:s1+$0x10] =	vst v6  }
0x49: {  	[tilespmem:v7+s10+$0x0] =	vst.idx.add.s32.msk $0xffff, v4  }
0x4a: {  	v6 =	vld [tilespmem:s1+$0x20];
	_ =	sdelay $0x4  }
0x4b: {  	v7 =	vshra.s32 v6, $0x1F  }
0x4c: {  	v7 =	vand.u32 $0x7FFFFFFF, v7  }
0x4d: {  	v6 =	vxor.u32 v6, v7  }
0x4e: {  	vm10 =	veq.s32 v6, $0xFFFFFFFF  }
0x4f: {  	v6 =	vsel vm10, $0x0, v6  }
0x50: {  	v7 =	vshra.s32 v6, $0x15  }
0x51: {  	v7 =	vadd.s32 v3, v7;
	_ =	sdelay $0x3  }
0x52: {  	[tilespmem:s1+$0x20] =	vst v6  }
0x53: {  	[tilespmem:v7+s10+$0x0] =	vst.idx.add.s32.msk $0xffff, v4  }
0x54: {  	v6 =	vld [tilespmem:s1+$0x30];
	_ =	sdelay $0x4  }
0x55: {  	v7 =	vshra.s32 v6, $0x1F  }
0x56: {  	v7 =	vand.u32 $0x7FFFFFFF, v7  }
0x57: {  	v6 =	vxor.u32 v6, v7  }
0x58: {  	vm11 =	veq.s32 v6, $0xFFFFFFFF  }
0x59: {  	v6 =	vsel vm11, $0x0, v6  }
0x5a: {  	v7 =	vshra.s32 v6, $0x15  }
0x5b: {  	v7 =	vadd.s32 v3, v7;
	_ =	sdelay $0x3  }
0x5c: {  	[tilespmem:s1+$0x30] =	vst v6  }
0x5d: {  	[tilespmem:v7+s10+$0x0] =	vst.idx.add.s32.msk $0xffff, v4  }
0x5e: {  	v6 =	vld [tilespmem:s1+$0x40];
	_ =	sdelay $0x4  }
0x5f: {  	v7 =	vshra.s32 v6, $0x1F  }
0x60: {  	v7 =	vand.u32 $0x7FFFFFFF, v7  }
0x61: {  	v6 =	vxor.u32 v6, v7  }
0x62: {  	vm12 =	veq.s32 v6, $0xFFFFFFFF  }
0x63: {  	v6 =	vsel vm12, $0x0, v6  }
0x64: {  	v7 =	vshra.s32 v6, $0x15  }
0x65: {  	v7 =	vadd.s32 v3, v7;
	_ =	sdelay $0x3  }
0x66: {  	[tilespmem:s1+$0x40] =	vst v6  }
0x67: {  	[tilespmem:v7+s10+$0x0] =	vst.idx.add.s32.msk $0xffff, v4  }
0x68: {  	v6 =	vld [tilespmem:s1+$0x50];
	_ =	sdelay $0x4  }
0x69: {  	v7 =	vshra.s32 v6, $0x1F  }
0x6a: {  	v7 =	vand.u32 $0x7FFFFFFF, v7  }
0x6b: {  	v6 =	vxor.u32 v6, v7  }
0x6c: {  	vm13 =	veq.s32 v6, $0xFFFFFFFF  }
0x6d: {  	v6 =	vsel vm13, $0x0, v6  }
0x6e: {  	v7 =	vshra.s32 v6, $0x15  }
0x6f: {  	v7 =	vadd.s32 v3, v7;
	_ =	sdelay $0x3  }
0x70: {  	[tilespmem:s1+$0x50] =	vst v6  }
0x71: {  	[tilespmem:v7+s10+$0x0] =	vst.idx.add.s32.msk $0xffff, v4  }
0x72: {  	v6 =	vld [tilespmem:s1+$0x60];
	_ =	sdelay $0x4  }
0x73: {  	v7 =	vshra.s32 v6, $0x1F  }
0x74: {  	v7 =	vand.u32 $0x7FFFFFFF, v7  }
0x75: {  	v6 =	vxor.u32 v6, v7  }
0x76: {  	vm14 =	veq.s32 v6, $0xFFFFFFFF  }
0x77: {  	v6 =	vsel vm14, $0x0, v6  }
0x78: {  	v7 =	vshra.s32 v6, $0x15  }
0x79: {  	v7 =	vadd.s32 v3, v7;
	_ =	sdelay $0x3  }
0x7a: {  	[tilespmem:s1+$0x60] =	vst v6  }
0x7b: {  	[tilespmem:v7+s10+$0x0] =	vst.idx.add.s32.msk $0xffff, v4  }
0x7c: {  	v6 =	vld [tilespmem:s1+$0x70];
	_ =	sdelay $0x4  }
0x7d: {  	v7 =	vshra.s32 v6, $0x1F  }
0x7e: {  	v7 =	vand.u32 $0x7FFFFFFF, v7  }
0x7f: {  	v6 =	vxor.u32 v6, v7  }
0x80: {  	vm15 =	veq.s32 v6, $0xFFFFFFFF  }
0x81: {  	v6 =	vsel vm15, $0x0, v6  }
0x82: {  	v7 =	vshra.s32 v6, $0x15  }
0x83: {  	p0 =	seq.s32 s0, $0x1FE00;
	v7 =	vadd.s32 v3, v7  }
.Ltmp3:
0x84: {  	_ = 	snop;
	(pc) =	sbr.rel @!p0 .LBB2_4-.Ltmp3, $3  }
0x85: {  	_ =	sdelay $0x1  }
0x86: {  	[tilespmem:s1+$0x70] =	vst v6  }
0x87: {  	s0 =	sadd.s32 $0x200, s0;
	[tilespmem:v7+s10+$0x0] =	vst.idx.add.s32.msk $0xffff, v4  }
0x88: {  	v6 =	vld [tilespmem:$0x1FFF0];
	s15 =	simm.s32 $0x0  }
0x89: {  	v7 =	vld [tilespmem:s15+$0x8FF0]  }
0x8a: {  	v8 =	vld [tilespmem:s15+$0x97F0]  }
0x8b: {  	v9 =	vld [tilespmem:s15+$0x9FF0]  }
0x8c: {  	v10 =	vld [tilespmem:s15+$0xA7F0]  }
0x8d: {  	v11 =	vld [tilespmem:s15+$0xAFF0]  }
0x8e: {  	v12 =	vld [tilespmem:s15+$0xB7F0]  }
0x8f: {  	v13 =	vld [tilespmem:s15+$0xBFF0]  }
0x90: {  	v14 =	vld [tilespmem:s15+$0xC7F0]  }
0x91: {  	v15 =	vld [tilespmem:s15+$0xCFF0]  }
0x92: {  	vm0 =	vnez.u8 v6;
	v6 =	vld [tilespmem:s15+$0x87F0]  }
0x93: {  	v16 =	vld [tilespmem:s15+$0xD7F0]  }
0x94: {  	v17 =	vld [tilespmem:s15+$0xDFF0]  }
0x95: {  	v18 =	vld [tilespmem:s15+$0xE7F0]  }
0x96: {  	s1 =	simm.s32 $0xFFFFFFE0;
	v19 =	vld [tilespmem:s15+$0xEFF0]  }
0x97: {  	v20 =	vld [tilespmem:s1+$0xDFF0];
	v6 =	vadd.s32 v6, v7  }
0x98: {  	v21 =	vld [tilespmem:s1+$0xE7F0];
	v6 =	vadd.s32 v8, v6  }
0x99: {  	v22 =	vld [tilespmem:s1+$0xEFF0];
	v6 =	vadd.s32 v9, v6  }
0x9a: {  	v7 =	vld [tilespmem:s15+$0xF7F0];
	v6 =	vadd.s32 v10, v6  }
0x9b: {  	s21 =	simm.s32 $0xFFFFFFF0;
	v8 =	vld [tilespmem:s15+$0xFFF0];
	v6 =	vadd.s32 v11, v6  }
0x9c: {  	v9 =	vld [tilespmem:s21+$0x87F0];
	v6 =	vadd.s32 v12, v6  }
0x9d: {  	v10 =	vld [tilespmem:s21+$0x8FF0];
	v6 =	vadd.s32 v13, v6  }
0x9e: {  	v11 =	vld [tilespmem:s21+$0x97F0];
	v6 =	vadd.s32 v14, v6  }
0x9f: {  	v12 =	vld [tilespmem:s21+$0x9FF0];
	v6 =	vadd.s32 v15, v6  }
0xa0: {  	v13 =	vld [tilespmem:s21+$0xA7F0];
	v6 =	vadd.s32 v16, v6  }
0xa1: {  	v14 =	vld [tilespmem:s21+$0xAFF0];
	v6 =	vadd.s32 v17, v6  }
0xa2: {  	v15 =	vld [tilespmem:s21+$0xB7F0];
	v9 =	vadd.s32 v9, v10;
	v6 =	vadd.s32 v18, v6  }
0xa3: {  	v5 =	vnsel vm0, $0x0, v5;
	v16 =	vld [tilespmem:s21+$0xBFF0];
	v9 =	vadd.s32 v11, v9;
	v6 =	vadd.s32 v19, v6  }
0xa4: {  	(xrf0) =	vadd.scan.msk.s32 $0xffff, v5;
	v17 =	vld [tilespmem:s21+$0xC7F0];
	v6 =	vadd.s32 v7, v6;
	v7 =	vadd.s32 v12, v9  }
0xa5: {  	v10 =	vld [tilespmem:s21+$0xCFF0];
	v8 =	vadd.s32 v8, v6;
	v6 =	vadd.s32 v13, v7  }
0xa6: {  	v11 =	vld [tilespmem:s21+$0xD7F0];
	(xrf0) =	vadd.scan.msk.s32 $0xffff, v8;
	v6 =	vadd.s32 v14, v6  }
0xa7: {  	v9 =	vld [tilespmem:s21+$0xDFF0];
	v6 =	vadd.s32 v15, v6  }
0xa8: {  	v7 =	vld [tilespmem:s21+$0xE7F0];
	v6 =	vadd.s32 v16, v6  }
0xa9: {  	v12 =	vld [tilespmem:s21+$0xEFF0];
	v6 =	vadd.s32 v17, v6  }
0xaa: {  	v5, _, _ =	vpop (xrf0);
	v13 =	vld [tilespmem:s21+$0xF7F0];
	v6 =	vadd.s32 v10, v6  }
0xab: {  	(v2sf) =	vpush v5, $0xF;
	v14 =	vld [tilespmem:s21+$0xFFF0];
	v6 =	vadd.s32 v11, v6  }
0xac: {  	v23 =	vld [tilespmem:s1+$0xF7F0];
	v17, _, _ =	vpop (xrf0);
	v6 =	vadd.s32 v9, v6  }
0xad: {  	v18 =	vld [tilespmem:s1+$0xCFF0];
	(v2sf) =	vpush v17, $0xF;
	v6 =	vadd.s32 v7, v6  }
0xae: {  	v19 =	vld [tilespmem:s1+$0xD7F0];
	v6 =	vadd.s32 v12, v6  }
0xaf: {  	v15 =	vld [tilespmem:s1+$0x87F0];
	v6 =	vadd.s32 v13, v6  }
0xb0: {  	v16 =	vld [tilespmem:s1+$0x97F0];
	v11 =	vadd.s32 v14, v6  }
0xb1: {  	v10 =	vld [tilespmem:s1+$0x8FF0];
	(xrf0) =	vadd.scan.msk.s32 $0xffff, v11  }
0xb2: {  	v9 =	vld [tilespmem:s1+$0x9FF0]  }
0xb3: {  	v7 =	vld [tilespmem:s1+$0xA7F0]  }
0xb4: {  	v12 =	vld [tilespmem:s1+$0xAFF0]  }
0xb5: {  	v13 =	vld [tilespmem:s1+$0xB7F0]  }
0xb6: {  	v6 =	vld [tilespmem:s1+$0xBFF0]  }
0xb7: {  	v10 =	vadd.s32 v15, v10;
	v14 =	vld [tilespmem:s1+$0xC7F0];
	v15, _, _ =	vpop (xrf0)  }
0xb8: {  	s22 =	simm.s32 $0xFFFFFFD0;
	v10 =	vadd.s32 v16, v10;
	v16 =	vld [tilespmem:s1+$0xFFF0];
	(v2sf) =	vpush v15, $0xF  }
0xb9: {  	v9 =	vadd.s32 v9, v10;
	v10 =	vld [tilespmem:s22+$0x87F0]  }
0xba: {  	s0 =	spop (v2sf);
	v7 =	vadd.s32 v7, v9;
	v9 =	vld [tilespmem:s22+$0x8FF0]  }
0xbb: {  	p0 =	sgt.s32 s0, $0x1;
	v7 =	vadd.s32 v12, v7;
	v12 =	vld [tilespmem:s22+$0x97F0]  }
0xbc: {  	s0 =	simm.s32 @!p0 $0x1;
	v7 =	vadd.s32 v13, v7;
	v13 =	vld [tilespmem:s22+$0x9FF0];
	s23 =	spop (v2sf)  }
0xbd: {  	s13 =	smin.u32 s0, $0x7FFF;
	v6 =	vadd.s32 v6, v7;
	v7 =	vld [tilespmem:s22+$0xA7F0];
	s16 =	sadd.s32 $0x0, s23  }
0xbe: {  	v5 =	vmov s13;
	v6 =	vadd.s32 v14, v6;
	v14 =	vsub.s32 s16, v17;
	v17 =	vld [tilespmem:s22+$0xAFF0]  }
0xbf: {  	v6 =	vadd.s32 v18, v6;
	v9 =	vadd.s32 v10, v9;
	v10 =	vld [tilespmem:s22+$0xB7F0];
	v14 =	vadd.s32 v8, v14  }
0xc0: {  	v6 =	vadd.s32 v19, v6;
	v9 =	vadd.s32 v12, v9;
	v12 =	vld [tilespmem:s22+$0xBFF0];
	vm1 =	vge.s32 v14, v5  }
0xc1: {  	v6 =	vadd.s32 v20, v6;
	v9 =	vadd.s32 v13, v9;
	v13 =	vld [tilespmem:s22+$0xC7F0];
	v18 =	vsel vm1, $0x1, v2  }
0xc2: {  	v6 =	vadd.s32 v21, v6;
	v7 =	vadd.s32 v7, v9;
	v9 =	vld [tilespmem:s22+$0xCFF0];
	(xrf0) =	vadd.scan.msk.s32 $0xffff, v18  }
0xc3: {  	v6 =	vadd.s32 v22, v6;
	v7 =	vadd.s32 v17, v7;
	v17 =	vld [tilespmem:s22+$0xD7F0]  }
0xc4: {  	v6 =	vadd.s32 v23, v6;
	v18 =	vld [tilespmem:s22+$0xDFF0];
	v10 =	vadd.s32 v10, v7  }
0xc5: {  	v7 =	vadd.s32 v16, v6;
	v6 =	vadd.s32 v12, v10;
	v10 =	vld [tilespmem:s22+$0xE7F0]  }
0xc6: {  	(xrf0) =	vadd.scan.msk.s32 $0xffff, v7;
	v12 =	vld [tilespmem:s22+$0xEFF0];
	v6 =	vadd.s32 v13, v6  }
0xc7: {  	s24 =	spop (v2sf);
	v6 =	vadd.s32 v9, v6;
	v9 =	vld [tilespmem:s22+$0xF7F0]  }
0xc8: {  	v16 =	vld [tilespmem:s22+$0xFFF0];
	v13, _, _ =	vpop (xrf0);
	s17 =	sadd.s32 s16, s24;
	v6 =	vadd.s32 v17, v6  }
0xc9: {  	(v2sf) =	vpush v13, $0xF;
	v13 =	vsub.s32 s17, v15;
	v6 =	vadd.s32 v18, v6  }
0xca: {  	s3 =	simm.s32 $0xFFFFFFC0;
	v13 =	vadd.s32 v11, v13;
	v6 =	vadd.s32 v10, v6  }
0xcb: {  	v54 =	vld [tilespmem:s3+$0xBFF0];
	vm11 =	vge.s32 v13, v5;
	v6 =	vadd.s32 v12, v6  }
0xcc: {  	v55 =	vld [tilespmem:s3+$0xC7F0];
	v12, _, _ =	vpop (xrf0);
	v18 =	vsel vm11, $0x1, v2;
	v6 =	vadd.s32 v9, v6  }
0xcd: {  	v56 =	vld [tilespmem:s3+$0xCFF0];
	(v2sf) =	vpush v12, $0xF;
	(xrf0) =	vadd.scan.msk.s32 $0xffff, v18;
	v6 =	vadd.s32 v16, v6  }
0xce: {  	v17 =	vld [tilespmem:s3+$0x8FF0];
	(xrf0) =	vadd.scan.msk.s32 $0xffff, v6  }
0xcf: {  	v15 =	vld [tilespmem:s3+$0x87F0]  }
0xd0: {  	v10 =	vld [tilespmem:s3+$0x97F0]  }
0xd1: {  	v19 =	vld [tilespmem:s3+$0x9FF0]  }
0xd2: {  	v9 =	vld [tilespmem:s3+$0xA7F0]  }
0xd3: {  	v16 =	vld [tilespmem:s3+$0xAFF0];
	v57, _, _ =	vpop (xrf0)  }
0xd4: {  	v18 =	vld [tilespmem:s3+$0xB7F0];
	v15 =	vadd.s32 v15, v17;
	(v2sf) =	vpush v57, $0xF;
	v58, _, _ =	vpop (xrf0)  }
0xd5: {  	s28 =	simm.s32 $0xFFFFFFB0;
	v24 =	vld [tilespmem:s3+$0xD7F0];
	v10 =	vadd.s32 v10, v15;
	(v2sf) =	vpush v58, $0xF  }
0xd6: {  	v59 =	vld [tilespmem:s28+$0x8FF0];
	v10 =	vadd.s32 v19, v10  }
0xd7: {  	v60 =	vld [tilespmem:s28+$0x97F0];
	v9 =	vadd.s32 v9, v10  }
0xd8: {  	v17 =	vld [tilespmem:s3+$0xDFF0];
	v9 =	vadd.s32 v16, v9;
	s25 =	spop (v2sf)  }
0xd9: {  	v15 =	vld [tilespmem:s3+$0xE7F0];
	v9 =	vadd.s32 v18, v9;
	s29 =	sadd.s32 $0xFFFFFFFF, s25  }
0xda: {  	v19 =	vld [tilespmem:s3+$0xEFF0];
	v9 =	vadd.s32 v54, v9;
	v25 =	vmov s29  }
0xdb: {  	v10 =	vld [tilespmem:s3+$0xF7F0];
	v9 =	vadd.s32 v55, v9;
	vm12 =	veq.s32 v25, v0  }
0xdc: {  	v18 =	vld [tilespmem:s28+$0x87F0];
	v9 =	vadd.s32 v56, v9;
	s30 =	spop (v2sf);
	v14 =	vnsel vm12, $0x0, v14  }
0xdd: {  	v61 =	vld [tilespmem:s28+$0x9FF0];
	v9 =	vadd.s32 v24, v9;
	v8 =	vnsel vm12, $0x0, v8;
	s18 =	sadd.s32 s17, s30;
	(xrf0) =	vadd.scan.msk.s32 $0xffff, v14  }
0xde: {  	v16 =	vld [tilespmem:s3+$0xFFF0];
	v9 =	vadd.s32 v17, v9;
	(xrf0) =	vadd.scan.msk.s32 $0xffff, v8;
	v8 =	vsub.s32 s18, v12  }
0xdf: {  	v15 =	vadd.s32 v15, v9;
	v14 =	vld [tilespmem:s28+$0xA7F0];
	v9 =	vadd.s32 v7, v8  }
0xe0: {  	v15 =	vadd.s32 v19, v15;
	v12 =	vld [tilespmem:s28+$0xAFF0];
	vm13 =	vge.s32 v9, v5  }
0xe1: {  	v17 =	vld [tilespmem:s28+$0xB7F0];
	v10 =	vadd.s32 v10, v15;
	v8 =	vadd.s32 v18, v59;
	v15 =	vsel vm13, $0x1, v2  }
0xe2: {  	v18 =	vld [tilespmem:s28+$0xBFF0];
	v8 =	vadd.s32 v60, v8  }
0xe3: {  	v62 =	vld [tilespmem:s28+$0xC7F0];
	v19 =	vadd.s32 v61, v8;
	(xrf0) =	vadd.scan.msk.s32 $0xffff, v15;
	s31 =	spop (v2sf)  }
0xe4: {  	v8 =	vadd.s32 v16, v10;
	v10 =	vadd.s32 v14, v19;
	v14 =	vld [tilespmem:s28+$0xCFF0];
	v15, _, _ =	vpop (xrf0);
	s5 =	spop (v2sf)  }
0xe5: {  	v10 =	vadd.s32 v12, v10;
	(v2sf) =	vpush v15, $0xF;
	v12, _, _ =	vpop (xrf0);
	s19 =	sadd.s32 s18, s5  }
0xe6: {  	v10 =	vadd.s32 v17, v10;
	(v2sf) =	vpush v12, $0xF;
	v15 =	vsub.s32 s19, v58  }
0xe7: {  	(xrf0) =	vadd.scan.msk.s32 $0xffff, v8;
	v10 =	vadd.s32 v18, v10  }
0xe8: {  	v10 =	vadd.s32 v62, v10  }
0xe9: {  	v19 =	vadd.s32 v14, v10;
	v10 =	vadd.s32 v6, v15;
	v15, _, _ =	vpop (xrf0)  }
0xea: {  	s4 =	sadd.s32 $0xFFFFFFFF, s31;
	(v2sf) =	vpush v15, $0xF  }
0xeb: {  	v12 =	vmov s4  }
0xec: {  	v16 =	vld [tilespmem:s28+$0xD7F0];
	vm14 =	veq.s32 v12, v0  }
0xed: {  	v17 =	vld [tilespmem:s28+$0xDFF0];
	v13 =	vnsel vm14, $0x0, v13;
	v63 =	vnsel vm14, $0x0, v11;
	v11, _, _ =	vpop (xrf0)  }
0xee: {  	v18 =	vld [tilespmem:s28+$0xE7F0];
	(xrf0) =	vadd.scan.msk.s32 $0xffff, v13;
	(v2sf) =	vpush v11, $0xF  }
0xef: {  	v12 =	vld [tilespmem:s28+$0xEFF0];
	(xrf0) =	vadd.scan.msk.s32 $0xffff, v63  }
0xf0: {  	s12 =	simm.s32 $0x0;
	[dreg:$0x7] =	wrdreg s9;
	s26 =	simm.s32 $0xFFFFFFA0;
	v14 =	vld [tilespmem:s28+$0xF7F0]  }
0xf1: {  	s20 =	simm.s32 $0x7DF;
	s14 =	simm.s32 $0x0;
	s0 =	simm.s32 $0xFFFFFE40;
	v16 =	vadd.s32 v16, v19;
	vm15 =	vge.s32 v10, v5;
	v13 =	vld [tilespmem:s28+$0xFFF0]  }
0xf2: {  	p0 =	sgt.s32 s13, $0x0;
	s24 =	smov.u32 s17;
	s22 =	sadd.s32 $0x7EF, s25;
	v17 =	vadd.s32 v17, v16;
	v19 =	vsel vm15, $0x1, v2;
	v16 =	vld [tilespmem:s26+$0x8FF0]  }
0xf3: {  	s25 =	smov.u32 s16;
	s21 =	smov.u32 s18;
	s23 =	sadd.s32 $0x7DF, s31;
	v15 =	vld [tilespmem:s26+$0x87F0];
	v17 =	vadd.s32 v18, v17;
	(xrf0) =	vadd.scan.msk.s32 $0xffff, v19  }
.LBB2_6:
0xf4: {  	p1 =	seq.s32 s0, $0xFFFFE040;
	v18 =	vld [tilespmem:s26+$0x97F0];
	v12 =	vadd.s32 v12, v17;
	v17, _, _ =	vpop (xrf0);
	p2 =	sge.s32 s16, s13;
	s1 =	spop (v2sf)  }
0xf5: {  	s16 =	smov.u32 s17;
	v19 =	vld [tilespmem:s26+$0x9FF0];
	v12 =	vadd.s32 v14, v12;
	(v2sf) =	vpush v17, $0xF;
	v14, _, _ =	vpop (xrf0);
	p0 =	por !p0, !p2;
	s3 =	spop (v2sf)  }
0xf6: {  	s17 =	smov.u32 s18;
	v17 =	vld [tilespmem:s26+$0xA7F0];
	v13 =	vadd.s32 v13, v12;
	(v2sf) =	vpush v14, $0xF;
	p0 =	por !p0, !p0;
	s1 =	ssub.s32 s1, s3  }
0xf7: {  	v12 =	vld [tilespmem:s26+$0xAFF0];
	(xrf0) =	vadd.scan.msk.s32 $0xffff, v13;
	s12 =	smov.u32 @p0 s22;
	s14 =	smov.u32 @p0 s1;
	s22 =	smov.u32 s23  }
0xf8: {  	s18 =	smov.u32 s19;
	s1 =	smov.u32 s24;
	s24 =	smov.u32 s21;
	v14 =	vadd.s32 v15, v16;
	v15 =	vld [tilespmem:s26+$0xB7F0]  }
0xf9: {  	s20 =	sadd.s32 $0xFFFFFFF0, s20;
	s21 =	smov.u32 s19;
	v14 =	vadd.s32 v18, v14;
	v16 =	vld [tilespmem:s26+$0xBFF0];
	v18, _, _ =	vpop (xrf0);
	s3 =	spop (v2sf)  }
0xfa: {  	v14 =	vadd.s32 v19, v14;
	v19 =	vld [tilespmem:s26+$0xC7F0];
	(v2sf) =	vpush v18, $0xF;
	s4 =	sadd.s32 $0xFFFFFFFF, s3;
	s23 =	sadd.s32 s20, s3  }
0xfb: {  	v14 =	vadd.s32 v17, v14;
	v17 =	vld [tilespmem:s26+$0xCFF0];
	v18 =	vmov s4  }
0xfc: {  	v12 =	vadd.s32 v12, v14;
	v20 =	vld [tilespmem:s26+$0xD7F0];
	vm1 =	veq.s32 v18, v0  }
0xfd: {  	v12 =	vadd.s32 v15, v12;
	v18 =	vld [tilespmem:s26+$0xDFF0];
	v15, _, _ =	vpop (xrf0);
	s3 =	spop (v2sf);
	v14 =	vnsel vm1, $0x0, v9;
	v9 =	vmov v10  }
0xfe: {  	v10 =	vadd.s32 v16, v12;
	v21 =	vld [tilespmem:s26+$0xE7F0];
	(v2sf) =	vpush v15, $0xF;
	s19 =	sadd.s32 s19, s3;
	v16 =	vnsel vm1, $0x0, v7;
	(xrf0) =	vadd.scan.msk.s32 $0xffff, v14;
	v7 =	vmovc v6  }
.Ltmp4:
0xff: {  	v6 =	vmovc v8;
	v8 =	vmov v13;
	v10 =	vadd.s32 v19, v10;
	v12 =	vld [tilespmem:s26+$0xEFF0];
	v19 =	vsub.s32 s19, v11;
	(xrf0) =	vadd.scan.msk.s32 $0xffff, v16;
	(pc) =	sbr.rel @!p1 .LBB2_6-.Ltmp4, $4  }
0x100: {  	v11 =	vmov v15;
	v13 =	vadd.s32 v17, v10;
	v14 =	vld [tilespmem:s26+$0xF7F0];
	v10 =	vadd.s32 v6, v19  }
0x101: {  	v16 =	vadd.s32 v20, v13;
	v13 =	vld [tilespmem:s26+$0xFFF0];
	s26 =	sshra.s32 s0, $0x2;
	vm1 =	vge.s32 v10, v5  }
0x102: {  	v15 =	vld [tilespmem:s26+$0x87F0];
	v17 =	vadd.s32 v18, v16;
	v18 =	vsel vm1, $0x1, v2  }
0x103: {  	p0 =	slt.s32 s25, s13;
	s25 =	smov.u32 s1;
	s0 =	sadd.s32 $0xFFFFFFC0, s0;
	v16 =	vld [tilespmem:s26+$0x8FF0];
	v17 =	vadd.s32 v21, v17;
	(xrf0) =	vadd.scan.msk.s32 $0xffff, v18  }
0x104: {  	v18 =	vld [tilespmem:s26+$0x97F0]  }
0x105: {  	v19 =	vld [tilespmem:s26+$0x9FF0]  }
0x106: {  	v20 =	vld [tilespmem:s26+$0xA7F0]  }
0x107: {  	v21 =	vld [tilespmem:s26+$0xAFF0]  }
0x108: {  	v37 =	vld [tilespmem:s26+$0xB7F0];
	v15 =	vadd.s32 v15, v16  }
0x109: {  	v38 =	vld [tilespmem:s26+$0xBFF0];
	v15 =	vadd.s32 v18, v15  }
0x10a: {  	v39 =	vld [tilespmem:s26+$0xC7F0];
	v15 =	vadd.s32 v19, v15  }
0x10b: {  	v40 =	vld [tilespmem:s26+$0xCFF0];
	v15 =	vadd.s32 v20, v15  }
0x10c: {  	v41 =	vld [tilespmem:s26+$0xD7F0];
	v15 =	vadd.s32 v21, v15  }
0x10d: {  	s0 =	spop (v2sf);
	v42 =	vld [tilespmem:s26+$0xDFF0];
	v15 =	vadd.s32 v37, v15  }
0x10e: {  	v43 =	vld [tilespmem:s26+$0xE7F0];
	s29 =	spop (v2sf);
	v15 =	vadd.s32 v38, v15  }
0x10f: {  	v12 =	vadd.s32 v12, v17;
	v44 =	vld [tilespmem:s26+$0xEFF0];
	[dreg:$0x10] =	wrdreg s29;
	s29 =	spop (v2sf);
	v15 =	vadd.s32 v39, v15  }
0x110: {  	v46 =	vld [tilespmem:s26+$0xF7F0];
	v12 =	vadd.s32 v14, v12;
	s3 =	sadd.s32 $0xFFFFFFFF, s29;
	s4 =	spop (v2sf);
	v45 =	vadd.s32 v40, v15  }
0x111: {  	v48 =	vld [tilespmem:s26+$0xFFF0];
	v12 =	vadd.s32 v13, v12;
	v47 =	vmov s3;
	s28 =	sadd.s32 s19, s4;
	v14 =	vadd.s32 v41, v45  }
0x112: {  	vm1 =	veq.s32 v47, v0;
	v11 =	vsub.s32 s28, v11;
	v49 =	vadd.s32 v42, v14  }
0x113: {  	(xrf0) =	vadd.scan.msk.s32 $0xffff, v12;
	v9 =	vnsel vm1, $0x0, v9;
	v11 =	vadd.s32 v8, v11;
	v13 =	vadd.s32 v43, v49  }
0x114: {  	v7 =	vnsel vm1, $0x0, v7;
	(xrf0) =	vadd.scan.msk.s32 $0xffff, v9;
	vm9 =	vge.s32 v11, v5;
	v50 =	vadd.s32 v44, v13  }
0x115: {  	(xrf0) =	vadd.scan.msk.s32 $0xffff, v7;
	v7 =	vsel vm9, $0x1, v2;
	v9 =	vadd.s32 v46, v50  }
0x116: {  	v51, _, _ =	vpop (xrf0);
	(xrf0) =	vadd.scan.msk.s32 $0xffff, v7;
	v7 =	vadd.s32 v48, v9  }
0x117: {  	(v2sf) =	vpush v51, $0xF;
	v52, _, _ =	vpop (xrf0);
	(xrf0) =	vadd.scan.msk.s32 $0xffff, v7  }
0x118: {  	(v2sf) =	vpush v52, $0xF;
	v53, _, _ =	vpop (xrf0)  }
0x119: {  	(v2sf) =	vpush v53, $0xF;
	v54, _, _ =	vpop (xrf0)  }
0x11a: {  	(v2sf) =	vpush v54, $0xF;
	v55, _, _ =	vpop (xrf0)  }
0x11b: {  	(v2sf) =	vpush v55, $0xF;
	v56, _, _ =	vpop (xrf0)  }
0x11c: {  	(v2sf) =	vpush v56, $0xF;
	v57, _, _ =	vpop (xrf0)  }
0x11d: {  	(v2sf) =	vpush v57, $0xF;
	v58, _, _ =	vpop (xrf0)  }
0x11e: {  	(v2sf) =	vpush v58, $0xF;
	_ =	sdelay $0x7  }
0x11f: {  	s6 =	spop (v2sf)  }
0x120: {  	s7 =	spop (v2sf)  }
0x121: {  	s31 =	spop (v2sf)  }
0x122: {  	s30 =	spop (v2sf)  }
0x123: {  	s1 =	spop (v2sf)  }
0x124: {  	s5 =	sadd.s32 $0xFFFFFFFF, s31;
	s4 =	spop (v2sf)  }
0x125: {  	v59 =	vmov s5;
	s26 =	sadd.s32 s28, s30;
	s3 =	spop (v2sf)  }
0x126: {  	vm10 =	veq.s32 v59, v0;
	v9 =	vsub.s32 s26, v54;
	s9 =	spop (v2sf)  }
0x127: {  	v10 =	vnsel vm10, $0x0, v10;
	v6 =	vnsel vm10, $0x0, v6;
	v9 =	vadd.s32 v12, v9;
	s8 =	sadd.s32 $0xFFFFFFFF, s3;
	s30 =	sadd.s32 s26, s9  }
0x128: {  	(xrf0) =	vadd.scan.msk.s32 $0xffff, v10;
	vm11 =	vge.s32 v9, v5;
	v60 =	vmov s8;
	v61 =	vsub.s32 s30, v58  }
0x129: {  	(xrf0) =	vadd.scan.msk.s32 $0xffff, v6;
	v6 =	vsel vm11, $0x1, v2;
	vm12 =	veq.s32 v60, v0;
	v10 =	vadd.s32 v7, v61  }
0x12a: {  	(xrf0) =	vadd.scan.msk.s32 $0xffff, v6;
	v6 =	vnsel vm12, $0x0, v11;
	vm13 =	vge.s32 v10, v5  }
0x12b: {  	v62 =	vnsel vm12, $0x0, v8;
	(xrf0) =	vadd.scan.msk.s32 $0xffff, v6;
	v5 =	vsel vm13, $0x1, v2  }
0x12c: {  	(xrf0) =	vadd.scan.msk.s32 $0xffff, v62  }
0x12d: {  	(xrf0) =	vadd.scan.msk.s32 $0xffff, v5  }
0x12e: {  	v5, _, _ =	vpop (xrf0)  }
0x12f: {  	v6, _, _ =	vpop (xrf0);
	(v2sf) =	vpush v5, $0xF  }
0x130: {  	(v2sf) =	vpush v6, $0xF;
	v5, _, _ =	vpop (xrf0)  }
0x131: {  	(v2sf) =	vpush v5, $0xF;
	v5, _, _ =	vpop (xrf0)  }
0x132: {  	(v2sf) =	vpush v5, $0xF;
	v5, _, _ =	vpop (xrf0)  }
0x133: {  	(v2sf) =	vpush v5, $0xF;
	v5, _, _ =	vpop (xrf0)  }
0x134: {  	(v2sf) =	vpush v5, $0xF;
	_ =	sdelay $0x9  }
0x135: {  	s11 =	spop (v2sf)  }
0x136: {  	[dreg:$0xe] =	wrdreg s0;
	s0 =	spop (v2sf)  }
0x137: {  	s8 =	spop (v2sf)  }
0x138: {  	[dreg:$0x15] =	wrdreg s4;
	s4 =	spop (v2sf)  }
0x139: {  	[dreg:$0x12] =	wrdreg s1;
	s5 =	sadd.s32 $0xFFFFFFFF, s8;
	s1 =	spop (v2sf)  }
0x13a: {  	v5 =	vmov s5;
	s9 =	spop (v2sf)  }
0x13b: {  	vm14 =	veq.s32 v5, v0;
	s5 =	sadd.s32 $0xFFFFFFFF, s9  }
0x13c: {  	v6 =	vnsel vm14, $0x0, v9;
	v5 =	vmov s5  }
0x13d: {  	v63 =	vnsel vm14, $0x0, v12;
	(xrf0) =	vadd.scan.msk.s32 $0xffff, v6;
	vm15 =	veq.s32 v5, v0  }
0x13e: {  	(xrf0) =	vadd.scan.msk.s32 $0xffff, v63;
	v5 =	vnsel vm15, $0x0, v10  }
0x13f: {  	v6 =	vnsel vm15, $0x0, v7;
	(xrf0) =	vadd.scan.msk.s32 $0xffff, v5  }
0x140: {  	(xrf0) =	vadd.scan.msk.s32 $0xffff, v6;
	_ =	sdelay $0x1  }
0x141: {  	p1 =	sge.s32 s16, s13  }
0x142: {  	p5 =	slt.s32 s25, s13;
	p6 =	sge.s32 s17, s13;
	p2 =	slt.s32 s24, s13;
	v5, _, _ =	vpop (xrf0)  }
0x143: {  	p3 =	sge.s32 s18, s13;
	p4 =	sge.s32 s19, s13;
	p0 =	por !p0, !p1;
	(v2sf) =	vpush v5, $0xF;
	v5, _, _ =	vpop (xrf0)  }
0x144: {  	p2 =	por !p2, !p3;
	p3 =	slt.s32 s21, s13;
	p0 =	por !p0, !p0;
	(v2sf) =	vpush v5, $0xF;
	v5, _, _ =	vpop (xrf0)  }
0x145: {  	s16 =	rddreg [dreg:$0x10];
	s12 =	smov.u32 @p0 s22;
	s22 =	sadd.s32 $0xFFFFFFF0, s20;
	(v2sf) =	vpush v5, $0xF;
	v5, _, _ =	vpop (xrf0)  }
0x146: {  	p1 =	por !p2, !p2;
	s25 =	sadd.s32 $0xFFFFFFF0, s22;
	s5 =	rddreg [dreg:$0xe];
	(v2sf) =	vpush v5, $0xF  }
0x147: {  	s24 =	rddreg [dreg:$0x15];
	s0 =	ssub.s32 s11, s0;
	s5 =	ssub.s32 s5, s16  }
0x148: {  	s14 =	smov.u32 @p0 s5;
	s5 =	ssub.s32 s6, s7;
	p0 =	por !p5, !p6  }
0x149: {  	s7 =	sadd.s32 s22, s29;
	p5 =	slt.s32 s19, s13;
	p0 =	por !p0, !p0  }
0x14a: {  	s6 =	sadd.s32 s25, s31;
	p6 =	sge.s32 s28, s13;
	s12 =	smov.u32 @p0 s23  }
0x14b: {  	s14 =	smov.u32 @p0 s5;
	s23 =	rddreg [dreg:$0x12];
	p0 =	por !p3, !p4  }
0x14c: {  	p3 =	slt.s32 s28, s13;
	p4 =	sge.s32 s26, s13;
	s5 =	ssub.s32 s23, s24  }
0x14d: {  	s12 =	smov.u32 @p1 s7;
	p0 =	por !p0, !p0;
	s14 =	smov.u32 @p1 s5  }
0x14e: {  	s5 =	sadd.s32 $0xFFFFFFF0, s25;
	p1 =	por !p5, !p6;
	s12 =	smov.u32 @p0 s6  }
0x14f: {  	p5 =	slt.s32 s26, s13;
	p6 =	sge.s32 s30, s13;
	s3 =	sadd.s32 s5, s3  }
0x150: {  	p1 =	por !p1, !p1;
	s14 =	smov.u32 @p0 s0;
	s0 =	ssub.s32 s4, s1  }
0x151: {  	p0 =	por !p3, !p4;
	s26 =	sadd.s32 $0xFFFFFFF0, s5;
	s12 =	smov.u32 @p1 s3  }
0x152: {  	s14 =	smov.u32 @p1 s0;
	p1 =	por !p5, !p6;
	s28 =	spop (v2sf)  }
0x153: {  	s3 =	sadd.s32 s26, s8;
	s0 =	sadd.s32 $0xFFFFFFF0, s26;
	s29 =	spop (v2sf)  }
0x154: {  	p0 =	por !p0, !p0;
	s0 =	sadd.s32 s0, s9;
	s30 =	spop (v2sf)  }
0x155: {  	s12 =	smov.u32 @p0 s3;
	s1 =	ssub.s32 s28, s29;
	s31 =	spop (v2sf)  }
0x156: {  	s14 =	smov.u32 @p0 s1;
	p0 =	por !p1, !p1;
	s1 =	ssub.s32 s30, s31  }
0x157: {  	s12 =	smov.u32 @p0 s0;
	s0 =	simm.s32 $0x200;
	s14 =	smov.u32 @p0 s1  }
.LBB2_8:
0x158: {  	p0 =	seq.s32 s0, $0x1FE00;
	[tilespmem:s15+$0x8070] =	vst v2  }
0x159: {  	[tilespmem:s15+$0x8000] =	vst v2  }
0x15a: {  	[tilespmem:s15+$0x8010] =	vst v2  }
.Ltmp5:
0x15b: {  	[tilespmem:s15+$0x8020] =	vst v2;
	(pc) =	sbr.rel @!p0 .LBB2_8-.Ltmp5, $4  }
0x15c: {  	[tilespmem:s15+$0x8030] =	vst v2  }
0x15d: {  	[tilespmem:s15+$0x8040] =	vst v2  }
0x15e: {  	[tilespmem:s15+$0x8050] =	vst v2  }
0x15f: {  	[tilespmem:s15+$0x8060] =	vst v2;
	s15 =	sshra.s32 s0, $0x2;
	s0 =	sadd.s32 $0x200, s0  }
0x160: {  	[tilespmem:s15+$0x8070] =	vst v2  }
0x161: {  	[tilespmem:s15+$0x8000] =	vst v2  }
0x162: {  	[tilespmem:s15+$0x8010] =	vst v2  }
0x163: {  	[tilespmem:s15+$0x8020] =	vst v2  }
0x164: {  	[tilespmem:s15+$0x8030] =	vst v2  }
0x165: {  	[tilespmem:s15+$0x8040] =	vst v2  }
0x166: {  	[tilespmem:s15+$0x8050] =	vst v2  }
0x167: {  	[tilespmem:s15+$0x8060] =	vst v2;
	s18 =	simm.s32 $0x40  }
0x168: {  	v6 =	vld [tilespmem:s18+$0xFFFFFFC0];
	_ =	sdelay $0x3  }
0x169: {  	s0 =	sadd.s32 $0xFFFFFC00, s12  }
0x16a: {  	v5 =	vmov s0;
	v7 =	vshra.s32 v6, $0x15;
	v6 =	vshrl.u32 v6, $0xA  }
0x16b: {  	vm1 =	veq.s32 v7, v5;
	v6 =	vand.u32 $0x7FF, v6  }
0x16c: {  	v6 =	vor.u32 v1, v6;
	v7 =	vsel vm1, $0x1, v2  }
0x16d: {  	(xrf0) =	vadd.scan.msk.s32 $0xffff, v7;
	_ =	sdelay $0x2  }
0x16e: {  	s3 =	simm.s32 $0x0  }
0x16f: {  	s1 =	simm.s32 $0x0;
	[tilespmem:v6+s10+$0x0] =	vst.idx.add.s32.msk vm1, v4;
	v6 =	vor.u32 s3, v0  }
0x170: {  	[tilespmem:s1+$0x10000] =	vst.msk vm1, v6  }
0x171: {  	v6 =	vld [tilespmem:s18+$0xFFFFFFD0];
	v7, _, _ =	vpop (xrf0)  }
0x172: {  	(v2sf) =	vpush v7, $0xF;
	_ =	sdelay $0x3  }
0x173: {  	v7 =	vshra.s32 v6, $0x15  }
0x174: {  	vm1 =	veq.s32 v7, v5  }
0x175: {  	v7 =	vsel vm1, $0x1, v2  }
0x176: {  	(xrf0) =	vadd.scan.msk.s32 $0xffff, v7;
	_ =	sdelay $0x1  }
0x177: {  	v6 =	vshrl.u32 v6, $0xA  }
0x178: {  	v6 =	vand.u32 $0x7FF, v6  }
0x179: {  	v6 =	vor.u32 v1, v6;
	_ =	sdelay $0x1  }
0x17a: {  	v7, _, _ =	vpop (xrf0)  }
0x17b: {  	(v2sf) =	vpush v7, $0xF  }
0x17c: {  	s19 =	simm.s32 $0x10;
	s20 =	spop (v2sf)  }
0x17d: {  	[tilespmem:v6+s10+$0x0] =	vst.idx.add.s32.msk vm1, v4;
	v6 =	vor.u32 s19, v0;
	s3 =	sadd.s32 $0x0, s20  }
0x17e: {  	[tilespmem:s3+$0x10000] =	vst.msk vm1, v6  }
0x17f: {  	v6 =	vld [tilespmem:s18+$0xFFFFFFE0];
	_ =	sdelay $0x4  }
0x180: {  	v7 =	vshra.s32 v6, $0x15;
	v6 =	vshrl.u32 v6, $0xA  }
0x181: {  	vm1 =	veq.s32 v7, v5;
	v6 =	vand.u32 $0x7FF, v6  }
0x182: {  	v6 =	vor.u32 v1, v6;
	v7 =	vsel vm1, $0x1, v2  }
0x183: {  	(xrf0) =	vadd.scan.msk.s32 $0xffff, v7;
	_ =	sdelay $0x2  }
0x184: {  	s21 =	simm.s32 $0x20;
	s4 =	spop (v2sf)  }
0x185: {  	s3 =	sadd.s32 s3, s4;
	[tilespmem:v6+s10+$0x0] =	vst.idx.add.s32.msk vm1, v4;
	v6 =	vor.u32 s21, v0  }
0x186: {  	[tilespmem:s3+$0x10000] =	vst.msk vm1, v6  }
0x187: {  	v6 =	vld [tilespmem:s18+$0xFFFFFFF0];
	v7, _, _ =	vpop (xrf0)  }
0x188: {  	(v2sf) =	vpush v7, $0xF;
	_ =	sdelay $0x3  }
0x189: {  	v7 =	vshra.s32 v6, $0x15  }
0x18a: {  	vm1 =	veq.s32 v7, v5  }
0x18b: {  	v7 =	vsel vm1, $0x1, v2  }
0x18c: {  	(xrf0) =	vadd.scan.msk.s32 $0xffff, v7;
	_ =	sdelay $0x1  }
0x18d: {  	v6 =	vshrl.u32 v6, $0xA  }
0x18e: {  	v6 =	vand.u32 $0x7FF, v6  }
0x18f: {  	v6 =	vor.u32 v1, v6;
	_ =	sdelay $0x1  }
0x190: {  	v7, _, _ =	vpop (xrf0)  }
0x191: {  	(v2sf) =	vpush v7, $0xF  }
0x192: {  	s22 =	simm.s32 $0x30;
	s23 =	spop (v2sf)  }
0x193: {  	[tilespmem:v6+s10+$0x0] =	vst.idx.add.s32.msk vm1, v4;
	v6 =	vor.u32 s22, v0;
	s3 =	sadd.s32 s3, s23  }
0x194: {  	[tilespmem:s3+$0x10000] =	vst.msk vm1, v6  }
0x195: {  	v6 =	vld [tilespmem:s18+$0x0];
	_ =	sdelay $0x4  }
0x196: {  	v7 =	vshra.s32 v6, $0x15;
	v6 =	vshrl.u32 v6, $0xA  }
0x197: {  	vm1 =	veq.s32 v7, v5;
	v6 =	vand.u32 $0x7FF, v6  }
0x198: {  	v6 =	vor.u32 v1, v6;
	v7 =	vsel vm1, $0x1, v2  }
0x199: {  	(xrf0) =	vadd.scan.msk.s32 $0xffff, v7;
	_ =	sdelay $0x2  }
0x19a: {  	s24 =	simm.s32 $0x40;
	s25 =	spop (v2sf)  }
0x19b: {  	s3 =	sadd.s32 s3, s25;
	[tilespmem:v6+s10+$0x0] =	vst.idx.add.s32.msk vm1, v4;
	v6 =	vor.u32 s24, v0  }
0x19c: {  	[tilespmem:s3+$0x10000] =	vst.msk vm1, v6  }
0x19d: {  	v6 =	vld [tilespmem:s18+$0x10];
	v7, _, _ =	vpop (xrf0)  }
0x19e: {  	(v2sf) =	vpush v7, $0xF;
	_ =	sdelay $0x3  }
0x19f: {  	v7 =	vshra.s32 v6, $0x15  }
0x1a0: {  	vm1 =	veq.s32 v7, v5  }
0x1a1: {  	v7 =	vsel vm1, $0x1, v2  }
0x1a2: {  	(xrf0) =	vadd.scan.msk.s32 $0xffff, v7;
	_ =	sdelay $0x1  }
0x1a3: {  	v6 =	vshrl.u32 v6, $0xA  }
0x1a4: {  	v6 =	vand.u32 $0x7FF, v6  }
0x1a5: {  	v6 =	vor.u32 v1, v6;
	_ =	sdelay $0x1  }
0x1a6: {  	v7, _, _ =	vpop (xrf0)  }
0x1a7: {  	(v2sf) =	vpush v7, $0xF  }
0x1a8: {  	s26 =	simm.s32 $0x50;
	s28 =	spop (v2sf)  }
0x1a9: {  	[tilespmem:v6+s10+$0x0] =	vst.idx.add.s32.msk vm1, v4;
	v6 =	vor.u32 s26, v0;
	s3 =	sadd.s32 s3, s28  }
0x1aa: {  	[tilespmem:s3+$0x10000] =	vst.msk vm1, v6  }
0x1ab: {  	v6 =	vld [tilespmem:s18+$0x20];
	_ =	sdelay $0x4  }
0x1ac: {  	v7 =	vshra.s32 v6, $0x15;
	v6 =	vshrl.u32 v6, $0xA  }
0x1ad: {  	vm1 =	veq.s32 v7, v5;
	v6 =	vand.u32 $0x7FF, v6  }
0x1ae: {  	v6 =	vor.u32 v1, v6  }
0x1af: {  	v7 =	vsel vm1, $0x1, v2  }
0x1b0: {  	(xrf0) =	vadd.scan.msk.s32 $0xffff, v7;
	_ =	sdelay $0x1  }
0x1b1: {  	s29 =	simm.s32 $0x60;
	s30 =	spop (v2sf)  }
0x1b2: {  	s3 =	sadd.s32 s3, s30;
	[tilespmem:v6+s10+$0x0] =	vst.idx.add.s32.msk vm1, v4;
	v6 =	vor.u32 s29, v0  }
0x1b3: {  	[tilespmem:s3+$0x10000] =	vst.msk vm1, v6  }
0x1b4: {  	v6 =	vld [tilespmem:s18+$0x30]  }
0x1b5: {  	v7, _, _ =	vpop (xrf0)  }
0x1b6: {  	(v2sf) =	vpush v7, $0xF;
	_ =	sdelay $0x2  }
0x1b7: {  	v7 =	vshra.s32 v6, $0x15  }
0x1b8: {  	vm1 =	veq.s32 v7, v5  }
0x1b9: {  	v7 =	vsel vm1, $0x1, v2  }
0x1ba: {  	(xrf0) =	vadd.scan.msk.s32 $0xffff, v7;
	_ =	sdelay $0x2  }
0x1bb: {  	v6 =	vshrl.u32 v6, $0xA  }
0x1bc: {  	v6 =	vand.u32 $0x7FF, v6  }
0x1bd: {  	v6 =	vor.u32 v1, v6  }
0x1be: {  	v7, _, _ =	vpop (xrf0)  }
0x1bf: {  	(v2sf) =	vpush v7, $0xF;
	_ =	sdelay $0x1  }
0x1c0: {  	s17 =	simm.s32 $0x70;
	s31 =	spop (v2sf)  }
0x1c1: {  	[dreg:$0x8] =	wrdreg s0;
	[tilespmem:v6+s10+$0x0] =	vst.idx.add.s32.msk vm1, v4;
	v6 =	vor.u32 s17, v0;
	s0 =	sadd.s32 s3, s31  }
0x1c2: {  	s16 =	simm.s32 $0xC0;
	[tilespmem:s0+$0x10000] =	vst.msk vm1, v6  }
0x1c3: {  	v6 =	vld [tilespmem:s16+$0xFFFFFFC0];
	_ =	sdelay $0x4  }
0x1c4: {  	v7 =	vshra.s32 v6, $0x15;
	v6 =	vshrl.u32 v6, $0xA  }
0x1c5: {  	vm1 =	veq.s32 v7, v5;
	v6 =	vand.u32 $0x7FF, v6  }
0x1c6: {  	v7 =	vsel vm1, $0x1, v2;
	v6 =	vor.u32 v1, v6  }
0x1c7: {  	(xrf0) =	vadd.scan.msk.s32 $0xffff, v7  }
0x1c8: {  	s15 =	simm.s32 $0xF0  }
0x1c9: {  	s1 =	simm.s32 $0x80;
	s17 =	simm.s32 $0x170;
	s3 =	spop (v2sf)  }
.LBB2_10:
0x1ca: {  	p0 =	seq.s32 s17, $0x7FF0  }
0x1cb: {  	[tilespmem:v6+s10+$0x0] =	vst.idx.add.s32.msk vm1, v4;
	v6 =	vor.u32 s1, v0;
	s0 =	sadd.s32 s0, s3;
	s18 =	smov.u32 s17;
	s17 =	sadd.s32 $0x80, s17  }
0x1cc: {  	[tilespmem:s0+$0x10000] =	vst.msk vm1, v6  }
0x1cd: {  	v6 =	vld [tilespmem:s16+$0xFFFFFFD0];
	v7, _, _ =	vpop (xrf0)  }
0x1ce: {  	(v2sf) =	vpush v7, $0xF;
	_ =	sdelay $0x3  }
0x1cf: {  	v7 =	vshra.s32 v6, $0x15;
	v6 =	vshrl.u32 v6, $0xA  }
0x1d0: {  	vm1 =	veq.s32 v7, v5;
	v6 =	vand.u32 $0x7FF, v6  }
0x1d1: {  	v6 =	vor.u32 v1, v6;
	v7 =	vsel vm1, $0x1, v2  }
0x1d2: {  	(xrf0) =	vadd.scan.msk.s32 $0xffff, v7;
	_ =	sdelay $0x5  }
0x1d3: {  	v7, _, _ =	vpop (xrf0)  }
0x1d4: {  	(v2sf) =	vpush v7, $0xF  }
0x1d5: {  	s1 =	sadd.s32 $0xFFFFFFA0, s15;
	s3 =	spop (v2sf)  }
0x1d6: {  	s0 =	sadd.s32 s0, s3;
	[tilespmem:v6+s10+$0x0] =	vst.idx.add.s32.msk vm1, v4;
	v6 =	vor.u32 s1, v0  }
0x1d7: {  	[tilespmem:s0+$0x10000] =	vst.msk vm1, v6  }
0x1d8: {  	v6 =	vld [tilespmem:s16+$0xFFFFFFE0];
	_ =	sdelay $0x4  }
0x1d9: {  	v7 =	vshra.s32 v6, $0x15;
	v6 =	vshrl.u32 v6, $0xA  }
0x1da: {  	vm1 =	veq.s32 v7, v5;
	v6 =	vand.u32 $0x7FF, v6  }
0x1db: {  	v6 =	vor.u32 v1, v6;
	v7 =	vsel vm1, $0x1, v2  }
0x1dc: {  	(xrf0) =	vadd.scan.msk.s32 $0xffff, v7;
	_ =	sdelay $0x2  }
0x1dd: {  	s1 =	sadd.s32 $0xFFFFFFB0, s15;
	s3 =	spop (v2sf)  }
0x1de: {  	s0 =	sadd.s32 s0, s3;
	[tilespmem:v6+s10+$0x0] =	vst.idx.add.s32.msk vm1, v4;
	v6 =	vor.u32 s1, v0  }
0x1df: {  	[tilespmem:s0+$0x10000] =	vst.msk vm1, v6  }
0x1e0: {  	v6 =	vld [tilespmem:s16+$0xFFFFFFF0];
	v7, _, _ =	vpop (xrf0)  }
0x1e1: {  	(v2sf) =	vpush v7, $0xF;
	_ =	sdelay $0x3  }
0x1e2: {  	v7 =	vshra.s32 v6, $0x15;
	v6 =	vshrl.u32 v6, $0xA  }
0x1e3: {  	vm1 =	veq.s32 v7, v5;
	v6 =	vand.u32 $0x7FF, v6  }
0x1e4: {  	v6 =	vor.u32 v1, v6;
	v7 =	vsel vm1, $0x1, v2  }
0x1e5: {  	(xrf0) =	vadd.scan.msk.s32 $0xffff, v7;
	_ =	sdelay $0x3  }
0x1e6: {  	[tilespmem:v6+s10+$0x0] =	vst.idx.add.s32.msk vm1, v4;
	_ =	sdelay $0x1  }
0x1e7: {  	v6, _, _ =	vpop (xrf0)  }
0x1e8: {  	(v2sf) =	vpush v6, $0xF  }
0x1e9: {  	s1 =	sadd.s32 $0xFFFFFFC0, s15;
	s3 =	spop (v2sf)  }
0x1ea: {  	v6 =	vor.u32 s1, v0;
	s0 =	sadd.s32 s0, s3  }
0x1eb: {  	[tilespmem:s0+$0x10000] =	vst.msk vm1, v6  }
0x1ec: {  	v6 =	vld [tilespmem:s16+$0x0];
	_ =	sdelay $0x4  }
0x1ed: {  	v7 =	vshra.s32 v6, $0x15;
	v6 =	vshrl.u32 v6, $0xA  }
0x1ee: {  	vm1 =	veq.s32 v7, v5;
	v6 =	vand.u32 $0x7FF, v6  }
0x1ef: {  	v6 =	vor.u32 v1, v6;
	v7 =	vsel vm1, $0x1, v2  }
0x1f0: {  	(xrf0) =	vadd.scan.msk.s32 $0xffff, v7;
	_ =	sdelay $0x2  }
0x1f1: {  	s1 =	sadd.s32 $0xFFFFFFD0, s15;
	s3 =	spop (v2sf)  }
0x1f2: {  	s0 =	sadd.s32 s0, s3;
	[tilespmem:v6+s10+$0x0] =	vst.idx.add.s32.msk vm1, v4;
	v6 =	vor.u32 s1, v0  }
0x1f3: {  	[tilespmem:s0+$0x10000] =	vst.msk vm1, v6  }
0x1f4: {  	v6 =	vld [tilespmem:s16+$0x10];
	v7, _, _ =	vpop (xrf0)  }
0x1f5: {  	(v2sf) =	vpush v7, $0xF;
	_ =	sdelay $0x3  }
0x1f6: {  	v7 =	vshra.s32 v6, $0x15;
	v6 =	vshrl.u32 v6, $0xA  }
0x1f7: {  	vm1 =	veq.s32 v7, v5;
	v6 =	vand.u32 $0x7FF, v6  }
0x1f8: {  	v6 =	vor.u32 v1, v6;
	v7 =	vsel vm1, $0x1, v2  }
0x1f9: {  	(xrf0) =	vadd.scan.msk.s32 $0xffff, v7;
	_ =	sdelay $0x3  }
0x1fa: {  	[tilespmem:v6+s10+$0x0] =	vst.idx.add.s32.msk vm1, v4;
	_ =	sdelay $0x1  }
0x1fb: {  	v6, _, _ =	vpop (xrf0)  }
0x1fc: {  	(v2sf) =	vpush v6, $0xF  }
0x1fd: {  	s1 =	sadd.s32 $0xFFFFFFE0, s15;
	s3 =	spop (v2sf)  }
0x1fe: {  	v6 =	vor.u32 s1, v0;
	s0 =	sadd.s32 s0, s3  }
0x1ff: {  	[tilespmem:s0+$0x10000] =	vst.msk vm1, v6  }
0x200: {  	v6 =	vld [tilespmem:s16+$0x20];
	_ =	sdelay $0x4  }
0x201: {  	v7 =	vshra.s32 v6, $0x15;
	v6 =	vshrl.u32 v6, $0xA  }
0x202: {  	vm1 =	veq.s32 v7, v5;
	v6 =	vand.u32 $0x7FF, v6  }
0x203: {  	v6 =	vor.u32 v1, v6;
	v7 =	vsel vm1, $0x1, v2  }
0x204: {  	(xrf0) =	vadd.scan.msk.s32 $0xffff, v7;
	_ =	sdelay $0x2  }
0x205: {  	s1 =	sadd.s32 $0xFFFFFFF0, s15;
	s3 =	spop (v2sf)  }
0x206: {  	s0 =	sadd.s32 s0, s3;
	[tilespmem:v6+s10+$0x0] =	vst.idx.add.s32.msk vm1, v4;
	v6 =	vor.u32 s1, v0  }
0x207: {  	[tilespmem:s0+$0x10000] =	vst.msk vm1, v6  }
0x208: {  	v6 =	vld [tilespmem:s16+$0x30];
	v7, _, _ =	vpop (xrf0)  }
0x209: {  	(v2sf) =	vpush v7, $0xF;
	_ =	sdelay $0x3  }
0x20a: {  	v7 =	vshra.s32 v6, $0x15;
	v6 =	vshrl.u32 v6, $0xA  }
0x20b: {  	vm1 =	veq.s32 v7, v5;
	v6 =	vand.u32 $0x7FF, v6  }
0x20c: {  	v6 =	vor.u32 v1, v6;
	v7 =	vsel vm1, $0x1, v2  }
0x20d: {  	(xrf0) =	vadd.scan.msk.s32 $0xffff, v7;
	_ =	sdelay $0x3  }
0x20e: {  	[tilespmem:v6+s10+$0x0] =	vst.idx.add.s32.msk vm1, v4;
	_ =	sdelay $0x1  }
0x20f: {  	v6, _, _ =	vpop (xrf0)  }
0x210: {  	(v2sf) =	vpush v6, $0xF  }
0x211: {  	s1 =	spop (v2sf)  }
0x212: {  	v6 =	vor.u32 s15, v0;
	s15 =	smov.u32 s18;
	s0 =	sadd.s32 s0, s1  }
0x213: {  	s16 =	sadd.s32 $0x80, s16;
	[tilespmem:s0+$0x10000] =	vst.msk vm1, v6  }
0x214: {  	v6 =	vld [tilespmem:s16+$0xFFFFFFC0];
	_ =	sdelay $0x4  }
0x215: {  	v7 =	vshra.s32 v6, $0x15;
	v6 =	vshrl.u32 v6, $0xA  }
0x216: {  	vm1 =	veq.s32 v7, v5;
	v6 =	vand.u32 $0x7FF, v6  }
.Ltmp6:
0x217: {  	v6 =	vor.u32 v1, v6;
	v7 =	vsel vm1, $0x1, v2;
	(pc) =	sbr.rel @!p0 .LBB2_10-.Ltmp6, $2  }
0x218: {  	(xrf0) =	vadd.scan.msk.s32 $0xffff, v7;
	_ =	sdelay $0x2  }
0x219: {  	s1 =	sadd.s32 $0xFFFFFF90, s15;
	s3 =	spop (v2sf)  }
0x21a: {  	_ =	sdelay $0x4  }
0x21b: {  	[tilespmem:v6+s10+$0x0] =	vst.idx.add.s32.msk vm1, v4;
	v6 =	vor.u32 s1, v0;
	s0 =	sadd.s32 s0, s3  }
0x21c: {  	[tilespmem:s0+$0x10000] =	vst.msk vm1, v6  }
0x21d: {  	v6 =	vld [tilespmem:s16+$0xFFFFFFD0];
	v7, _, _ =	vpop (xrf0)  }
0x21e: {  	(v2sf) =	vpush v7, $0xF;
	_ =	sdelay $0x3  }
0x21f: {  	v7 =	vshra.s32 v6, $0x15  }
0x220: {  	vm15 =	veq.s32 v7, v5  }
0x221: {  	v7 =	vsel vm15, $0x1, v2  }
0x222: {  	(xrf0) =	vadd.scan.msk.s32 $0xffff, v7;
	_ =	sdelay $0x1  }
0x223: {  	v6 =	vshrl.u32 v6, $0xA  }
0x224: {  	v6 =	vand.u32 $0x7FF, v6  }
0x225: {  	v6 =	vor.u32 v1, v6;
	_ =	sdelay $0x1  }
0x226: {  	v7, _, _ =	vpop (xrf0)  }
0x227: {  	(v2sf) =	vpush v7, $0xF  }
0x228: {  	s25 =	sadd.s32 $0xFFFFFFA0, s15;
	s26 =	spop (v2sf)  }
0x229: {  	[tilespmem:v6+s10+$0x0] =	vst.idx.add.s32.msk vm15, v4;
	v6 =	vor.u32 s25, v0;
	s0 =	sadd.s32 s0, s26  }
0x22a: {  	[tilespmem:s0+$0x10000] =	vst.msk vm15, v6  }
0x22b: {  	v6 =	vld [tilespmem:s16+$0xFFFFFFE0];
	_ =	sdelay $0x4  }
0x22c: {  	v7 =	vshra.s32 v6, $0x15;
	v6 =	vshrl.u32 v6, $0xA  }
0x22d: {  	vm4 =	veq.s32 v7, v5;
	v6 =	vand.u32 $0x7FF, v6  }
0x22e: {  	v6 =	vor.u32 v1, v6;
	v7 =	vsel vm4, $0x1, v2  }
0x22f: {  	(xrf0) =	vadd.scan.msk.s32 $0xffff, v7;
	_ =	sdelay $0x2  }
0x230: {  	s30 =	sadd.s32 $0xFFFFFFB0, s15;
	s31 =	spop (v2sf)  }
0x231: {  	s0 =	sadd.s32 s0, s31;
	[tilespmem:v6+s10+$0x0] =	vst.idx.add.s32.msk vm4, v4;
	v6 =	vor.u32 s30, v0  }
0x232: {  	[tilespmem:s0+$0x10000] =	vst.msk vm4, v6  }
0x233: {  	v6 =	vld [tilespmem:s16+$0xFFFFFFF0];
	v7, _, _ =	vpop (xrf0)  }
0x234: {  	(v2sf) =	vpush v7, $0xF;
	_ =	sdelay $0x3  }
0x235: {  	v7 =	vshra.s32 v6, $0x15  }
0x236: {  	vm5 =	veq.s32 v7, v5  }
0x237: {  	v7 =	vsel vm5, $0x1, v2  }
0x238: {  	(xrf0) =	vadd.scan.msk.s32 $0xffff, v7;
	_ =	sdelay $0x1  }
0x239: {  	v6 =	vshrl.u32 v6, $0xA  }
0x23a: {  	v6 =	vand.u32 $0x7FF, v6  }
0x23b: {  	v6 =	vor.u32 v1, v6;
	_ =	sdelay $0x1  }
0x23c: {  	v7, _, _ =	vpop (xrf0)  }
0x23d: {  	(v2sf) =	vpush v7, $0xF  }
0x23e: {  	s4 =	sadd.s32 $0xFFFFFFC0, s15;
	s5 =	spop (v2sf)  }
0x23f: {  	[tilespmem:v6+s10+$0x0] =	vst.idx.add.s32.msk vm5, v4;
	v6 =	vor.u32 s4, v0;
	s0 =	sadd.s32 s0, s5  }
0x240: {  	[tilespmem:s0+$0x10000] =	vst.msk vm5, v6  }
0x241: {  	v6 =	vld [tilespmem:s16+$0x0];
	_ =	sdelay $0x4  }
0x242: {  	v7 =	vshra.s32 v6, $0x15;
	v6 =	vshrl.u32 v6, $0xA  }
0x243: {  	vm6 =	veq.s32 v7, v5;
	v6 =	vand.u32 $0x7FF, v6  }
0x244: {  	v6 =	vor.u32 v1, v6;
	v7 =	vsel vm6, $0x1, v2  }
0x245: {  	(xrf0) =	vadd.scan.msk.s32 $0xffff, v7;
	_ =	sdelay $0x2  }
0x246: {  	s6 =	sadd.s32 $0xFFFFFFD0, s15;
	s7 =	spop (v2sf)  }
0x247: {  	s0 =	sadd.s32 s0, s7;
	[tilespmem:v6+s10+$0x0] =	vst.idx.add.s32.msk vm6, v4;
	v6 =	vor.u32 s6, v0  }
0x248: {  	[tilespmem:s0+$0x10000] =	vst.msk vm6, v6  }
0x249: {  	v6 =	vld [tilespmem:s16+$0x10];
	v7, _, _ =	vpop (xrf0)  }
0x24a: {  	(v2sf) =	vpush v7, $0xF;
	_ =	sdelay $0x3  }
0x24b: {  	v7 =	vshra.s32 v6, $0x15  }
0x24c: {  	vm7 =	veq.s32 v7, v5  }
0x24d: {  	v7 =	vsel vm7, $0x1, v2  }
0x24e: {  	(xrf0) =	vadd.scan.msk.s32 $0xffff, v7;
	_ =	sdelay $0x1  }
0x24f: {  	v6 =	vshrl.u32 v6, $0xA  }
0x250: {  	v6 =	vand.u32 $0x7FF, v6  }
0x251: {  	v6 =	vor.u32 v1, v6;
	_ =	sdelay $0x1  }
0x252: {  	v7, _, _ =	vpop (xrf0)  }
0x253: {  	(v2sf) =	vpush v7, $0xF  }
0x254: {  	s8 =	sadd.s32 $0xFFFFFFE0, s15;
	s9 =	spop (v2sf)  }
0x255: {  	[tilespmem:v6+s10+$0x0] =	vst.idx.add.s32.msk vm7, v4;
	v6 =	vor.u32 s8, v0;
	s0 =	sadd.s32 s0, s9  }
0x256: {  	[tilespmem:s0+$0x10000] =	vst.msk vm7, v6  }
0x257: {  	v6 =	vld [tilespmem:s16+$0x20];
	_ =	sdelay $0x4  }
0x258: {  	v7 =	vshra.s32 v6, $0x15;
	v6 =	vshrl.u32 v6, $0xA  }
0x259: {  	vm8 =	veq.s32 v7, v5;
	v6 =	vand.u32 $0x7FF, v6  }
0x25a: {  	v6 =	vor.u32 v1, v6;
	_ =	sdelay $0x3  }
0x25b: {  	s11 =	sadd.s32 $0xFFFFFFF0, s15;
	s12 =	spop (v2sf)  }
0x25c: {  	s0 =	sadd.s32 s0, s12;
	[tilespmem:v6+s10+$0x0] =	vst.idx.add.s32.msk vm8, v4;
	v6 =	vor.u32 s11, v0  }
0x25d: {  	[tilespmem:s0+$0x10000] =	vst.msk vm8, v6  }
0x25e: {  	v6 =	vld [tilespmem:s16+$0x30];
	_ =	sdelay $0x2  }
0x25f: {  	v8 =	vsel vm8, $0x1, v2  }
0x260: {  	(xrf0) =	vadd.scan.msk.s32 $0xffff, v8  }
0x261: {  	v7 =	vshra.s32 v6, $0x15  }
0x262: {  	vm9 =	veq.s32 v7, v5  }
0x263: {  	v5 =	vsel vm9, $0x1, v2  }
0x264: {  	(xrf0) =	vadd.scan.msk.s32 $0xffff, v5;
	_ =	sdelay $0x1  }
0x265: {  	v5, _, _ =	vpop (xrf0)  }
0x266: {  	(v2sf) =	vpush v5, $0xF;
	_ =	sdelay $0x2  }
0x267: {  	v5, _, _ =	vpop (xrf0)  }
0x268: {  	(v2sf) =	vpush v5, $0xF;
	_ =	sdelay $0x4  }
0x269: {  	v5 =	vshrl.u32 v6, $0xA  }
0x26a: {  	v5 =	vand.u32 $0x7FF, v5  }
0x26b: {  	v5 =	vor.u32 v1, v5;
	_ =	sdelay $0x3  }
0x26c: {  	s16 =	spop (v2sf)  }
0x26d: {  	[tilespmem:v5+s10+$0x0] =	vst.idx.add.s32.msk vm9, v4;
	v5 =	vor.u32 s15, v0;
	s0 =	sadd.s32 s0, s16  }
0x26e: {  	s19 =	simm.s32 $0xFFFFFFE0;
	[tilespmem:s0+$0x10000] =	vst.msk vm9, v5  }
0x26f: {  	v20 =	vld [tilespmem:s19+$0xDFF0]  }
0x270: {  	v21 =	vld [tilespmem:s19+$0xE7F0];
	s17 =	spop (v2sf)  }
0x271: {  	v22 =	vld [tilespmem:s19+$0xEFF0];
	s0 =	sadd.s32 s0, s17;
	s17 =	simm.s32 $0x0  }
0x272: {  	v6 =	vld [tilespmem:s17+$0x87F0]  }
0x273: {  	v7 =	vld [tilespmem:s17+$0x8FF0]  }
0x274: {  	v8 =	vld [tilespmem:s17+$0x97F0]  }
0x275: {  	v9 =	vld [tilespmem:s17+$0x9FF0]  }
0x276: {  	v10 =	vld [tilespmem:s17+$0xA7F0]  }
0x277: {  	v11 =	vld [tilespmem:s17+$0xAFF0]  }
0x278: {  	v12 =	vld [tilespmem:s17+$0xB7F0]  }
0x279: {  	v13 =	vld [tilespmem:s17+$0xBFF0]  }
0x27a: {  	v14 =	vld [tilespmem:s17+$0xC7F0]  }
0x27b: {  	v15 =	vld [tilespmem:s17+$0xCFF0]  }
0x27c: {  	v16 =	vld [tilespmem:s17+$0xD7F0]  }
0x27d: {  	v17 =	vld [tilespmem:s17+$0xDFF0];
	v6 =	vadd.s32 v6, v7  }
0x27e: {  	v18 =	vld [tilespmem:s17+$0xE7F0];
	v6 =	vadd.s32 v8, v6  }
0x27f: {  	v19 =	vld [tilespmem:s17+$0xEFF0];
	v6 =	vadd.s32 v9, v6  }
0x280: {  	v7 =	vld [tilespmem:s17+$0xF7F0];
	v6 =	vadd.s32 v10, v6  }
0x281: {  	s18 =	simm.s32 $0xFFFFFFF0;
	v8 =	vld [tilespmem:s17+$0xFFF0];
	v6 =	vadd.s32 v11, v6  }
0x282: {  	v9 =	vld [tilespmem:s18+$0x87F0];
	v6 =	vadd.s32 v12, v6  }
0x283: {  	v10 =	vld [tilespmem:s18+$0x8FF0];
	v6 =	vadd.s32 v13, v6  }
0x284: {  	v11 =	vld [tilespmem:s18+$0x97F0];
	v6 =	vadd.s32 v14, v6  }
0x285: {  	v12 =	vld [tilespmem:s18+$0x9FF0];
	v6 =	vadd.s32 v15, v6  }
0x286: {  	v13 =	vld [tilespmem:s18+$0xA7F0];
	v6 =	vadd.s32 v16, v6  }
0x287: {  	v14 =	vld [tilespmem:s18+$0xAFF0];
	v6 =	vadd.s32 v17, v6  }
0x288: {  	v15 =	vld [tilespmem:s18+$0xB7F0];
	v9 =	vadd.s32 v9, v10;
	v6 =	vadd.s32 v18, v6  }
0x289: {  	v16 =	vld [tilespmem:s18+$0xBFF0];
	v9 =	vadd.s32 v11, v9;
	v6 =	vadd.s32 v19, v6  }
0x28a: {  	v17 =	vld [tilespmem:s18+$0xC7F0];
	v6 =	vadd.s32 v7, v6;
	v7 =	vadd.s32 v12, v9  }
0x28b: {  	v10 =	vld [tilespmem:s18+$0xCFF0];
	v8 =	vadd.s32 v8, v6;
	v6 =	vadd.s32 v13, v7  }
0x28c: {  	v11 =	vld [tilespmem:s18+$0xD7F0];
	(xrf0) =	vadd.scan.msk.s32 $0xffff, v8;
	v6 =	vadd.s32 v14, v6  }
0x28d: {  	v9 =	vld [tilespmem:s18+$0xDFF0];
	v6 =	vadd.s32 v15, v6  }
0x28e: {  	v7 =	vld [tilespmem:s18+$0xE7F0];
	v6 =	vadd.s32 v16, v6  }
0x28f: {  	v12 =	vld [tilespmem:s18+$0xEFF0];
	v6 =	vadd.s32 v17, v6  }
0x290: {  	v13 =	vld [tilespmem:s18+$0xF7F0];
	v6 =	vadd.s32 v10, v6  }
0x291: {  	v14 =	vld [tilespmem:s18+$0xFFF0];
	v6 =	vadd.s32 v11, v6  }
0x292: {  	v23 =	vld [tilespmem:s19+$0xF7F0];
	v17, _, _ =	vpop (xrf0);
	v6 =	vadd.s32 v9, v6  }
0x293: {  	v18 =	vld [tilespmem:s19+$0xCFF0];
	(v2sf) =	vpush v17, $0xF;
	v6 =	vadd.s32 v7, v6  }
0x294: {  	v19 =	vld [tilespmem:s19+$0xD7F0];
	v6 =	vadd.s32 v12, v6  }
0x295: {  	v15 =	vld [tilespmem:s19+$0x87F0];
	v6 =	vadd.s32 v13, v6  }
0x296: {  	v16 =	vld [tilespmem:s19+$0x97F0];
	v11 =	vadd.s32 v14, v6  }
0x297: {  	v10 =	vld [tilespmem:s19+$0x8FF0];
	(xrf0) =	vadd.scan.msk.s32 $0xffff, v11  }
0x298: {  	v9 =	vld [tilespmem:s19+$0x9FF0]  }
0x299: {  	v7 =	vld [tilespmem:s19+$0xA7F0]  }
0x29a: {  	v12 =	vld [tilespmem:s19+$0xAFF0]  }
0x29b: {  	v13 =	vld [tilespmem:s19+$0xB7F0]  }
0x29c: {  	v6 =	vld [tilespmem:s19+$0xBFF0]  }
0x29d: {  	v10 =	vadd.s32 v15, v10;
	v14 =	vld [tilespmem:s19+$0xC7F0];
	v15, _, _ =	vpop (xrf0)  }
0x29e: {  	s20 =	simm.s32 $0xFFFFFFD0;
	v10 =	vadd.s32 v16, v10;
	v16 =	vld [tilespmem:s19+$0xFFF0];
	(v2sf) =	vpush v15, $0xF  }
0x29f: {  	v9 =	vadd.s32 v9, v10;
	v10 =	vld [tilespmem:s20+$0x87F0]  }
0x2a0: {  	v7 =	vadd.s32 v7, v9;
	v9 =	vld [tilespmem:s20+$0x8FF0]  }
0x2a1: {  	v7 =	vadd.s32 v12, v7;
	v12 =	vld [tilespmem:s20+$0x97F0]  }
0x2a2: {  	v7 =	vadd.s32 v13, v7;
	v13 =	vld [tilespmem:s20+$0x9FF0];
	s21 =	spop (v2sf)  }
0x2a3: {  	s14 =	ssub.s32 s13, s14;
	v6 =	vadd.s32 v6, v7;
	v7 =	vld [tilespmem:s20+$0xA7F0];
	s15 =	sadd.s32 $0x0, s21  }
0x2a4: {  	v5 =	vmov s14;
	v6 =	vadd.s32 v14, v6;
	v14 =	vsub.s32 s15, v17;
	v17 =	vld [tilespmem:s20+$0xAFF0]  }
0x2a5: {  	v6 =	vadd.s32 v18, v6;
	v9 =	vadd.s32 v10, v9;
	v10 =	vld [tilespmem:s20+$0xB7F0];
	v14 =	vadd.s32 v8, v14  }
0x2a6: {  	v6 =	vadd.s32 v19, v6;
	v9 =	vadd.s32 v12, v9;
	v12 =	vld [tilespmem:s20+$0xBFF0];
	vm10 =	vge.s32 v14, v5  }
0x2a7: {  	v6 =	vadd.s32 v20, v6;
	v9 =	vadd.s32 v13, v9;
	v13 =	vld [tilespmem:s20+$0xC7F0];
	v18 =	vsel vm10, $0x1, v2  }
0x2a8: {  	v6 =	vadd.s32 v21, v6;
	v7 =	vadd.s32 v7, v9;
	v9 =	vld [tilespmem:s20+$0xCFF0];
	(xrf0) =	vadd.scan.msk.s32 $0xffff, v18  }
0x2a9: {  	v6 =	vadd.s32 v22, v6;
	v7 =	vadd.s32 v17, v7;
	v17 =	vld [tilespmem:s20+$0xD7F0]  }
0x2aa: {  	v6 =	vadd.s32 v23, v6;
	v18 =	vld [tilespmem:s20+$0xDFF0];
	v10 =	vadd.s32 v10, v7  }
0x2ab: {  	v7 =	vadd.s32 v16, v6;
	v6 =	vadd.s32 v12, v10;
	v10 =	vld [tilespmem:s20+$0xE7F0]  }
0x2ac: {  	(xrf0) =	vadd.scan.msk.s32 $0xffff, v7;
	v12 =	vld [tilespmem:s20+$0xEFF0];
	v6 =	vadd.s32 v13, v6  }
0x2ad: {  	s22 =	spop (v2sf);
	v6 =	vadd.s32 v9, v6;
	v9 =	vld [tilespmem:s20+$0xF7F0]  }
0x2ae: {  	v16 =	vld [tilespmem:s20+$0xFFF0];
	v13, _, _ =	vpop (xrf0);
	s19 =	sadd.s32 s15, s22;
	v6 =	vadd.s32 v17, v6  }
0x2af: {  	(v2sf) =	vpush v13, $0xF;
	v13 =	vsub.s32 s19, v15;
	v6 =	vadd.s32 v18, v6  }
0x2b0: {  	s23 =	simm.s32 $0xFFFFFFC0;
	v13 =	vadd.s32 v11, v13;
	v6 =	vadd.s32 v10, v6  }
0x2b1: {  	v54 =	vld [tilespmem:s23+$0xBFF0];
	vm11 =	vge.s32 v13, v5;
	v6 =	vadd.s32 v12, v6  }
0x2b2: {  	v55 =	vld [tilespmem:s23+$0xC7F0];
	v12, _, _ =	vpop (xrf0);
	v18 =	vsel vm11, $0x1, v2;
	v6 =	vadd.s32 v9, v6  }
0x2b3: {  	v56 =	vld [tilespmem:s23+$0xCFF0];
	(v2sf) =	vpush v12, $0xF;
	(xrf0) =	vadd.scan.msk.s32 $0xffff, v18;
	v6 =	vadd.s32 v16, v6  }
0x2b4: {  	v17 =	vld [tilespmem:s23+$0x8FF0];
	(xrf0) =	vadd.scan.msk.s32 $0xffff, v6  }
0x2b5: {  	v15 =	vld [tilespmem:s23+$0x87F0]  }
0x2b6: {  	v10 =	vld [tilespmem:s23+$0x97F0]  }
0x2b7: {  	v19 =	vld [tilespmem:s23+$0x9FF0]  }
0x2b8: {  	v9 =	vld [tilespmem:s23+$0xA7F0]  }
0x2b9: {  	v16 =	vld [tilespmem:s23+$0xAFF0];
	v57, _, _ =	vpop (xrf0)  }
0x2ba: {  	v18 =	vld [tilespmem:s23+$0xB7F0];
	v15 =	vadd.s32 v15, v17;
	(v2sf) =	vpush v57, $0xF;
	v58, _, _ =	vpop (xrf0)  }
0x2bb: {  	s25 =	simm.s32 $0xFFFFFFB0;
	v24 =	vld [tilespmem:s23+$0xD7F0];
	v10 =	vadd.s32 v10, v15;
	(v2sf) =	vpush v58, $0xF  }
0x2bc: {  	v59 =	vld [tilespmem:s25+$0x8FF0];
	v10 =	vadd.s32 v19, v10  }
0x2bd: {  	v60 =	vld [tilespmem:s25+$0x97F0];
	v9 =	vadd.s32 v9, v10  }
0x2be: {  	v17 =	vld [tilespmem:s23+$0xDFF0];
	v9 =	vadd.s32 v16, v9;
	s24 =	spop (v2sf)  }
0x2bf: {  	v15 =	vld [tilespmem:s23+$0xE7F0];
	v9 =	vadd.s32 v18, v9;
	s26 =	sadd.s32 $0xFFFFFFFF, s24  }
0x2c0: {  	v19 =	vld [tilespmem:s23+$0xEFF0];
	v9 =	vadd.s32 v54, v9;
	v25 =	vmov s26  }
0x2c1: {  	v10 =	vld [tilespmem:s23+$0xF7F0];
	v9 =	vadd.s32 v55, v9;
	vm12 =	veq.s32 v25, v0  }
0x2c2: {  	v18 =	vld [tilespmem:s25+$0x87F0];
	v9 =	vadd.s32 v56, v9;
	s30 =	spop (v2sf);
	v14 =	vnsel vm12, $0x0, v14  }
0x2c3: {  	v61 =	vld [tilespmem:s25+$0x9FF0];
	v9 =	vadd.s32 v24, v9;
	v8 =	vnsel vm12, $0x0, v8;
	s20 =	sadd.s32 s19, s30;
	(xrf0) =	vadd.scan.msk.s32 $0xffff, v14  }
0x2c4: {  	v16 =	vld [tilespmem:s23+$0xFFF0];
	v9 =	vadd.s32 v17, v9;
	(xrf0) =	vadd.scan.msk.s32 $0xffff, v8;
	v8 =	vsub.s32 s20, v12  }
0x2c5: {  	v15 =	vadd.s32 v15, v9;
	v14 =	vld [tilespmem:s25+$0xA7F0];
	v9 =	vadd.s32 v7, v8  }
0x2c6: {  	v15 =	vadd.s32 v19, v15;
	v12 =	vld [tilespmem:s25+$0xAFF0];
	vm13 =	vge.s32 v9, v5  }
0x2c7: {  	v17 =	vld [tilespmem:s25+$0xB7F0];
	v10 =	vadd.s32 v10, v15;
	v8 =	vadd.s32 v18, v59;
	v15 =	vsel vm13, $0x1, v2  }
0x2c8: {  	v18 =	vld [tilespmem:s25+$0xBFF0];
	v8 =	vadd.s32 v60, v8  }
0x2c9: {  	v62 =	vld [tilespmem:s25+$0xC7F0];
	v19 =	vadd.s32 v61, v8;
	(xrf0) =	vadd.scan.msk.s32 $0xffff, v15;
	s31 =	spop (v2sf)  }
0x2ca: {  	v8 =	vadd.s32 v16, v10;
	v10 =	vadd.s32 v14, v19;
	v14 =	vld [tilespmem:s25+$0xCFF0];
	v15, _, _ =	vpop (xrf0);
	s5 =	spop (v2sf)  }
0x2cb: {  	v10 =	vadd.s32 v12, v10;
	(v2sf) =	vpush v15, $0xF;
	v12, _, _ =	vpop (xrf0);
	s21 =	sadd.s32 s20, s5  }
0x2cc: {  	v10 =	vadd.s32 v17, v10;
	(v2sf) =	vpush v12, $0xF;
	v15 =	vsub.s32 s21, v58  }
0x2cd: {  	(xrf0) =	vadd.scan.msk.s32 $0xffff, v8;
	v10 =	vadd.s32 v18, v10  }
0x2ce: {  	v10 =	vadd.s32 v62, v10  }
0x2cf: {  	v19 =	vadd.s32 v14, v10;
	v10 =	vadd.s32 v6, v15;
	v15, _, _ =	vpop (xrf0)  }
0x2d0: {  	s4 =	sadd.s32 $0xFFFFFFFF, s31;
	(v2sf) =	vpush v15, $0xF  }
0x2d1: {  	v12 =	vmov s4  }
0x2d2: {  	v16 =	vld [tilespmem:s25+$0xD7F0];
	vm14 =	veq.s32 v12, v0  }
0x2d3: {  	v17 =	vld [tilespmem:s25+$0xDFF0];
	v13 =	vnsel vm14, $0x0, v13;
	v63 =	vnsel vm14, $0x0, v11;
	v11, _, _ =	vpop (xrf0)  }
0x2d4: {  	v18 =	vld [tilespmem:s25+$0xE7F0];
	(xrf0) =	vadd.scan.msk.s32 $0xffff, v13;
	(v2sf) =	vpush v11, $0xF  }
0x2d5: {  	v12 =	vld [tilespmem:s25+$0xEFF0];
	(xrf0) =	vadd.scan.msk.s32 $0xffff, v63  }
0x2d6: {  	s13 =	simm.s32 $0x0;
	s29 =	simm.s32 $0xFFFFFFA0;
	p0 =	sgt.s32 s14, $0x0;
	v14 =	vld [tilespmem:s25+$0xF7F0]  }
0x2d7: {  	[dreg:$0xa] =	wrdreg s0;
	s0 =	simm.s32 $0xFFFFFE40;
	s18 =	simm.s32 $0x0;
	v16 =	vadd.s32 v16, v19;
	vm15 =	vge.s32 v10, v5;
	v13 =	vld [tilespmem:s25+$0xFFF0]  }
0x2d8: {  	s28 =	smov.u32 s15;
	s22 =	simm.s32 $0x7DF;
	s24 =	sadd.s32 $0x7EF, s24;
	v17 =	vadd.s32 v17, v16;
	v19 =	vsel vm15, $0x1, v2;
	v16 =	vld [tilespmem:s29+$0x8FF0]  }
0x2d9: {  	s26 =	smov.u32 s19;
	s23 =	smov.u32 s20;
	s25 =	sadd.s32 $0x7DF, s31;
	v15 =	vld [tilespmem:s29+$0x87F0];
	v17 =	vadd.s32 v18, v17;
	(xrf0) =	vadd.scan.msk.s32 $0xffff, v19  }
.LBB2_12:
0x2da: {  	p1 =	sne.s32 s0, $0xFFFFE040;
	v18 =	vld [tilespmem:s29+$0x97F0];
	v12 =	vadd.s32 v12, v17;
	v17, _, _ =	vpop (xrf0);
	p2 =	sge.s32 s15, s14;
	s1 =	spop (v2sf)  }
0x2db: {  	s15 =	smov.u32 s19;
	v19 =	vld [tilespmem:s29+$0x9FF0];
	v12 =	vadd.s32 v14, v12;
	(v2sf) =	vpush v17, $0xF;
	v14, _, _ =	vpop (xrf0);
	p0 =	por !p0, !p2;
	s3 =	spop (v2sf)  }
0x2dc: {  	s19 =	smov.u32 s20;
	v17 =	vld [tilespmem:s29+$0xA7F0];
	v13 =	vadd.s32 v13, v12;
	(v2sf) =	vpush v14, $0xF;
	p0 =	por !p0, !p0;
	s1 =	ssub.s32 s1, s3  }
0x2dd: {  	v12 =	vld [tilespmem:s29+$0xAFF0];
	(xrf0) =	vadd.scan.msk.s32 $0xffff, v13;
	s13 =	smov.u32 @p0 s24;
	s18 =	smov.u32 @p0 s1;
	s24 =	smov.u32 s25  }
0x2de: {  	s20 =	smov.u32 s21;
	s1 =	smov.u32 s26;
	s26 =	smov.u32 s23;
	v14 =	vadd.s32 v15, v16;
	v15 =	vld [tilespmem:s29+$0xB7F0]  }
0x2df: {  	s22 =	sadd.s32 $0xFFFFFFF0, s22;
	s23 =	smov.u32 s21;
	v14 =	vadd.s32 v18, v14;
	v16 =	vld [tilespmem:s29+$0xBFF0];
	v18, _, _ =	vpop (xrf0);
	s3 =	spop (v2sf)  }
0x2e0: {  	v14 =	vadd.s32 v19, v14;
	v19 =	vld [tilespmem:s29+$0xC7F0];
	(v2sf) =	vpush v18, $0xF;
	s4 =	sadd.s32 $0xFFFFFFFF, s3;
	s25 =	sadd.s32 s22, s3  }
0x2e1: {  	v14 =	vadd.s32 v17, v14;
	v17 =	vld [tilespmem:s29+$0xCFF0];
	v18 =	vmov s4  }
0x2e2: {  	v12 =	vadd.s32 v12, v14;
	v20 =	vld [tilespmem:s29+$0xD7F0];
	vm1 =	veq.s32 v18, v0  }
0x2e3: {  	v12 =	vadd.s32 v15, v12;
	v18 =	vld [tilespmem:s29+$0xDFF0];
	v15, _, _ =	vpop (xrf0);
	s3 =	spop (v2sf);
	v14 =	vnsel vm1, $0x0, v9;
	v9 =	vmov v10  }
0x2e4: {  	v10 =	vadd.s32 v16, v12;
	v21 =	vld [tilespmem:s29+$0xE7F0];
	(v2sf) =	vpush v15, $0xF;
	s21 =	sadd.s32 s21, s3;
	v16 =	vnsel vm1, $0x0, v7;
	(xrf0) =	vadd.scan.msk.s32 $0xffff, v14;
	v7 =	vmovc v6  }
.Ltmp7:
0x2e5: {  	v6 =	vmovc v8;
	v8 =	vmov v13;
	v10 =	vadd.s32 v19, v10;
	v12 =	vld [tilespmem:s29+$0xEFF0];
	v19 =	vsub.s32 s21, v11;
	(xrf0) =	vadd.scan.msk.s32 $0xffff, v16;
	(pc) =	sbr.rel @p1 .LBB2_12-.Ltmp7, $4  }
0x2e6: {  	v11 =	vmov v15;
	v13 =	vadd.s32 v17, v10;
	v14 =	vld [tilespmem:s29+$0xF7F0];
	v10 =	vadd.s32 v6, v19  }
0x2e7: {  	v16 =	vadd.s32 v20, v13;
	v13 =	vld [tilespmem:s29+$0xFFF0];
	s29 =	sshra.s32 s0, $0x2;
	vm1 =	vge.s32 v10, v5  }
0x2e8: {  	v15 =	vld [tilespmem:s29+$0x87F0];
	v17 =	vadd.s32 v18, v16;
	v18 =	vsel vm1, $0x1, v2  }
0x2e9: {  	p0 =	slt.s32 s28, s14;
	s28 =	smov.u32 s1;
	s0 =	sadd.s32 $0xFFFFFFC0, s0;
	v16 =	vld [tilespmem:s29+$0x8FF0];
	v17 =	vadd.s32 v21, v17;
	(xrf0) =	vadd.scan.msk.s32 $0xffff, v18  }
0x2ea: {  	v18 =	vld [tilespmem:s29+$0x97F0]  }
0x2eb: {  	v19 =	vld [tilespmem:s29+$0x9FF0]  }
0x2ec: {  	v20 =	vld [tilespmem:s29+$0xA7F0]  }
0x2ed: {  	v21 =	vld [tilespmem:s29+$0xAFF0]  }
0x2ee: {  	v37 =	vld [tilespmem:s29+$0xB7F0];
	v15 =	vadd.s32 v15, v16  }
0x2ef: {  	v38 =	vld [tilespmem:s29+$0xBFF0];
	v15 =	vadd.s32 v18, v15  }
0x2f0: {  	v39 =	vld [tilespmem:s29+$0xC7F0];
	v15 =	vadd.s32 v19, v15  }
0x2f1: {  	v40 =	vld [tilespmem:s29+$0xCFF0];
	v15 =	vadd.s32 v20, v15  }
0x2f2: {  	v41 =	vld [tilespmem:s29+$0xD7F0];
	v15 =	vadd.s32 v21, v15  }
0x2f3: {  	s0 =	spop (v2sf);
	v42 =	vld [tilespmem:s29+$0xDFF0];
	v15 =	vadd.s32 v37, v15  }
0x2f4: {  	v43 =	vld [tilespmem:s29+$0xE7F0];
	s16 =	spop (v2sf);
	v15 =	vadd.s32 v38, v15  }
0x2f5: {  	v12 =	vadd.s32 v12, v17;
	v44 =	vld [tilespmem:s29+$0xEFF0];
	s31 =	spop (v2sf);
	v15 =	vadd.s32 v39, v15  }
0x2f6: {  	v46 =	vld [tilespmem:s29+$0xF7F0];
	v12 =	vadd.s32 v14, v12;
	s3 =	sadd.s32 $0xFFFFFFFF, s31;
	s4 =	spop (v2sf);
	v45 =	vadd.s32 v40, v15  }
0x2f7: {  	v48 =	vld [tilespmem:s29+$0xFFF0];
	v12 =	vadd.s32 v13, v12;
	v47 =	vmov s3;
	s30 =	sadd.s32 s21, s4;
	v14 =	vadd.s32 v41, v45  }
0x2f8: {  	vm1 =	veq.s32 v47, v0;
	v11 =	vsub.s32 s30, v11;
	v49 =	vadd.s32 v42, v14  }
0x2f9: {  	(xrf0) =	vadd.scan.msk.s32 $0xffff, v12;
	v9 =	vnsel vm1, $0x0, v9;
	v11 =	vadd.s32 v8, v11;
	v13 =	vadd.s32 v43, v49  }
0x2fa: {  	v7 =	vnsel vm1, $0x0, v7;
	(xrf0) =	vadd.scan.msk.s32 $0xffff, v9;
	vm9 =	vge.s32 v11, v5;
	v50 =	vadd.s32 v44, v13  }
0x2fb: {  	(xrf0) =	vadd.scan.msk.s32 $0xffff, v7;
	v7 =	vsel vm9, $0x1, v2;
	v9 =	vadd.s32 v46, v50  }
0x2fc: {  	v51, _, _ =	vpop (xrf0);
	(xrf0) =	vadd.scan.msk.s32 $0xffff, v7;
	v7 =	vadd.s32 v48, v9  }
0x2fd: {  	(v2sf) =	vpush v51, $0xF;
	v52, _, _ =	vpop (xrf0);
	(xrf0) =	vadd.scan.msk.s32 $0xffff, v7  }
0x2fe: {  	(v2sf) =	vpush v52, $0xF;
	v53, _, _ =	vpop (xrf0)  }
0x2ff: {  	(v2sf) =	vpush v53, $0xF;
	v54, _, _ =	vpop (xrf0)  }
0x300: {  	(v2sf) =	vpush v54, $0xF;
	v55, _, _ =	vpop (xrf0)  }
0x301: {  	(v2sf) =	vpush v55, $0xF;
	v56, _, _ =	vpop (xrf0)  }
0x302: {  	(v2sf) =	vpush v56, $0xF;
	v57, _, _ =	vpop (xrf0)  }
0x303: {  	(v2sf) =	vpush v57, $0xF;
	v58, _, _ =	vpop (xrf0)  }
0x304: {  	(v2sf) =	vpush v58, $0xF;
	_ =	sdelay $0x7  }
0x305: {  	s9 =	spop (v2sf)  }
0x306: {  	s8 =	spop (v2sf)  }
0x307: {  	s3 =	spop (v2sf)  }
0x308: {  	s29 =	spop (v2sf)  }
0x309: {  	s1 =	spop (v2sf)  }
0x30a: {  	s6 =	sadd.s32 $0xFFFFFFFF, s3;
	s5 =	spop (v2sf)  }
0x30b: {  	v59 =	vmov s6;
	s29 =	sadd.s32 s30, s29;
	s4 =	spop (v2sf)  }
0x30c: {  	vm10 =	veq.s32 v59, v0;
	v9 =	vsub.s32 s29, v54;
	s7 =	sadd.s32 $0xFFFFFFFF, s4;
	s11 =	spop (v2sf)  }
0x30d: {  	v10 =	vnsel vm10, $0x0, v10;
	v9 =	vadd.s32 v12, v9;
	v60 =	vmov s7;
	s7 =	sadd.s32 s29, s11  }
0x30e: {  	v6 =	vnsel vm10, $0x0, v6;
	(xrf0) =	vadd.scan.msk.s32 $0xffff, v10;
	vm11 =	vge.s32 v9, v5;
	v61 =	vsub.s32 s7, v58  }
0x30f: {  	(xrf0) =	vadd.scan.msk.s32 $0xffff, v6;
	v6 =	vsel vm11, $0x1, v2;
	vm12 =	veq.s32 v60, v0;
	v10 =	vadd.s32 v7, v61  }
0x310: {  	(xrf0) =	vadd.scan.msk.s32 $0xffff, v6;
	v6 =	vnsel vm12, $0x0, v11;
	vm13 =	vge.s32 v10, v5  }
0x311: {  	v62 =	vnsel vm12, $0x0, v8;
	(xrf0) =	vadd.scan.msk.s32 $0xffff, v6;
	v5 =	vsel vm13, $0x1, v2  }
0x312: {  	(xrf0) =	vadd.scan.msk.s32 $0xffff, v62  }
0x313: {  	(xrf0) =	vadd.scan.msk.s32 $0xffff, v5  }
0x314: {  	v5, _, _ =	vpop (xrf0)  }
0x315: {  	v6, _, _ =	vpop (xrf0);
	(v2sf) =	vpush v5, $0xF  }
0x316: {  	(v2sf) =	vpush v6, $0xF;
	v5, _, _ =	vpop (xrf0)  }
0x317: {  	(v2sf) =	vpush v5, $0xF;
	v5, _, _ =	vpop (xrf0)  }
0x318: {  	(v2sf) =	vpush v5, $0xF;
	v5, _, _ =	vpop (xrf0)  }
0x319: {  	(v2sf) =	vpush v5, $0xF;
	v5, _, _ =	vpop (xrf0)  }
0x31a: {  	(v2sf) =	vpush v5, $0xF;
	_ =	sdelay $0x9  }
0x31b: {  	[dreg:$0x11] =	wrdreg s16;
	s16 =	spop (v2sf)  }
0x31c: {  	[dreg:$0xf] =	wrdreg s0;
	s0 =	spop (v2sf)  }
0x31d: {  	s12 =	spop (v2sf)  }
0x31e: {  	[dreg:$0x16] =	wrdreg s5;
	s5 =	spop (v2sf)  }
0x31f: {  	[dreg:$0x13] =	wrdreg s1;
	s6 =	sadd.s32 $0xFFFFFFFF, s12;
	s1 =	spop (v2sf)  }
0x320: {  	v5 =	vmov s6;
	s11 =	spop (v2sf)  }
0x321: {  	vm14 =	veq.s32 v5, v0;
	s6 =	sadd.s32 $0xFFFFFFFF, s11  }
0x322: {  	v6 =	vnsel vm14, $0x0, v9;
	v5 =	vmov s6  }
0x323: {  	v63 =	vnsel vm14, $0x0, v12;
	(xrf0) =	vadd.scan.msk.s32 $0xffff, v6;
	vm15 =	veq.s32 v5, v0  }
0x324: {  	(xrf0) =	vadd.scan.msk.s32 $0xffff, v63;
	v5 =	vnsel vm15, $0x0, v10  }
0x325: {  	v6 =	vnsel vm15, $0x0, v7;
	(xrf0) =	vadd.scan.msk.s32 $0xffff, v5  }
0x326: {  	(xrf0) =	vadd.scan.msk.s32 $0xffff, v6;
	_ =	sdelay $0x1  }
0x327: {  	p1 =	sge.s32 s15, s14  }
0x328: {  	p5 =	slt.s32 s28, s14;
	p6 =	sge.s32 s19, s14;
	p2 =	slt.s32 s26, s14;
	v5, _, _ =	vpop (xrf0)  }
0x329: {  	p3 =	sge.s32 s20, s14;
	s20 =	sadd.s32 $0xFFFFFFF0, s22;
	p4 =	sge.s32 s21, s14;
	(v2sf) =	vpush v5, $0xF;
	v5, _, _ =	vpop (xrf0)  }
0x32a: {  	p0 =	por !p0, !p1;
	p2 =	por !p2, !p3;
	s15 =	rddreg [dreg:$0x11];
	(v2sf) =	vpush v5, $0xF;
	v5, _, _ =	vpop (xrf0)  }
0x32b: {  	p3 =	slt.s32 s23, s14;
	p0 =	por !p0, !p0;
	s22 =	rddreg [dreg:$0x13];
	(v2sf) =	vpush v5, $0xF;
	v5, _, _ =	vpop (xrf0)  }
0x32c: {  	p1 =	por !p2, !p2;
	s13 =	smov.u32 @p0 s24;
	s6 =	rddreg [dreg:$0xf];
	(v2sf) =	vpush v5, $0xF  }
0x32d: {  	s24 =	rddreg [dreg:$0x16];
	s0 =	ssub.s32 s16, s0;
	s6 =	ssub.s32 s6, s15  }
0x32e: {  	s18 =	smov.u32 @p0 s6;
	s6 =	ssub.s32 s9, s8;
	p0 =	por !p5, !p6  }
0x32f: {  	s9 =	sadd.s32 s20, s31;
	p5 =	slt.s32 s21, s14;
	p0 =	por !p0, !p0  }
0x330: {  	p6 =	sge.s32 s30, s14;
	s13 =	smov.u32 @p0 s25;
	s18 =	smov.u32 @p0 s6  }
0x331: {  	s6 =	ssub.s32 s22, s24;
	s25 =	sadd.s32 $0xFFFFFFF0, s20;
	p0 =	por !p3, !p4  }
0x332: {  	p3 =	slt.s32 s30, s14;
	p4 =	sge.s32 s29, s14;
	s13 =	smov.u32 @p1 s9  }
0x333: {  	s18 =	smov.u32 @p1 s6;
	s3 =	sadd.s32 s25, s3;
	s6 =	sadd.s32 $0xFFFFFFF0, s25  }
0x334: {  	p0 =	por !p0, !p0;
	p1 =	por !p5, !p6;
	p5 =	slt.s32 s29, s14  }
0x335: {  	p6 =	sge.s32 s7, s14;
	s4 =	sadd.s32 s6, s4;
	s13 =	smov.u32 @p0 s3  }
0x336: {  	p1 =	por !p1, !p1;
	s18 =	smov.u32 @p0 s0;
	s0 =	ssub.s32 s5, s1  }
0x337: {  	p0 =	por !p3, !p4;
	s26 =	sadd.s32 $0xFFFFFFF0, s6;
	s13 =	smov.u32 @p1 s4  }
0x338: {  	s18 =	smov.u32 @p1 s0;
	p1 =	por !p5, !p6;
	s28 =	spop (v2sf)  }
0x339: {  	s3 =	sadd.s32 s26, s12;
	s0 =	sadd.s32 $0xFFFFFFF0, s26;
	s29 =	spop (v2sf)  }
0x33a: {  	p0 =	por !p0, !p0;
	s0 =	sadd.s32 s0, s11;
	s30 =	spop (v2sf)  }
0x33b: {  	s13 =	smov.u32 @p0 s3;
	s1 =	ssub.s32 s28, s29;
	s31 =	spop (v2sf)  }
0x33c: {  	s18 =	smov.u32 @p0 s1;
	p0 =	por !p1, !p1;
	s1 =	ssub.s32 s30, s31  }
0x33d: {  	s13 =	smov.u32 @p0 s0;
	s0 =	simm.s32 $0x200;
	s18 =	smov.u32 @p0 s1  }
.LBB2_14:
0x33e: {  	p0 =	sne.s32 s0, $0x1FE00;
	[tilespmem:s17+$0x8070] =	vst v2  }
0x33f: {  	[tilespmem:s17+$0x8000] =	vst v2  }
0x340: {  	[tilespmem:s17+$0x8010] =	vst v2  }
.Ltmp8:
0x341: {  	[tilespmem:s17+$0x8020] =	vst v2;
	(pc) =	sbr.rel @p0 .LBB2_14-.Ltmp8, $4  }
0x342: {  	[tilespmem:s17+$0x8030] =	vst v2  }
0x343: {  	[tilespmem:s17+$0x8040] =	vst v2  }
0x344: {  	[tilespmem:s17+$0x8050] =	vst v2  }
0x345: {  	[tilespmem:s17+$0x8060] =	vst v2;
	s17 =	sshra.s32 s0, $0x2;
	s0 =	sadd.s32 $0x200, s0  }
0x346: {  	s1 =	rddreg [dreg:$0xa]  }
0x347: {  	[tilespmem:s17+$0x8070] =	vst v2;
	s0 =	sadd.s32 $0xF, s1  }
0x348: {  	[tilespmem:s17+$0x8000] =	vst v2;
	s4 =	sshra.s32 s0, $0x4  }
0x349: {  	[tilespmem:s17+$0x8010] =	vst v2;
	p0 =	slt.s32 s4, $0x1  }
.Ltmp9:
0x34a: {  	[tilespmem:s17+$0x8020] =	vst v2;
	(pc) =	sbr.rel @p0 .LBB2_18-.Ltmp9, $4  }
0x34b: {  	[tilespmem:s17+$0x8030] =	vst v2  }
0x34c: {  	[tilespmem:s17+$0x8040] =	vst v2  }
0x34d: {  	[tilespmem:s17+$0x8050] =	vst v2  }
0x34e: {  	[tilespmem:s17+$0x8060] =	vst v2;
	v5 =	vmov s1  }
0x34f: {  	s0 =	rddreg [dreg:$0x8]  }
0x350: {  	s0 =	sshll.u32 s0, $0xB  }
0x351: {  	s0 =	sor.u32 s0, s13  }
0x352: {  	s1 =	simm.s32 $0x0;
	s3 =	smov.u32 s4;
	v6 =	vmov s0;
	s0 =	simm.s32 $0x10000  }
.LBB2_17:
0x353: {  	v7 =	vld [tilespmem:s0+$0x0];
	_ =	sdelay $0x2  }
0x354: {  	v8 =	vor.u32 s1, v0  }
0x355: {  	vm1 =	vlt.s32 v8, v5  }
0x356: {  	v7 =	vand.u32 $0x7FFF, v7;
	_ =	sdelay $0x4  }
0x357: {  	v7 =	vld.idx.msk [tilespmem:v7+s2+$0x0], vm1;
	_ =	sdelay $0x4  }
0x358: {  	v8 =	vshra.s32 v7, $0xA  }
0x359: {  	vm2 =	veq.s32 v8, v6  }
0x35a: {  	v7 =	vand.u32 $0x3FF, v7;
	vm1 =	vmand vm1, vm2  }
0x35b: {  	p1 =	seq.s32 s3, $0x1;
	v7 =	vor.u32 v1, v7  }
.Ltmp10:
0x35c: {  	_ = 	snop;
	(pc) =	sbr.rel @!p1 .LBB2_17-.Ltmp10, $2  }
0x35d: {  	_ =	sdelay $0x2  }
0x35e: {  	s0 =	sadd.s32 $0x10, s0;
	s1 =	sadd.s32 $0x10, s1;
	s3 =	sadd.s32 $0xFFFFFFFF, s3;
	[tilespmem:v7+s10+$0x0] =	vst.idx.add.s32.msk vm1, v4  }
.LBB2_18:
0x35f: {  	s0 =	simm.s32 $0x0  }
0x360: {  	v7 =	vld [tilespmem:s0+$0x83F0]  }
0x361: {  	v8 =	vld [tilespmem:s0+$0x8BF0]  }
0x362: {  	v9 =	vld [tilespmem:s0+$0x93F0]  }
0x363: {  	v10 =	vld [tilespmem:s0+$0x9BF0]  }
0x364: {  	v11 =	vld [tilespmem:s0+$0xA3F0]  }
0x365: {  	v12 =	vld [tilespmem:s0+$0xABF0]  }
0x366: {  	v13 =	vld [tilespmem:s0+$0xB3F0]  }
0x367: {  	v14 =	vld [tilespmem:s0+$0xBBF0]  }
0x368: {  	v15 =	vld [tilespmem:s0+$0xC3F0]  }
0x369: {  	v16 =	vld [tilespmem:s0+$0xCBF0]  }
0x36a: {  	v17 =	vld [tilespmem:s0+$0xD3F0]  }
0x36b: {  	v18 =	vld [tilespmem:s0+$0xDBF0]  }
0x36c: {  	v19 =	vld [tilespmem:s0+$0xE3F0]  }
0x36d: {  	s19 =	simm.s32 $0xFFFFFFE0;
	v20 =	vld [tilespmem:s0+$0xEBF0]  }
0x36e: {  	v21 =	vld [tilespmem:s19+$0xDBF0];
	v7 =	vadd.s32 v7, v8  }
0x36f: {  	v22 =	vld [tilespmem:s19+$0xE3F0];
	v7 =	vadd.s32 v9, v7  }
0x370: {  	v23 =	vld [tilespmem:s19+$0xEBF0];
	v7 =	vadd.s32 v10, v7  }
0x371: {  	v8 =	vld [tilespmem:s0+$0xF3F0];
	v7 =	vadd.s32 v11, v7  }
0x372: {  	s1 =	simm.s32 $0xFFFFFFF0;
	v9 =	vld [tilespmem:s0+$0xFBF0];
	v7 =	vadd.s32 v12, v7  }
0x373: {  	v10 =	vld [tilespmem:s1+$0x83F0];
	v7 =	vadd.s32 v13, v7  }
0x374: {  	v11 =	vld [tilespmem:s1+$0x8BF0];
	v7 =	vadd.s32 v14, v7  }
0x375: {  	v12 =	vld [tilespmem:s1+$0x93F0];
	v7 =	vadd.s32 v15, v7  }
0x376: {  	v13 =	vld [tilespmem:s1+$0x9BF0];
	v7 =	vadd.s32 v16, v7  }
0x377: {  	v14 =	vld [tilespmem:s1+$0xA3F0];
	v7 =	vadd.s32 v17, v7  }
0x378: {  	v15 =	vld [tilespmem:s1+$0xABF0];
	v7 =	vadd.s32 v18, v7  }
0x379: {  	v16 =	vld [tilespmem:s1+$0xB3F0];
	v10 =	vadd.s32 v10, v11;
	v7 =	vadd.s32 v19, v7  }
0x37a: {  	v17 =	vld [tilespmem:s1+$0xBBF0];
	v10 =	vadd.s32 v12, v10;
	v7 =	vadd.s32 v20, v7  }
0x37b: {  	v18 =	vld [tilespmem:s1+$0xC3F0];
	v7 =	vadd.s32 v8, v7;
	v8 =	vadd.s32 v13, v10  }
0x37c: {  	v11 =	vld [tilespmem:s1+$0xCBF0];
	v9 =	vadd.s32 v9, v7;
	v7 =	vadd.s32 v14, v8  }
0x37d: {  	v12 =	vld [tilespmem:s1+$0xD3F0];
	(xrf0) =	vadd.scan.msk.s32 $0xffff, v9;
	v7 =	vadd.s32 v15, v7  }
0x37e: {  	v10 =	vld [tilespmem:s1+$0xDBF0];
	v7 =	vadd.s32 v16, v7  }
0x37f: {  	v8 =	vld [tilespmem:s1+$0xE3F0];
	v7 =	vadd.s32 v17, v7  }
0x380: {  	v13 =	vld [tilespmem:s1+$0xEBF0];
	v7 =	vadd.s32 v18, v7  }
0x381: {  	v14 =	vld [tilespmem:s1+$0xF3F0];
	v7 =	vadd.s32 v11, v7  }
0x382: {  	v15 =	vld [tilespmem:s1+$0xFBF0];
	v7 =	vadd.s32 v12, v7  }
0x383: {  	v24 =	vld [tilespmem:s19+$0xF3F0];
	v18, _, _ =	vpop (xrf0);
	v7 =	vadd.s32 v10, v7  }
0x384: {  	v19 =	vld [tilespmem:s19+$0xCBF0];
	(v2sf) =	vpush v18, $0xF;
	v7 =	vadd.s32 v8, v7  }
0x385: {  	v20 =	vld [tilespmem:s19+$0xD3F0];
	v7 =	vadd.s32 v13, v7  }
0x386: {  	v16 =	vld [tilespmem:s19+$0x83F0];
	v7 =	vadd.s32 v14, v7  }
0x387: {  	v17 =	vld [tilespmem:s19+$0x93F0];
	v12 =	vadd.s32 v15, v7  }
0x388: {  	v11 =	vld [tilespmem:s19+$0x8BF0];
	(xrf0) =	vadd.scan.msk.s32 $0xffff, v12  }
0x389: {  	v10 =	vld [tilespmem:s19+$0x9BF0]  }
0x38a: {  	v8 =	vld [tilespmem:s19+$0xA3F0]  }
0x38b: {  	v13 =	vld [tilespmem:s19+$0xABF0]  }
0x38c: {  	v14 =	vld [tilespmem:s19+$0xB3F0]  }
0x38d: {  	v7 =	vld [tilespmem:s19+$0xBBF0]  }
0x38e: {  	v11 =	vadd.s32 v16, v11;
	v15 =	vld [tilespmem:s19+$0xC3F0];
	v16, _, _ =	vpop (xrf0)  }
0x38f: {  	s20 =	simm.s32 $0xFFFFFFD0;
	v11 =	vadd.s32 v17, v11;
	v17 =	vld [tilespmem:s19+$0xFBF0];
	(v2sf) =	vpush v16, $0xF  }
0x390: {  	v10 =	vadd.s32 v10, v11;
	v11 =	vld [tilespmem:s20+$0x83F0]  }
0x391: {  	v8 =	vadd.s32 v8, v10;
	v10 =	vld [tilespmem:s20+$0x8BF0]  }
0x392: {  	v8 =	vadd.s32 v13, v8;
	v13 =	vld [tilespmem:s20+$0x93F0]  }
0x393: {  	v8 =	vadd.s32 v14, v8;
	v14 =	vld [tilespmem:s20+$0x9BF0];
	s21 =	spop (v2sf)  }
0x394: {  	s14 =	ssub.s32 s14, s18;
	v7 =	vadd.s32 v7, v8;
	v8 =	vld [tilespmem:s20+$0xA3F0];
	s17 =	sadd.s32 $0x0, s21  }
0x395: {  	v6 =	vmov s14;
	v7 =	vadd.s32 v15, v7;
	v15 =	vsub.s32 s17, v18;
	v18 =	vld [tilespmem:s20+$0xABF0]  }
0x396: {  	v7 =	vadd.s32 v19, v7;
	v10 =	vadd.s32 v11, v10;
	v11 =	vld [tilespmem:s20+$0xB3F0];
	v15 =	vadd.s32 v9, v15  }
0x397: {  	v7 =	vadd.s32 v20, v7;
	v10 =	vadd.s32 v13, v10;
	v13 =	vld [tilespmem:s20+$0xBBF0];
	vm1 =	vge.s32 v15, v6  }
0x398: {  	v7 =	vadd.s32 v21, v7;
	v10 =	vadd.s32 v14, v10;
	v14 =	vld [tilespmem:s20+$0xC3F0];
	v19 =	vsel vm1, $0x1, v2  }
0x399: {  	v7 =	vadd.s32 v22, v7;
	v8 =	vadd.s32 v8, v10;
	v10 =	vld [tilespmem:s20+$0xCBF0];
	(xrf0) =	vadd.scan.msk.s32 $0xffff, v19  }
0x39a: {  	v7 =	vadd.s32 v23, v7;
	v8 =	vadd.s32 v18, v8;
	v18 =	vld [tilespmem:s20+$0xD3F0]  }
0x39b: {  	v7 =	vadd.s32 v24, v7;
	v19 =	vld [tilespmem:s20+$0xDBF0];
	v11 =	vadd.s32 v11, v8  }
0x39c: {  	v8 =	vadd.s32 v17, v7;
	v7 =	vadd.s32 v13, v11;
	v11 =	vld [tilespmem:s20+$0xE3F0]  }
0x39d: {  	(xrf0) =	vadd.scan.msk.s32 $0xffff, v8;
	v13 =	vld [tilespmem:s20+$0xEBF0];
	v7 =	vadd.s32 v14, v7  }
0x39e: {  	s22 =	spop (v2sf);
	v7 =	vadd.s32 v10, v7;
	v10 =	vld [tilespmem:s20+$0xF3F0]  }
0x39f: {  	v17 =	vld [tilespmem:s20+$0xFBF0];
	v14, _, _ =	vpop (xrf0);
	s18 =	sadd.s32 s17, s22;
	v7 =	vadd.s32 v18, v7  }
0x3a0: {  	(v2sf) =	vpush v14, $0xF;
	v14 =	vsub.s32 s18, v16;
	v7 =	vadd.s32 v19, v7  }
0x3a1: {  	s3 =	simm.s32 $0xFFFFFFC0;
	v14 =	vadd.s32 v12, v14;
	v7 =	vadd.s32 v11, v7  }
0x3a2: {  	v54 =	vld [tilespmem:s3+$0xBBF0];
	vm11 =	vge.s32 v14, v6;
	v7 =	vadd.s32 v13, v7  }
0x3a3: {  	v55 =	vld [tilespmem:s3+$0xC3F0];
	v13, _, _ =	vpop (xrf0);
	v19 =	vsel vm11, $0x1, v2;
	v7 =	vadd.s32 v10, v7  }
0x3a4: {  	v56 =	vld [tilespmem:s3+$0xCBF0];
	(v2sf) =	vpush v13, $0xF;
	(xrf0) =	vadd.scan.msk.s32 $0xffff, v19;
	v7 =	vadd.s32 v17, v7  }
0x3a5: {  	v18 =	vld [tilespmem:s3+$0x8BF0];
	(xrf0) =	vadd.scan.msk.s32 $0xffff, v7  }
0x3a6: {  	v16 =	vld [tilespmem:s3+$0x83F0]  }
0x3a7: {  	v11 =	vld [tilespmem:s3+$0x93F0]  }
0x3a8: {  	v20 =	vld [tilespmem:s3+$0x9BF0]  }
0x3a9: {  	v10 =	vld [tilespmem:s3+$0xA3F0]  }
0x3aa: {  	v17 =	vld [tilespmem:s3+$0xABF0];
	v57, _, _ =	vpop (xrf0)  }
0x3ab: {  	v19 =	vld [tilespmem:s3+$0xB3F0];
	v16 =	vadd.s32 v16, v18;
	(v2sf) =	vpush v57, $0xF;
	v58, _, _ =	vpop (xrf0)  }
0x3ac: {  	s24 =	simm.s32 $0xFFFFFFB0;
	v25 =	vld [tilespmem:s3+$0xD3F0];
	v11 =	vadd.s32 v11, v16;
	(v2sf) =	vpush v58, $0xF  }
0x3ad: {  	v59 =	vld [tilespmem:s24+$0x8BF0];
	v11 =	vadd.s32 v20, v11  }
0x3ae: {  	v60 =	vld [tilespmem:s24+$0x93F0];
	v10 =	vadd.s32 v10, v11  }
0x3af: {  	v18 =	vld [tilespmem:s3+$0xDBF0];
	v10 =	vadd.s32 v17, v10;
	s23 =	spop (v2sf)  }
0x3b0: {  	v16 =	vld [tilespmem:s3+$0xE3F0];
	v10 =	vadd.s32 v19, v10;
	s25 =	sadd.s32 $0xFFFFFFFF, s23  }
0x3b1: {  	v20 =	vld [tilespmem:s3+$0xEBF0];
	v10 =	vadd.s32 v54, v10;
	v26 =	vmov s25  }
0x3b2: {  	v11 =	vld [tilespmem:s3+$0xF3F0];
	v10 =	vadd.s32 v55, v10;
	vm12 =	veq.s32 v26, v0  }
0x3b3: {  	v19 =	vld [tilespmem:s24+$0x83F0];
	v10 =	vadd.s32 v56, v10;
	s26 =	spop (v2sf);
	v15 =	vnsel vm12, $0x0, v15  }
0x3b4: {  	v61 =	vld [tilespmem:s24+$0x9BF0];
	v10 =	vadd.s32 v25, v10;
	v9 =	vnsel vm12, $0x0, v9;
	s19 =	sadd.s32 s18, s26;
	(xrf0) =	vadd.scan.msk.s32 $0xffff, v15  }
0x3b5: {  	v17 =	vld [tilespmem:s3+$0xFBF0];
	v10 =	vadd.s32 v18, v10;
	(xrf0) =	vadd.scan.msk.s32 $0xffff, v9;
	v9 =	vsub.s32 s19, v13  }
0x3b6: {  	v16 =	vadd.s32 v16, v10;
	v15 =	vld [tilespmem:s24+$0xA3F0];
	v10 =	vadd.s32 v8, v9  }
0x3b7: {  	v16 =	vadd.s32 v20, v16;
	v13 =	vld [tilespmem:s24+$0xABF0];
	vm13 =	vge.s32 v10, v6  }
0x3b8: {  	v18 =	vld [tilespmem:s24+$0xB3F0];
	v11 =	vadd.s32 v11, v16;
	v9 =	vadd.s32 v19, v59;
	v16 =	vsel vm13, $0x1, v2  }
0x3b9: {  	v19 =	vld [tilespmem:s24+$0xBBF0];
	v9 =	vadd.s32 v60, v9  }
0x3ba: {  	v62 =	vld [tilespmem:s24+$0xC3F0];
	v20 =	vadd.s32 v61, v9;
	(xrf0) =	vadd.scan.msk.s32 $0xffff, v16;
	s30 =	spop (v2sf)  }
0x3bb: {  	v9 =	vadd.s32 v17, v11;
	v11 =	vadd.s32 v15, v20;
	v15 =	vld [tilespmem:s24+$0xCBF0];
	v16, _, _ =	vpop (xrf0);
	s5 =	spop (v2sf)  }
0x3bc: {  	v11 =	vadd.s32 v13, v11;
	(v2sf) =	vpush v16, $0xF;
	v13, _, _ =	vpop (xrf0);
	s21 =	sadd.s32 s19, s5  }
0x3bd: {  	v11 =	vadd.s32 v18, v11;
	(v2sf) =	vpush v13, $0xF;
	v16 =	vsub.s32 s21, v58  }
0x3be: {  	(xrf0) =	vadd.scan.msk.s32 $0xffff, v9;
	v11 =	vadd.s32 v19, v11  }
0x3bf: {  	v11 =	vadd.s32 v62, v11  }
0x3c0: {  	v20 =	vadd.s32 v15, v11;
	v11 =	vadd.s32 v7, v16;
	v16, _, _ =	vpop (xrf0)  }
0x3c1: {  	s31 =	sadd.s32 $0xFFFFFFFF, s30;
	(v2sf) =	vpush v16, $0xF  }
0x3c2: {  	v13 =	vmov s31  }
0x3c3: {  	v17 =	vld [tilespmem:s24+$0xD3F0];
	vm14 =	veq.s32 v13, v0  }
0x3c4: {  	v18 =	vld [tilespmem:s24+$0xDBF0];
	v14 =	vnsel vm14, $0x0, v14;
	v63 =	vnsel vm14, $0x0, v12;
	v12, _, _ =	vpop (xrf0)  }
0x3c5: {  	v19 =	vld [tilespmem:s24+$0xE3F0];
	(xrf0) =	vadd.scan.msk.s32 $0xffff, v14;
	(v2sf) =	vpush v12, $0xF  }
0x3c6: {  	v13 =	vld [tilespmem:s24+$0xEBF0];
	(xrf0) =	vadd.scan.msk.s32 $0xffff, v63  }
0x3c7: {  	[dreg:$0x9] =	wrdreg s4;
	s16 =	simm.s32 $0x0;
	s29 =	simm.s32 $0xFFFFFFA0;
	v15 =	vld [tilespmem:s24+$0xF3F0]  }
0x3c8: {  	p1 =	sgt.s32 s14, $0x0;
	s0 =	simm.s32 $0xFFFFFE40;
	s28 =	smov.u32 s17;
	v17 =	vadd.s32 v17, v20;
	vm15 =	vge.s32 v11, v6;
	v14 =	vld [tilespmem:s24+$0xFBF0]  }
0x3c9: {  	s20 =	simm.s32 $0x0;
	s22 =	simm.s32 $0x3DF;
	s23 =	sadd.s32 $0x3EF, s23;
	v18 =	vadd.s32 v18, v17;
	v20 =	vsel vm15, $0x1, v2;
	v17 =	vld [tilespmem:s29+$0x8BF0]  }
0x3ca: {  	s25 =	smov.u32 s18;
	s26 =	sadd.s32 $0x3DF, s30;
	s24 =	smov.u32 s19;
	v16 =	vld [tilespmem:s29+$0x83F0];
	v18 =	vadd.s32 v19, v18;
	(xrf0) =	vadd.scan.msk.s32 $0xffff, v20  }
.LBB2_19:
0x3cb: {  	p2 =	sne.s32 s0, $0xFFFFF040;
	v19 =	vld [tilespmem:s29+$0x93F0];
	v13 =	vadd.s32 v13, v18;
	v18, _, _ =	vpop (xrf0);
	p3 =	sge.s32 s17, s14;
	s1 =	spop (v2sf)  }
0x3cc: {  	s17 =	smov.u32 s18;
	v20 =	vld [tilespmem:s29+$0x9BF0];
	v13 =	vadd.s32 v15, v13;
	(v2sf) =	vpush v18, $0xF;
	v15, _, _ =	vpop (xrf0);
	p1 =	por !p1, !p3;
	s3 =	spop (v2sf)  }
0x3cd: {  	s18 =	smov.u32 s19;
	v18 =	vld [tilespmem:s29+$0xA3F0];
	v14 =	vadd.s32 v14, v13;
	(v2sf) =	vpush v15, $0xF;
	p1 =	por !p1, !p1;
	s1 =	ssub.s32 s1, s3  }
0x3ce: {  	v13 =	vld [tilespmem:s29+$0xABF0];
	(xrf0) =	vadd.scan.msk.s32 $0xffff, v14;
	s16 =	smov.u32 @p1 s23;
	s20 =	smov.u32 @p1 s1;
	s23 =	smov.u32 s26  }
0x3cf: {  	s19 =	smov.u32 s21;
	s1 =	smov.u32 s25;
	s25 =	smov.u32 s24;
	v15 =	vadd.s32 v16, v17;
	v16 =	vld [tilespmem:s29+$0xB3F0]  }
0x3d0: {  	s22 =	sadd.s32 $0xFFFFFFF0, s22;
	s24 =	smov.u32 s21;
	v15 =	vadd.s32 v19, v15;
	v17 =	vld [tilespmem:s29+$0xBBF0];
	v19, _, _ =	vpop (xrf0);
	s3 =	spop (v2sf)  }
0x3d1: {  	v15 =	vadd.s32 v20, v15;
	v20 =	vld [tilespmem:s29+$0xC3F0];
	(v2sf) =	vpush v19, $0xF;
	s4 =	sadd.s32 $0xFFFFFFFF, s3;
	s26 =	sadd.s32 s22, s3  }
0x3d2: {  	v15 =	vadd.s32 v18, v15;
	v18 =	vld [tilespmem:s29+$0xCBF0];
	v19 =	vmov s4  }
0x3d3: {  	v13 =	vadd.s32 v13, v15;
	v21 =	vld [tilespmem:s29+$0xD3F0];
	vm1 =	veq.s32 v19, v0  }
0x3d4: {  	v13 =	vadd.s32 v16, v13;
	v19 =	vld [tilespmem:s29+$0xDBF0];
	v16, _, _ =	vpop (xrf0);
	s3 =	spop (v2sf);
	v15 =	vnsel vm1, $0x0, v10;
	v10 =	vmov v11  }
0x3d5: {  	v11 =	vadd.s32 v17, v13;
	v22 =	vld [tilespmem:s29+$0xE3F0];
	(v2sf) =	vpush v16, $0xF;
	s21 =	sadd.s32 s21, s3;
	v17 =	vnsel vm1, $0x0, v8;
	(xrf0) =	vadd.scan.msk.s32 $0xffff, v15;
	v8 =	vmovc v7  }
.Ltmp11:
0x3d6: {  	v7 =	vmovc v9;
	v9 =	vmov v14;
	v11 =	vadd.s32 v20, v11;
	v13 =	vld [tilespmem:s29+$0xEBF0];
	v20 =	vsub.s32 s21, v12;
	(xrf0) =	vadd.scan.msk.s32 $0xffff, v17;
	(pc) =	sbr.rel @p2 .LBB2_19-.Ltmp11, $4  }
0x3d7: {  	v12 =	vmov v16;
	v14 =	vadd.s32 v18, v11;
	v15 =	vld [tilespmem:s29+$0xF3F0];
	v11 =	vadd.s32 v7, v20  }
0x3d8: {  	v17 =	vadd.s32 v21, v14;
	v14 =	vld [tilespmem:s29+$0xFBF0];
	s29 =	sshra.s32 s0, $0x2;
	vm1 =	vge.s32 v11, v6  }
0x3d9: {  	v16 =	vld [tilespmem:s29+$0x83F0];
	v18 =	vadd.s32 v19, v17;
	v19 =	vsel vm1, $0x1, v2  }
0x3da: {  	p1 =	slt.s32 s28, s14;
	s28 =	smov.u32 s1;
	s0 =	sadd.s32 $0xFFFFFFC0, s0;
	v17 =	vld [tilespmem:s29+$0x8BF0];
	v18 =	vadd.s32 v22, v18;
	(xrf0) =	vadd.scan.msk.s32 $0xffff, v19  }
0x3db: {  	v19 =	vld [tilespmem:s29+$0x93F0]  }
0x3dc: {  	v20 =	vld [tilespmem:s29+$0x9BF0]  }
0x3dd: {  	v21 =	vld [tilespmem:s29+$0xA3F0]  }
0x3de: {  	v22 =	vld [tilespmem:s29+$0xABF0]  }
0x3df: {  	v37 =	vld [tilespmem:s29+$0xB3F0];
	v16 =	vadd.s32 v16, v17  }
0x3e0: {  	v38 =	vld [tilespmem:s29+$0xBBF0];
	v16 =	vadd.s32 v19, v16  }
0x3e1: {  	v39 =	vld [tilespmem:s29+$0xC3F0];
	v16 =	vadd.s32 v20, v16  }
0x3e2: {  	v40 =	vld [tilespmem:s29+$0xCBF0];
	v16 =	vadd.s32 v21, v16  }
0x3e3: {  	v41 =	vld [tilespmem:s29+$0xD3F0];
	v16 =	vadd.s32 v22, v16  }
0x3e4: {  	s0 =	spop (v2sf);
	v42 =	vld [tilespmem:s29+$0xDBF0];
	v16 =	vadd.s32 v37, v16  }
0x3e5: {  	v43 =	vld [tilespmem:s29+$0xE3F0];
	s11 =	spop (v2sf);
	v16 =	vadd.s32 v38, v16  }
0x3e6: {  	v13 =	vadd.s32 v13, v18;
	v44 =	vld [tilespmem:s29+$0xEBF0];
	s12 =	spop (v2sf);
	v16 =	vadd.s32 v39, v16  }
0x3e7: {  	v46 =	vld [tilespmem:s29+$0xF3F0];
	v13 =	vadd.s32 v15, v13;
	s3 =	sadd.s32 $0xFFFFFFFF, s12;
	s4 =	spop (v2sf);
	v45 =	vadd.s32 v40, v16  }
0x3e8: {  	v48 =	vld [tilespmem:s29+$0xFBF0];
	v13 =	vadd.s32 v14, v13;
	v47 =	vmov s3;
	s30 =	sadd.s32 s21, s4;
	v15 =	vadd.s32 v41, v45  }
0x3e9: {  	vm1 =	veq.s32 v47, v0;
	v12 =	vsub.s32 s30, v12;
	v49 =	vadd.s32 v42, v15  }
0x3ea: {  	(xrf0) =	vadd.scan.msk.s32 $0xffff, v13;
	v10 =	vnsel vm1, $0x0, v10;
	v12 =	vadd.s32 v9, v12;
	v14 =	vadd.s32 v43, v49  }
0x3eb: {  	v8 =	vnsel vm1, $0x0, v8;
	(xrf0) =	vadd.scan.msk.s32 $0xffff, v10;
	vm9 =	vge.s32 v12, v6;
	v50 =	vadd.s32 v44, v14  }
0x3ec: {  	(xrf0) =	vadd.scan.msk.s32 $0xffff, v8;
	v8 =	vsel vm9, $0x1, v2;
	v10 =	vadd.s32 v46, v50  }
0x3ed: {  	v51, _, _ =	vpop (xrf0);
	(xrf0) =	vadd.scan.msk.s32 $0xffff, v8;
	v8 =	vadd.s32 v48, v10  }
0x3ee: {  	(v2sf) =	vpush v51, $0xF;
	v52, _, _ =	vpop (xrf0);
	(xrf0) =	vadd.scan.msk.s32 $0xffff, v8  }
0x3ef: {  	(v2sf) =	vpush v52, $0xF;
	v53, _, _ =	vpop (xrf0)  }
0x3f0: {  	(v2sf) =	vpush v53, $0xF;
	v54, _, _ =	vpop (xrf0)  }
0x3f1: {  	(v2sf) =	vpush v54, $0xF;
	v55, _, _ =	vpop (xrf0)  }
0x3f2: {  	(v2sf) =	vpush v55, $0xF;
	v56, _, _ =	vpop (xrf0)  }
0x3f3: {  	(v2sf) =	vpush v56, $0xF;
	v57, _, _ =	vpop (xrf0)  }
0x3f4: {  	(v2sf) =	vpush v57, $0xF;
	v58, _, _ =	vpop (xrf0)  }
0x3f5: {  	(v2sf) =	vpush v58, $0xF;
	_ =	sdelay $0x7  }
0x3f6: {  	s9 =	spop (v2sf)  }
0x3f7: {  	s8 =	spop (v2sf)  }
0x3f8: {  	s3 =	spop (v2sf)  }
0x3f9: {  	s15 =	spop (v2sf)  }
0x3fa: {  	s6 =	sadd.s32 $0xFFFFFFFF, s3;
	s29 =	spop (v2sf)  }
0x3fb: {  	v59 =	vmov s6;
	s6 =	spop (v2sf)  }
0x3fc: {  	[dreg:$0x14] =	wrdreg s29;
	s29 =	sadd.s32 s30, s15;
	s4 =	spop (v2sf)  }
0x3fd: {  	[dreg:$0xd] =	wrdreg s11;
	vm10 =	veq.s32 v59, v0;
	v10 =	vsub.s32 s29, v54;
	s7 =	sadd.s32 $0xFFFFFFFF, s4;
	s11 =	spop (v2sf)  }
0x3fe: {  	v11 =	vnsel vm10, $0x0, v11;
	v10 =	vadd.s32 v13, v10;
	v60 =	vmov s7;
	s7 =	sadd.s32 s29, s11  }
0x3ff: {  	v7 =	vnsel vm10, $0x0, v7;
	(xrf0) =	vadd.scan.msk.s32 $0xffff, v11;
	vm11 =	vge.s32 v10, v6;
	v61 =	vsub.s32 s7, v58  }
0x400: {  	(xrf0) =	vadd.scan.msk.s32 $0xffff, v7;
	v7 =	vsel vm11, $0x1, v2;
	vm12 =	veq.s32 v60, v0;
	v11 =	vadd.s32 v8, v61  }
0x401: {  	(xrf0) =	vadd.scan.msk.s32 $0xffff, v7;
	v7 =	vnsel vm12, $0x0, v12;
	vm13 =	vge.s32 v11, v6  }
0x402: {  	v62 =	vnsel vm12, $0x0, v9;
	(xrf0) =	vadd.scan.msk.s32 $0xffff, v7;
	v6 =	vsel vm13, $0x1, v2  }
0x403: {  	(xrf0) =	vadd.scan.msk.s32 $0xffff, v62  }
0x404: {  	(xrf0) =	vadd.scan.msk.s32 $0xffff, v6  }
0x405: {  	v6, _, _ =	vpop (xrf0)  }
0x406: {  	v7, _, _ =	vpop (xrf0);
	(v2sf) =	vpush v6, $0xF  }
0x407: {  	(v2sf) =	vpush v7, $0xF;
	v6, _, _ =	vpop (xrf0)  }
0x408: {  	(v2sf) =	vpush v6, $0xF;
	v6, _, _ =	vpop (xrf0)  }
0x409: {  	(v2sf) =	vpush v6, $0xF;
	v6, _, _ =	vpop (xrf0)  }
0x40a: {  	(v2sf) =	vpush v6, $0xF;
	v6, _, _ =	vpop (xrf0)  }
0x40b: {  	(v2sf) =	vpush v6, $0xF;
	_ =	sdelay $0x9  }
0x40c: {  	s15 =	spop (v2sf)  }
0x40d: {  	[dreg:$0xc] =	wrdreg s0;
	s0 =	spop (v2sf)  }
0x40e: {  	[dreg:$0xb] =	wrdreg s12;
	s12 =	spop (v2sf)  }
0x40f: {  	s5 =	spop (v2sf)  }
0x410: {  	s31 =	sadd.s32 $0xFFFFFFFF, s12;
	s1 =	spop (v2sf)  }
0x411: {  	v6 =	vmov s31;
	s11 =	spop (v2sf)  }
0x412: {  	vm14 =	veq.s32 v6, v0;
	s31 =	sadd.s32 $0xFFFFFFFF, s11  }
0x413: {  	v7 =	vnsel vm14, $0x0, v10;
	v6 =	vmov s31  }
0x414: {  	v63 =	vnsel vm14, $0x0, v13;
	(xrf0) =	vadd.scan.msk.s32 $0xffff, v7;
	vm15 =	veq.s32 v6, v0  }
0x415: {  	(xrf0) =	vadd.scan.msk.s32 $0xffff, v63;
	v6 =	vnsel vm15, $0x0, v11  }
0x416: {  	(xrf0) =	vadd.scan.msk.s32 $0xffff, v6;
	v6 =	vnsel vm15, $0x0, v8  }
0x417: {  	p2 =	sge.s32 s17, s14;
	p4 =	slt.s32 s28, s14;
	(xrf0) =	vadd.scan.msk.s32 $0xffff, v6  }
0x418: {  	p3 =	sge.s32 s18, s14;
	p5 =	slt.s32 s25, s14;
	p6 =	sge.s32 s19, s14  }
0x419: {  	p1 =	por !p1, !p2;
	p2 =	por !p4, !p3;
	s28 =	rddreg [dreg:$0xc]  }
0x41a: {  	p3 =	slt.s32 s24, s14;
	p1 =	por !p1, !p1;
	s19 =	rddreg [dreg:$0xb];
	v6, _, _ =	vpop (xrf0)  }
0x41b: {  	p4 =	sge.s32 s21, s14;
	s16 =	smov.u32 @p1 s23;
	s18 =	rddreg [dreg:$0x14];
	(v2sf) =	vpush v6, $0xF;
	v6, _, _ =	vpop (xrf0)  }
0x41c: {  	s8 =	ssub.s32 s9, s8;
	s6 =	ssub.s32 s18, s6;
	s31 =	rddreg [dreg:$0xd];
	(v2sf) =	vpush v6, $0xF;
	v6, _, _ =	vpop (xrf0)  }
0x41d: {  	s0 =	ssub.s32 s15, s0;
	s17 =	ssub.s32 s28, s31;
	s28 =	rddreg [dreg:$0x8];
	(v2sf) =	vpush v6, $0xF;
	v6, _, _ =	vpop (xrf0)  }
0x41e: {  	s20 =	smov.u32 @p1 s17;
	p1 =	por !p2, !p2;
	s17 =	sadd.s32 $0xFFFFFFF0, s22;
	(v2sf) =	vpush v6, $0xF  }
0x41f: {  	p2 =	por !p5, !p6;
	p5 =	slt.s32 s21, s14;
	p6 =	sge.s32 s30, s14  }
0x420: {  	s16 =	smov.u32 @p1 s26;
	s20 =	smov.u32 @p1 s8;
	s9 =	sadd.s32 s17, s19  }
0x421: {  	p1 =	por !p2, !p2;
	s22 =	sadd.s32 $0xFFFFFFF0, s17;
	p2 =	por !p5, !p6  }
0x422: {  	p5 =	slt.s32 s29, s14;
	s16 =	smov.u32 @p1 s9;
	s20 =	smov.u32 @p1 s6  }
0x423: {  	s3 =	sadd.s32 s22, s3;
	s6 =	sadd.s32 $0xFFFFFFF0, s22;
	p1 =	por !p3, !p4  }
0x424: {  	p3 =	sge.s32 s29, s14;
	p4 =	sge.s32 s7, s14;
	s29 =	sshll.u32 s13, $0xA  }
0x425: {  	s4 =	sadd.s32 s6, s4;
	p1 =	por !p1, !p1;
	p6 =	por !p5, !p4  }
0x426: {  	s23 =	sadd.s32 $0xFFFFFFF0, s6;
	s16 =	smov.u32 @p1 s3;
	s20 =	smov.u32 @p1 s0  }
0x427: {  	p1 =	por !p2, !p2;
	s0 =	ssub.s32 s5, s1;
	p2 =	slt.s32 s30, s14  }
0x428: {  	s1 =	sadd.s32 s23, s12;
	s16 =	smov.u32 @p1 s4;
	s20 =	smov.u32 @p1 s0  }
0x429: {  	p1 =	por !p2, !p3;
	s0 =	sadd.s32 $0xFFFFFFF0, s23;
	p2 =	por !p6, !p6  }
0x42a: {  	s4 =	sshll.u32 s28, $0x15;
	s0 =	sadd.s32 s0, s11;
	s24 =	spop (v2sf)  }
.Ltmp12:
0x42b: {  	p1 =	por !p1, !p1;
	s25 =	spop (v2sf);
	(pc) =	sbr.rel @p0 .LBB2_21-.Ltmp12, $4  }
0x42c: {  	s31 =	sor.u32 s4, s29;
	s16 =	smov.u32 @p1 s1;
	s26 =	spop (v2sf)  }
0x42d: {  	s16 =	smov.u32 @p2 s0;
	s3 =	ssub.s32 s24, s25;
	s30 =	spop (v2sf)  }
0x42e: {  	s0 =	sor.u32 s16, s31;
	s20 =	smov.u32 @p1 s3;
	s1 =	ssub.s32 s26, s30  }
0x42f: {  	v6 =	vmov s0;
	s20 =	smov.u32 @p2 s1  }
0x430: {  	s0 =	rddreg [dreg:$0x9]  }
0x431: {  	s1 =	ssub.s32 s14, s20;
	p5 =	por $0x0, $0x0;
	p6 =	sne.s32 s0, $0x1  }
.Ltmp13:
0x432: {  	s14 =	simm.s32 $0x10000;
	s3 =	simm.s32 @!p5 $0x0;
	(pc) =	sbr.rel @!p6 .LBB2_23-.Ltmp13, $4  }
0x433: {  	s12 =	simm.s32 $0x0;
	s3 =	simm.s32 @p5 $0x1;
	p5 =	por $0x0, $0x0  }
0x434: {  	p0 =	por $0x0, $0x0;
	p1 =	por $0x0, $0x0;
	v7 =	vmov s1;
	s1 =	simm.s32 @!p5 $0x0  }
0x435: {  	p2 =	por $0x0, $0x0;
	[smem:$0x7FC] =	sst s3;
	s1 =	simm.s32 @p5 $0x1  }
0x436: {  	p3 =	por $0x0, $0x0;
	s0 =	sadd.s32 $0xFFFFFFFF, s0;
	[smem:$0x7FD] =	sst s1  }
0x437: {  	v8 =	vld [tilespmem:s14+$0x0];
	p6 =	sne.s32 s0, $0x1  }
.Ltmp14:
0x438: {  	_ = 	snop;
	(pc) =	sbr.rel @!p6 .LBB2_25-.Ltmp14, $3  }
0x439: {  	_ =	sdelay $0x1  }
0x43a: {  	v9 =	vor.u32 s12, v0;
	s0 =	sadd.s32 $0xFFFFFFFF, s0;
	s14 =	simm.s32 $0x10010;
	p0 =	por $0x1, $0x1  }
0x43b: {  	s7 =	simm.s32 $0x18080;
	s8 =	simm.s32 $0x2;
	s9 =	rddreg [dreg:$0x7];
	vm3 =	vlt.s32 v9, v5;
	v8 =	vand.u32 $0x7FFF, v8  }
0x43c: {  	v9 =	vld [tilespmem:s14+$0x0];
	p6 =	sne.s32 s0, $0x1  }
.Ltmp15:
0x43d: {  	_ = 	snop;
	(pc) =	sbr.rel @!p6 .LBB2_27-.Ltmp15, $4  }
0x43e: {  	_ = 	snop  }
0x43f: {  	s13 =	simm.s32 $0x10  }
0x440: {  	v11 =	vor.u32 s13, v0  }
0x441: {  	vm4 =	vmmov vm3;
	v10 =	vld.idx.msk [tilespmem:v8+s2+$0x0], vm3;
	s0 =	sadd.s32 $0xFFFFFFFF, s0;
	s14 =	simm.s32 $0x10020;
	p1 =	por $0x1, $0x1;
	vm3 =	vlt.s32 v11, v5;
	v12 =	vand.u32 $0x7FFF, v9  }
0x442: {  	_ =	sdelay $0x1  }
0x443: {  	v9 =	vld [tilespmem:s14+$0x0];
	p6 =	sne.s32 s0, $0x1  }
.Ltmp16:
0x444: {  	_ = 	snop;
	(pc) =	sbr.rel @!p6 .LBB2_29-.Ltmp16, $4  }
0x445: {  	vm1 =	vmmov vm4;
	vm2 =	veq.s32 v6, v10  }
0x446: {  	s13 =	simm.s32 $0x20;
	vm1 =	vmand vm1, vm2  }
0x447: {  	vm4 =	vmmov vm3;
	v11 =	vor.u32 s13, v0;
	v13 =	vsel vm1, $0x1, v2  }
0x448: {  	s0 =	sadd.s32 $0xFFFFFFFF, s0;
	s14 =	simm.s32 $0x10030;
	p2 =	por $0x1, $0x1;
	v10 =	vld.idx.msk [tilespmem:v12+s2+$0x0], vm3;
	vm3 =	vlt.s32 v11, v5;
	v9 =	vand.u32 $0x7FFF, v9;
	vm6 =	vmmov vm1;
	(xrf0) =	vadd.scan.msk.s32 $0xffff, v13  }
0x449: {  	_ =	sdelay $0x1  }
0x44a: {  	v11 =	vld [tilespmem:s14+$0x0];
	p6 =	sne.s32 s0, $0x1  }
.Ltmp17:
0x44b: {  	_ = 	snop;
	(pc) =	sbr.rel @!p6 .LBB2_31-.Ltmp17, $4  }
0x44c: {  	p3 =	por $0x0, $0x0;
	vm1 =	vmmov vm4;
	s13 =	simm.s32 $0x30;
	vm2 =	veq.s32 v6, v10  }
0x44d: {  	vm4 =	vmmov vm3;
	s1 =	simm.s32 @!p3 $0x0;
	v13 =	vor.u32 s13, v0;
	vm1 =	vmand vm1, vm2  }
0x44e: {  	vm9 =	vmmov vm6;
	s0 =	sadd.s32 $0xFFFFFFFF, s0;
	s14 =	simm.s32 $0x10040;
	s1 =	simm.s32 @p3 $0x1;
	v10 =	vld.idx.msk [tilespmem:v9+s2+$0x0], vm3;
	vm3 =	vlt.s32 v13, v5;
	v15, _, _ =	vpop (xrf0);
	v13 =	vsel vm1, $0x1, v2  }
0x44f: {  	p4 =	por $0x0, $0x0;
	p3 =	por $0x1, $0x1;
	[smem:$0x7FA] =	sst s1;
	v11 =	vand.u32 $0x7FFF, v11;
	(v2sf) =	vpush v15, $0xF;
	vm6 =	vmmov vm1;
	(xrf0) =	vadd.scan.msk.s32 $0xffff, v13  }
0x450: {  	_ =	sdelay $0x2  }
0x451: {  	v13 =	vld [tilespmem:s14+$0x0];
	vm1 =	vmmov vm4;
	s13 =	simm.s32 $0x40;
	p6 =	sne.s32 s0, $0x1;
	vm2 =	veq.s32 v6, v10  }
.Ltmp18:
0x452: {  	v14 =	vor.u32 s13, v0;
	vm1 =	vmand vm1, vm2;
	(pc) =	sbr.rel @!p6 .LBB2_33-.Ltmp18, $4  }
0x453: {  	vm4 =	vmmov vm3;
	v10 =	vld.idx.msk [tilespmem:v11+s2+$0x0], vm3;
	vm3 =	vlt.s32 v14, v5;
	v14 =	vsel vm1, $0x1, v2  }
0x454: {  	s1 =	simm.s32 @!p4 $0x0;
	vm14 =	vmmov vm9;
	v19, _, _ =	vpop (xrf0);
	(xrf0) =	vadd.scan.msk.s32 $0xffff, v14;
	v14 =	vimm.s32 $0x0  }
0x455: {  	vm9 =	vmmov vm6;
	s0 =	sadd.s32 $0xFFFFFFFF, s0;
	s1 =	simm.s32 @p4 $0x1;
	v14 =	vsel vm14, $0xFFFFFFFF, v14  }
0x456: {  	s14 =	simm.s32 $0x10050;
	p4 =	por $0x1, $0x1;
	[smem:$0x7FB] =	sst s1;
	v13 =	vand.u32 $0x7FFF, v13;
	vm6 =	vmmov vm1;
	(v2sf) =	vpush v19, $0xF;
	[tilespmem:$0x1FFE0] =	vst v14  }
0x457: {  	_ = 	snop  }
0x458: {  	v14 =	vld [tilespmem:s14+$0x0];
	vm1 =	vmmov vm4;
	v16 =	vadd.s32 s12, v15;
	s13 =	simm.s32 $0x50;
	p6 =	sne.s32 s0, $0x1  }
.Ltmp19:
0x459: {  	vm4 =	vmmov vm3;
	vm2 =	veq.s32 v6, v10;
	v17 =	vor.u32 s13, v0;
	(pc) =	sbr.rel @!p6 .LBB2_35-.Ltmp19, $4  }
0x45a: {  	vm8 =	vmmov vm9;
	p5 =	por $0x1, $0x1;
	vm7 =	veq.s32 v16, v7;
	vm1 =	vmand vm1, vm2  }
0x45b: {  	v16 =	vadd.s32 $0x1, v8;
	s1 =	simm.s32 @!p5 $0x0;
	vm2 =	vmand vm14, vm7;
	v18 =	vsel vm1, $0x1, v2  }
0x45c: {  	s0 =	sadd.s32 $0xFFFFFFFF, s0;
	v10 =	vld.idx.msk [tilespmem:v13+s2+$0x0], vm3;
	vm3 =	vlt.s32 v17, v5;
	vm7 =	vmmov vm6;
	s1 =	simm.s32 @p5 $0x1;
	v16 =	vnsel vm2, $0x0, v16;
	v17, _, _ =	vpop (xrf0);
	(xrf0) =	vadd.scan.msk.s32 $0xffff, v18  }
0x45d: {  	s14 =	simm.s32 $0x10060;
	vm6 =	vmmov vm1;
	[smem:$0x7FC] =	sst s1;
	v21 =	vand.u32 $0x7FFF, v14;
	(v2sf) =	vpush v17, $0xF;
	(xrf0) =	vadd.scan.msk.s32 $0xffff, v16;
	s17 =	spop (v2sf)  }
0x45e: {  	_ = 	snop  }
0x45f: {  	v14 =	vld [tilespmem:s14+$0x0];
	s13 =	simm.s32 $0x60  }
0x460: {  	v18 =	vor.u32 s13, v0;
	_ =	sdelay $0x1  }
0x461: {  	vm1 =	vmmov vm4  }
0x462: {  	vm4 =	vmmov vm3;
	vm2 =	veq.s32 v6, v10;
	v10 =	vld.idx.msk [tilespmem:v21+s2+$0x0], vm3;
	vm3 =	vlt.s32 v18, v5;
	v18, _, _ =	vpop (xrf0)  }
0x463: {  	v23 =	vand.u32 $0x7FFF, v14;
	(v2sf) =	vpush v18, $0xF;
	v14, _, _ =	vpop (xrf0)  }
0x464: {  	(v2sf) =	vpush v14, $0xF;
	_ =	sdelay $0x8  }
0x465: {  	s16 =	sadd.s32 $0x0, s17;
	p6 =	sne.s32 s0, $0x1  }
.Ltmp20:
0x466: {  	v16 =	vadd.s32 s16, v19;
	(pc) =	sbr.rel @!p6 .LBB2_37-.Ltmp20, $4  }
0x467: {  	p5 =	por $0x1, $0x1;
	vm9 =	veq.s32 v16, v7;
	vm1 =	vmand vm1, vm2  }
0x468: {  	s1 =	simm.s32 @!p5 $0x0;
	v16 =	vadd.s32 $0x1, v12;
	vm2 =	vmand vm8, vm9;
	v20 =	vsel vm1, $0x1, v2  }
0x469: {  	s0 =	sadd.s32 $0xFFFFFFFF, s0;
	s1 =	simm.s32 @p5 $0x1;
	v16 =	vnsel vm2, $0x0, v16;
	(xrf0) =	vadd.scan.msk.s32 $0xffff, v20  }
0x46a: {  	vm12 =	vmmov vm7;
	s14 =	simm.s32 $0x10070;
	vm11 =	vmmov vm6;
	[smem:$0x7FD] =	sst s1;
	vm10 =	vmmov vm1;
	(xrf0) =	vadd.scan.msk.s32 $0xffff, v16;
	s19 =	spop (v2sf)  }
0x46b: {  	v14 =	vld [tilespmem:s14+$0x0];
	_ =	sdelay $0x1  }
0x46c: {  	s16 =	sadd.s32 s16, s19  }
0x46d: {  	vm1 =	vmmov vm4;
	s13 =	simm.s32 $0x70;
	v16 =	vadd.s32 s16, v17  }
0x46e: {  	vm5 =	vmmov vm3;
	vm4 =	veq.s32 v16, v7;
	v16 =	vor.u32 s13, v0;
	v25, _, _ =	vpop (xrf0)  }
0x46f: {  	v28 =	vld.idx.msk [tilespmem:v23+s2+$0x0], vm3;
	vm3 =	vlt.s32 v16, v5;
	v16 =	vand.u32 $0x7FFF, v14;
	(v2sf) =	vpush v25, $0xF;
	v14, _, _ =	vpop (xrf0)  }
0x470: {  	(v2sf) =	vpush v14, $0xF;
	_ =	sdelay $0x1  }
0x471: {  	vm2 =	veq.s32 v6, v10  }
0x472: {  	p6 =	sne.s32 s0, $0x1;
	vm1 =	vmand vm1, vm2  }
.Ltmp21:
0x473: {  	v10 =	vadd.s32 $0x1, v9;
	v20 =	vsel vm1, $0x1, v2;
	vm2 =	vmand vm12, vm4;
	(pc) =	sbr.rel @!p6 .LBB2_39-.Ltmp21, $4  }
0x474: {  	v10 =	vnsel vm2, $0x0, v10;
	(xrf0) =	vadd.scan.msk.s32 $0xffff, v20  }
0x475: {  	vm0 =	vmmov vm11;
	(xrf0) =	vadd.scan.msk.s32 $0xffff, v10;
	v10 =	vimm.s32 $0x0  }
0x476: {  	v10 =	vsel vm0, $0xFFFFFFFF, v10  }
0x477: {  	s0 =	sadd.s32 $0xFFFFFFFF, s0;
	s14 =	simm.s32 $0x10080;
	s20 =	spop (v2sf);
	vm1 =	vmmov vm1;
	vm2 =	vmmov vm10;
	[tilespmem:$0x1FFD0] =	vst v10  }
0x478: {  	_ = 	snop  }
0x479: {  	vm6 =	vmmov vm5;
	s13 =	simm.s32 $0x80;
	vm9 =	veq.s32 v6, v28  }
0x47a: {  	v22 =	vor.u32 s13, v0;
	vm6 =	vmand vm6, vm9  }
0x47b: {  	s16 =	sadd.s32 s16, s20;
	v24 =	vsel vm6, $0x1, v2  }
0x47c: {  	v10 =	vadd.s32 s16, v18  }
0x47d: {  	vm4 =	vmmov vm3;
	vm14 =	veq.s32 v10, v7;
	v10 =	vld.idx.msk [tilespmem:v16+s2+$0x0], vm3;
	vm3 =	vlt.s32 v22, v5;
	v22, _, _ =	vpop (xrf0)  }
0x47e: {  	(xrf0) =	vadd.scan.msk.s32 $0xffff, v24;
	(v2sf) =	vpush v22, $0xF;
	v24, _, _ =	vpop (xrf0)  }
0x47f: {  	(v2sf) =	vpush v24, $0xF;
	_ =	sdelay $0x1  }
0x480: {  	v14 =	vld [tilespmem:s14+$0x0]  }
0x481: {  	p4 =	por $0x1, $0x1;
	p6 =	sne.s32 s0, $0x1  }
.Ltmp22:
0x482: {  	v20 =	vadd.s32 $0x1, v11;
	s1 =	simm.s32 @!p4 $0x0;
	vm9 =	vmand vm0, vm14;
	(pc) =	sbr.rel @!p6 .LBB2_41-.Ltmp22, $4  }
0x483: {  	vm13 =	vmmov vm12;
	s1 =	simm.s32 @p4 $0x1;
	p4 =	por $0x1, $0x1;
	v20 =	vnsel vm9, $0x0, v20  }
0x484: {  	vm12 =	vmmov vm10;
	vm10 =	vmmov vm8;
	vm8 =	vmmov vm7;
	[smem:$0x7FB] =	sst s1;
	s1 =	simm.s32 @!p4 $0x0  }
0x485: {  	vm15 =	vmmov vm5;
	s0 =	sadd.s32 $0xFFFFFFFF, s0;
	s14 =	simm.s32 $0x10090;
	v26 =	vmovc v25;
	v27 =	vmovc v13;
	vm6 =	vmmov vm6;
	s1 =	simm.s32 @p4 $0x1;
	v14 =	vand.u32 $0x7FFF, v14  }
0x486: {  	s18 =	spop (v2sf);
	s15 =	simm.s32 $0x0;
	vm14 =	vmmov vm2;
	vm9 =	vmmov vm1;
	(xrf0) =	vadd.scan.msk.s32 $0xffff, v20;
	[smem:$0x7FA] =	sst s1;
	v24 =	vmovc v21;
	v20 =	vmov v23  }
.LBB2_42:
0x487: {  	p6 =	sne.s32 s0, $0x1;
	v29 =	vld [tilespmem:s14+$0x0];
	s16 =	sadd.s32 s16, s18;
	s1 =	spop (v2sf);
	vm0 =	vmmov vm4;
	vm4 =	vmmov vm3  }
0x488: {  	s0 =	sadd.s32 $0xFFFFFFFF, s0;
	v30 =	vadd.s32 s16, v26;
	s15 =	sadd.s32 s15, s1;
	v26 =	vmov v22  }
.Ltmp23:
0x489: {  	s13 =	sadd.s32 $0x10, s13;
	vm5 =	veq.s32 v6, v10;
	vm7 =	veq.s32 v30, v7;
	v30 =	vadd.s32 $0x1, v27;
	v27 =	vmovc v24;
	v24 =	vmovc v20;
	(pc) =	sbr.rel @p6 .LBB2_42-.Ltmp23, $4  }
0x48a: {  	v32 =	vor.u32 s13, v0;
	vm0 =	vmand vm0, vm5;
	v20 =	vmovc v16;
	v16 =	vmovc v14;
	v10 =	vld.idx.msk [tilespmem:v14+s2+$0x0], vm3;
	vm5 =	vmand vm14, vm7  }
0x48b: {  	vm3 =	vlt.s32 v32, v5;
	v31 =	vsel vm0, $0x1, v2;
	v22, _, _ =	vpop (xrf0);
	v30 =	vnsel vm5, $0x0, v30  }
0x48c: {  	vm14 =	vmmov vm9;
	v14 =	vand.u32 $0x7FFF, v29;
	(xrf0) =	vadd.scan.msk.s32 $0xffff, v31;
	(v2sf) =	vpush v22, $0xF;
	v29, _, _ =	vpop (xrf0)  }
0x48d: {  	s14 =	sadd.s32 $0x10, s14;
	vm9 =	vmmov vm6;
	vm6 =	vmmov vm0;
	(xrf0) =	vadd.scan.msk.s32 $0xffff, v30;
	s18 =	spop (v2sf);
	(v2sf) =	vpush v29, $0xF  }
0x48e: {  	vm7 =	vmmov vm8;
	vm8 =	vmmov vm10  }
0x48f: {  	p4 =	por $0x1, $0x1;
	vm10 =	vmmov vm12;
	vm12 =	vmmov vm13;
	vm5 =	vmmov vm15  }
.LBB2_44:
0x490: {  	s0 =	sld [smem:$0x7FC];
	_ =	sdelay $0x2  }
0x491: {  	p5 =	seq.s32 s0, $0x1  }
0x492: {  	s1 =	simm.s32 $0x0;
	s0 =	sadd.s32 @p5 s16, s18  }
0x493: {  	v29 =	vld.idx.msk @p0 [tilespmem:v14+s2+$0x0], vm3;
	vm0 =	vmmov @p1 vm4;
	vm4 =	veq.s32 @p1 v6, v10;
	s1 =	smov.u32 @p5 s0  }
0x494: {  	vm4 =	vmand @p1 vm0, vm4;
	v26 =	vadd.s32 @p4 s1, v26  }
0x495: {  	vm0 =	veq.s32 @p4 v26, v7;
	v26 =	vsel @p1 vm4, $0x1, v2  }
0x496: {  	vm3 =	vmmov @p0 vm3;
	s23 =	sld [smem:$0x7FA]  }
0x497: {  	vm5 =	vmmov @p0 vm3  }
0x498: {  	v10 =	vadd.s32 @p4 $0x1, v27;
	vm3 =	vmmov @p0 vm5;
	v27 =	vpsel p0, v29, v28;
	(xrf0) =	vadd.scan.msk.s32 @p1 $0xffff, v26;
	v26, _, _ =	vpop @p2 (xrf0)  }
0x499: {  	p6 =	seq.s32 s23, $0x1;
	vm5 =	veq.s32 @p0 v6, v27;
	vm0 =	vmand @p4 vm14, vm0;
	(v2sf) =	vpush @p2 v26, $0xF  }
0x49a: {  	s0 =	simm.s32 @!p6 $0x0;
	vm3 =	vmand @p0 vm3, vm5;
	v10 =	vnsel @p4 vm0, $0x0, v10  }
0x49b: {  	s3 =	simm.s32 $0x0;
	s0 =	simm.s32 @p6 $0x1;
	(xrf0) =	vadd.scan.msk.s32 @p4 $0xffff, v10;
	v10 =	vsel @p0 vm3, $0x1, v2  }
0x49c: {  	v54 =	vld [tilespmem:s14+$0x0];
	s14 =	spop @p6 (v2sf);
	[smem:$0x7FA] =	sst s0;
	s0 =	sadd.s32 @p0 $0x10, s13;
	(xrf0) =	vadd.scan.msk.s32 @p0 $0xffff, v10  }
0x49d: {  	s3 =	smov.u32 @p0 s0;
	s0 =	spop @p4 (v2sf)  }
0x49e: {  	v56 =	vld [tilespmem:$0x1FFD0];
	s24 =	sld [smem:$0x7FB];
	s20 =	smov.u32 @p4 s0;
	v10, _, _ =	vpop @p5 (xrf0)  }
0x49f: {  	v22 =	vpsel p3, v22, v18;
	v20 =	vpsel p2, v20, v13;
	s0 =	sadd.s32 @p4 s1, s20;
	s1 =	simm.s32 $0x0;
	(v2sf) =	vpush @p5 v10, $0xF;
	v10, _, _ =	vpop @p1 (xrf0)  }
0x4a0: {  	v16 =	vpsel p1, v16, v21;
	v55 =	vor.u32 s3, v0;
	s1 =	smov.u32 @p4 s0;
	s0 =	simm.s32 @!p4 $0x0;
	(v2sf) =	vpush @p1 v10, $0xF  }
0x4a1: {  	v14 =	vpsel p0, v14, v23;
	v58 =	vpsel p1, v16, v11;
	p6 =	seq.s32 s24, $0x1;
	vm13 =	vlt.s32 v55, v5;
	s0 =	simm.s32 @p4 $0x1;
	v27, _, _ =	vpop @p4 (xrf0)  }
0x4a2: {  	vm5 =	vmmov @p2 vm6;
	v5 =	vand.u32 $0x7FFF, v54;
	[smem:$0x7F9] =	sst s0;
	s0 =	simm.s32 @!p6 $0x0;
	(v2sf) =	vpush @p4 v27, $0xF;
	v27, _, _ =	vpop @p0 (xrf0)  }
0x4a3: {  	s25 =	sld [smem:$0x7FD];
	vm6 =	vnez.u8 v56;
	vm4 =	vmmov @p1 vm4;
	s0 =	simm.s32 @p6 $0x1;
	(v2sf) =	vpush @p0 v27, $0xF  }
0x4a4: {  	vm2 =	vmmov @p2 vm5;
	vm1 =	vmmov @p1 vm4;
	vm0 =	vmmov @p3 vm9;
	[smem:$0x7FB] =	sst s0;
	s0 =	spop @p6 (v2sf)  }
0x4a5: {  	vm2 =	vmmov @p2 vm2;
	vm1 =	vmmov @p1 vm1;
	vm6 =	vmmov @p3 vm0;
	s3 =	spop @p3 (v2sf)  }
0x4a6: {  	vm12 =	vmmov @p2 vm2;
	vm2 =	vmmov @p0 vm3;
	v25 =	vpsel p2, v26, v25;
	p6 =	seq.s32 s25, $0x1;
	s19 =	smov.u32 @p3 s3  }
0x4a7: {  	s4 =	simm.s32 $0x0;
	vm11 =	vmmov @p1 vm1;
	vm10 =	vmmov @p0 vm2;
	v22 =	vadd.s32 @p3 s1, v22;
	v21 =	vmovc @p2 v25;
	v57 =	vld.idx.msk [tilespmem:v5+s2+$0x0], vm13;
	s3 =	sadd.s32 @p3 s1, s19;
	s1 =	spop @p6 (v2sf)  }
0x4a8: {  	vm0 =	veq.s32 @p3 v22, v7;
	v22 =	vpsel p3, v24, v11;
	v21 =	vpsel p2, v21, v17;
	s4 =	smov.u32 @p3 s3;
	s3 =	spop @p2 (v2sf)  }
0x4a9: {  	vm0 =	vmand @p3 vm6, vm0;
	v22 =	vadd.s32 @p3 $0x1, v22;
	vm6 =	vmmov vm13;
	s17 =	smov.u32 @p2 s3  }
0x4aa: {  	v10 =	vpsel p1, v10, v18;
	v18 =	vpsel p2, v20, v9;
	v20 =	vadd.s32 @p2 s4, v21;
	s3 =	sadd.s32 @p2 s4, s17;
	s4 =	simm.s32 $0x0  }
0x4ab: {  	v22 =	vnsel @p3 vm0, $0x0, v22;
	vm0 =	vmmov vm6;
	v10 =	vpsel p1, v10, v19;
	s4 =	smov.u32 @p2 s3  }
0x4ac: {  	vm13 =	veq.s32 v6, v57;
	vm2 =	veq.s32 @p2 v20, v7;
	v10 =	vadd.s32 @p1 s4, v10  }
0x4ad: {  	v61 =	vld [tilespmem:$0x1FFE0];
	v18 =	vadd.s32 @p2 $0x1, v18;
	vm1 =	vmand vm0, vm13;
	vm0 =	vmand @p2 vm12, vm2  }
0x4ae: {  	(xrf0) =	vadd.scan.msk.s32 @p3 $0xffff, v22;
	v18 =	vnsel @p2 vm0, $0x0, v18;
	v59 =	vsel vm1, $0x1, v2;
	vm0 =	vmmov @p1 vm11;
	s3 =	spop @p5 (v2sf)  }
0x4af: {  	(xrf0) =	vadd.scan.msk.s32 $0xffff, v59;
	vm8 =	vmmov @p1 vm0;
	s5 =	spop @p1 (v2sf);
	vm0 =	veq.s32 @p1 v10, v7;
	v10 =	vmovc @p0 v14;
	v14 =	vpsel p0, v27, v17  }
0x4b0: {  	v11 =	vpsel p1, v58, v12;
	vm2 =	vmmov @p0 vm10;
	s5 =	smov.u32 @p1 s5;
	v12 =	vmov @p0 v14  }
0x4b1: {  	s6 =	simm.s32 $0x0;
	v11 =	vadd.s32 @p1 $0x1, v11;
	vm7 =	vmmov @p0 vm2;
	s4 =	sadd.s32 @p1 s4, s5;
	s5 =	spop @p4 (v2sf);
	v12 =	vpsel p0, v12, v15  }
0x4b2: {  	vm2 =	vnez.u8 v61;
	vm1 =	vmmov vm1;
	vm0 =	vmand @p1 vm8, vm0;
	s6 =	smov.u32 @p1 s4;
	s4 =	spop @p0 (v2sf)  }
0x4b3: {  	vm1 =	vmmov vm1;
	v11 =	vnsel @p1 vm0, $0x0, v11;
	v10 =	vpsel p0, v10, v13;
	s4 =	smov.u32 @p0 s4  }
0x4b4: {  	vm0 =	vmmov @p0 vm7;
	v60 =	vpsel p0, v10, v9;
	s4 =	sadd.s32 @p0 s6, s4;
	v10 =	vadd.s32 @p0 s6, v12;
	s6 =	simm.s32 $0x0;
	v12, _, _ =	vpop @p3 (xrf0);
	(xrf0) =	vadd.scan.msk.s32 @p2 $0xffff, v18  }
0x4b5: {  	vm2 =	vmmov @p0 vm0;
	v8 =	vpsel p0, v60, v8;
	vm0 =	veq.s32 @p0 v10, v7;
	s6 =	smov.u32 @p0 s4;
	v62, _, _ =	vpop (xrf0)  }
0x4b6: {  	v8 =	vadd.s32 @p0 $0x1, v8;
	vm0 =	vmand @p0 vm2, vm0;
	(xrf0) =	vadd.scan.msk.s32 @p1 $0xffff, v11;
	v63 =	vadd.s32 s6, v62  }
0x4b7: {  	vm14 =	vmmov vm1;
	v8 =	vnsel @p0 vm0, $0x0, v8;
	vm15 =	veq.s32 v63, v7  }
0x4b8: {  	v5 =	vadd.s32 $0x1, v5;
	(xrf0) =	vadd.scan.msk.s32 @p0 $0xffff, v8;
	vm0 =	vmand vm14, vm15  }
0x4b9: {  	(v2sf) =	vpush @p3 v12, $0xF;
	v5 =	vnsel vm0, $0x0, v5  }
0x4ba: {  	(v2sf) =	vpush v62, $0xF;
	v7, _, _ =	vpop @p2 (xrf0);
	(xrf0) =	vadd.scan.msk.s32 $0xffff, v5  }
0x4bb: {  	s26 =	sld [smem:$0x7FA];
	(v2sf) =	vpush @p2 v7, $0xF  }
0x4bc: {  	v5, _, _ =	vpop @p1 (xrf0)  }
0x4bd: {  	s28 =	sld [smem:$0x7FB];
	p4 =	por p1, p1;
	(v2sf) =	vpush @p1 v5, $0xF  }
0x4be: {  	v5, _, _ =	vpop @p0 (xrf0);
	p1 =	por p2, p2;
	p2 =	por p3, p3;
	p3 =	seq.s32 s26, $0x1  }
0x4bf: {  	s6 =	simm.s32 $0x0;
	s4 =	sadd.s32 @p3 s15, s14;
	(v2sf) =	vpush @p0 v5, $0xF  }
0x4c0: {  	s6 =	smov.u32 @p3 s4;
	p3 =	seq.s32 s28, $0x1;
	v5, _, _ =	vpop (xrf0)  }
0x4c1: {  	s4 =	simm.s32 $0x0;
	s0 =	sadd.s32 @p3 s6, s0;
	(v2sf) =	vpush v5, $0xF  }
0x4c2: {  	s4 =	smov.u32 @p3 s0  }
0x4c3: {  	s29 =	sld [smem:$0x7F9];
	s0 =	sadd.s32 @p6 s4, s1;
	s1 =	simm.s32 $0x0  }
0x4c4: {  	s1 =	smov.u32 @p6 s0  }
0x4c5: {  	s0 =	sadd.s32 @p5 s1, s3;
	s1 =	simm.s32 $0x0  }
0x4c6: {  	p3 =	seq.s32 s29, $0x1;
	s1 =	smov.u32 @p5 s0  }
0x4c7: {  	s0 =	sadd.s32 @p3 s1, s5;
	s1 =	simm.s32 $0x0  }
0x4c8: {  	s1 =	smov.u32 @p3 s0;
	s0 =	spop @p2 (v2sf)  }
0x4c9: {  	s0 =	sadd.s32 @p2 s1, s0;
	s30 =	spop (v2sf);
	s1 =	simm.s32 $0x0  }
0x4ca: {  	s1 =	smov.u32 @p2 s0;
	s0 =	spop @p1 (v2sf)  }
0x4cb: {  	s0 =	sadd.s32 @p1 s1, s0;
	s1 =	simm.s32 $0x0  }
0x4cc: {  	s1 =	smov.u32 @p1 s0;
	s0 =	spop @p4 (v2sf)  }
.Ltmp24:
0x4cd: {  	s0 =	sadd.s32 @p4 s1, s0;
	s1 =	simm.s32 $0x0;
	(pc) =	sbr.rel .LBB2_45-.Ltmp24, $4  }
0x4ce: {  	s1 =	smov.u32 @p4 s0;
	s0 =	spop @p0 (v2sf)  }
0x4cf: {  	s0 =	sadd.s32 @p0 s1, s0  }
0x4d0: {  	s12 =	smov.u32 @p0 s0;
	s31 =	spop (v2sf)  }
0x4d1: {  	s0 =	sadd.s32 s12, s31  }
.LBB2_23:
0x4d2: {  	p4 =	por $0x0, $0x0  }
.Ltmp25:
0x4d3: {  	s16 =	simm.s32 $0x0;
	s0 =	simm.s32 @!p4 $0x0;
	(pc) =	sbr.rel .LBB2_44-.Ltmp25, $4  }
0x4d4: {  	s15 =	simm.s32 $0x0;
	s0 =	simm.s32 @p4 $0x1;
	p4 =	por $0x0, $0x0  }
0x4d5: {  	s13 =	simm.s32 $0x0;
	[smem:$0x7FA] =	sst s0;
	s0 =	simm.s32 @!p4 $0x0  }
0x4d6: {  	s7 =	simm.s32 $0x18080;
	s9 =	rddreg [dreg:$0x7];
	s0 =	simm.s32 @p4 $0x1  }
0x4d7: {  	s8 =	simm.s32 $0x2;
	p4 =	por $0x0, $0x0;
	[smem:$0x7FB] =	sst s0  }
.LBB2_25:
0x4d8: {  	p4 =	por $0x0, $0x0  }
.Ltmp26:
0x4d9: {  	s0 =	simm.s32 @!p4 $0x0;
	(pc) =	sbr.rel .LBB2_44-.Ltmp26, $4  }
0x4da: {  	s0 =	simm.s32 @p4 $0x1;
	p4 =	por $0x0, $0x0  }
0x4db: {  	[smem:$0x7FA] =	sst s0;
	s0 =	simm.s32 @!p4 $0x0  }
0x4dc: {  	s16 =	simm.s32 $0x0;
	s15 =	simm.s32 $0x0;
	s0 =	simm.s32 @p4 $0x1  }
0x4dd: {  	v14 =	vmov v8;
	s13 =	simm.s32 $0x0;
	p4 =	por $0x0, $0x0;
	[smem:$0x7FB] =	sst s0  }
.LBB2_27:
0x4de: {  	p4 =	por $0x0, $0x0  }
.Ltmp27:
0x4df: {  	s0 =	simm.s32 @!p4 $0x0;
	(pc) =	sbr.rel .LBB2_44-.Ltmp27, $4  }
0x4e0: {  	s0 =	simm.s32 @p4 $0x1;
	p4 =	por $0x0, $0x0  }
0x4e1: {  	[smem:$0x7FA] =	sst s0;
	s0 =	simm.s32 @!p4 $0x0  }
0x4e2: {  	s16 =	simm.s32 $0x0;
	s0 =	simm.s32 @p4 $0x1  }
0x4e3: {  	v14 =	vmov v12;
	v16 =	vmov v8;
	s15 =	simm.s32 $0x0;
	p4 =	por $0x0, $0x0;
	[smem:$0x7FB] =	sst s0  }
.LBB2_29:
0x4e4: {  	p4 =	por $0x0, $0x0  }
.Ltmp28:
0x4e5: {  	s0 =	simm.s32 @!p4 $0x0;
	(pc) =	sbr.rel .LBB2_44-.Ltmp28, $4  }
0x4e6: {  	s0 =	simm.s32 @p4 $0x1;
	p4 =	por $0x0, $0x0  }
0x4e7: {  	[smem:$0x7FA] =	sst s0;
	s0 =	simm.s32 @!p4 $0x0  }
0x4e8: {  	s16 =	simm.s32 $0x0;
	s0 =	simm.s32 @p4 $0x1  }
0x4e9: {  	v20 =	vmov v8;
	v14 =	vmov v9;
	v16 =	vmov v12;
	s15 =	simm.s32 $0x0;
	p4 =	por $0x0, $0x0;
	[smem:$0x7FB] =	sst s0  }
.LBB2_31:
.Ltmp29:
0x4ea: {  	(pc) =	sbr.rel .LBB2_44-.Ltmp29, $4  }
0x4eb: {  	_ = 	snop  }
0x4ec: {  	s0 =	simm.s32 @!p4 $0x0  }
0x4ed: {  	s16 =	simm.s32 $0x0;
	s0 =	simm.s32 @p4 $0x1  }
0x4ee: {  	v22 =	vmovc v15;
	v24 =	vmovc v8;
	v20 =	vmov v12;
	v14 =	vmov v11;
	v16 =	vmov v9;
	s15 =	simm.s32 $0x0;
	p4 =	por $0x0, $0x0;
	[smem:$0x7FB] =	sst s0  }
.LBB2_33:
.Ltmp30:
0x4ef: {  	(pc) =	sbr.rel .LBB2_44-.Ltmp30, $3  }
0x4f0: {  	_ =	sdelay $0x1  }
0x4f1: {  	v22 =	vmov v19;
	v24 =	vmov v12  }
0x4f2: {  	v20 =	vmovc v9;
	v14 =	vmovc v13;
	v16 =	vmov v11;
	s16 =	simm.s32 $0x0;
	v26 =	vmov v15;
	s15 =	simm.s32 $0x0;
	v27 =	vmov v8  }
.LBB2_35:
.Ltmp31:
0x4f3: {  	(pc) =	sbr.rel .LBB2_44-.Ltmp31, $3  }
0x4f4: {  	_ =	sdelay $0x1  }
0x4f5: {  	v20 =	vmovc v11;
	v14 =	vmov v21;
	v16 =	vmov v13;
	v26 =	vmov v19  }
0x4f6: {  	s18 =	smov.u32 s17;
	s16 =	simm.s32 $0x0;
	s15 =	simm.s32 $0x0;
	v22 =	vmovc v17;
	v27 =	vmovc v12;
	v24 =	vmov v9;
	vm14 =	vmmov vm8;
	vm9 =	vmmov vm7  }
.LBB2_37:
.Ltmp32:
0x4f7: {  	(pc) =	sbr.rel .LBB2_44-.Ltmp32, $3  }
0x4f8: {  	_ =	sdelay $0x1  }
0x4f9: {  	v14 =	vmovc v23;
	v16 =	vmovc v21;
	v26 =	vmov v17;
	v22 =	vmov v18;
	v27 =	vmov v9  }
0x4fa: {  	s18 =	smov.u32 s19;
	s15 =	simm.s32 $0x0;
	v24 =	vmovc v11;
	v20 =	vmovc v13;
	vm14 =	vmmov vm12;
	vm9 =	vmmov vm11;
	vm6 =	vmmov vm10  }
.LBB2_39:
.Ltmp33:
0x4fb: {  	(pc) =	sbr.rel .LBB2_44-.Ltmp33, $4  }
0x4fc: {  	p4 =	por $0x1, $0x1  }
0x4fd: {  	v14 =	vmov v16;
	vm4 =	vmmov vm5;
	s0 =	simm.s32 @!p4 $0x0  }
0x4fe: {  	s18 =	smov.u32 s20;
	v26 =	vmovc v18;
	v22 =	vmovc v25;
	v10 =	vmov v28;
	v27 =	vmov v11;
	v24 =	vmov v13;
	s0 =	simm.s32 @p4 $0x1;
	_ =	sdelay $0x1  }
0x4ff: {  	s15 =	simm.s32 $0x0;
	v20 =	vmovc v21;
	vm14 =	vmmov vm0;
	v16 =	vmovc v23;
	vm9 =	vmmov vm2;
	vm6 =	vmmov vm1;
	p4 =	por $0x1, $0x1;
	[smem:$0x7FB] =	sst s0  }
.LBB2_41:
.Ltmp34:
0x500: {  	(pc) =	sbr.rel .LBB2_44-.Ltmp34, $3  }
0x501: {  	_ =	sdelay $0x1  }
0x502: {  	v26 =	vmovc v25;
	v27 =	vmov v13;
	vm7 =	vmmov vm8;
	vm8 =	vmmov vm10  }
0x503: {  	s15 =	simm.s32 $0x0;
	v24 =	vmovc v21;
	v20 =	vmovc v23;
	p4 =	por $0x1, $0x1;
	vm10 =	vmmov vm12;
	vm12 =	vmmov vm13;
	vm5 =	vmmov vm15  }
.LBB2_46:
0x504: {  	_ =	sfence.sel $0x180000  }
0x505: {  	[bflag:$0x0] =	sbarrier.arrive $0xFFFF  }
0x506: {  	_ =	strace $0x90000047  }
0x507: {  	s0 =	stileid.u32;
	[bflag:$0x2] =	sbarrier.arrive $0xFFFF  }
0x508: {  	p0 =	sne.s32 s0, $0x0;
	s0 =	rddreg [dreg:$0x2]  }
0x509: {  	s0 =	sadd.s32 @!p0 $0x100000, s0  }
0x50a: {  	[sflag:s0] =	ssyncadd.tile.s32 @!p0 $0x1;
	_ =	shalt  }
.Lfunc_end2:
_tile_overlayer_lowered:
.L_overlay_start_2:
0x50b: {  	(tag) =	ssettag $0x2  }
0x50c: {  	s0 =	rddreg [dreg:$0x0];
	s2 =	stileid.u32  }
0x50d: {  	s1 =	rddreg [dreg:$0x1];
	p0 =	sne.s32 s2, $0x0  }
0x50e: {  	s3 =	rddreg [dreg:$0x2];
	[bflag:$0x3] =	sbarrier.arrive $0xFFFF;
	s2 =	simm.s32 @!p0 $0x1C02  }
0x50f: {  	[timem:s3], [sflag:s2] =	dma.local @!p0 [hbm:s0], s1  }
0x510: {  	s0 =	simm.s32 @!p0 $0x2  }
0x511: {  	_ =	swait.ge @!p0 [sflag:s0], s1  }
0x512: {  	s1 =	ssub.s32 @!p0 $0x0, s1;
	[sflag:s0] =	ssyncset.done @!p0 $0x0  }
0x513: {  	[sflag:s0] =	ssyncadd.s32 @!p0 s1  }
0x514: {  	[bflag:$0x3] =	sbarrier.arrive $0xFFFF  }
0x515: {  	_ =	shalt  }

</sc_bundles>
